<compile_context>
chip_gen: v7x
topology: tpu7x:2x2x1
jax: 0.10.2.dev20260603
libtpu: 0.0.44.dev20260713+nightly
codegen_flags: <defaults>
</compile_context>

<pallas_src>
import functools

import jax
import jax.numpy as jnp
from jax import lax
from jax.experimental import pallas as pl
from jax.experimental.pallas import tpu as pltpu
from jax.experimental.pallas import tpu_sc as plsc

_LANES = 16
_BLK = 128
_REPS = 32


@functools.cache
def _build(b: int, t: int, d: int):
    total = b * t
    info = plsc.get_sparse_core_info()
    n_workers = info.num_cores * info.num_subcores
    per_w = total // n_workers
    b_per_w = b // n_workers
    n_chunks = per_w // _BLK
    mesh = plsc.VectorSubcoreMesh(core_axis_name="c", subcore_axis_name="s")

    @functools.partial(
        pl.kernel,
        mesh=mesh,
        out_type=jax.ShapeDtypeStruct((b, t, 128), jnp.float32),
        scratch_types=[
            pltpu.VMEM((per_w,), jnp.int32),
            pltpu.VMEM((per_w, d), jnp.float32),
            pltpu.SemaphoreType.DMA,
            pltpu.SemaphoreType.DMA,
        ],
        compiler_params=pltpu.CompilerParams(use_tc_tiling_on_sc=False),
    )
    def gather_kernel(idx_hbm, cache_hbm, out_hbm, idx_v, rows_v, sem, sem_o):
        wid = lax.axis_index("s") * info.num_cores + lax.axis_index("c")
        base = wid * per_w
        b_base = wid * b_per_w
        pltpu.sync_copy(idx_hbm.at[pl.ds(base, per_w)], idx_v)

        rep_off = (wid % jnp.int32(_REPS)) * jnp.int32(t * d)

        copies = []
        for j in range(n_chunks):
            t_off = rep_off + jnp.int32((j % t) * d)
            for v in range(_BLK // _LANES):
                sl = pl.ds(j * _BLK + v * _LANES, _LANES)
                idx_v[sl] = idx_v[sl] + t_off
            sl = pl.ds(j * _BLK, _BLK)
            copies.append(
                pltpu.async_copy(cache_hbm.at[idx_v.at[sl]], rows_v.at[sl], sem)
            )
        outs = []
        for j in range(n_chunks):
            copies[j].wait()
            outs.append(
                pltpu.async_copy(
                    rows_v.at[pl.ds(j * _BLK, _BLK)],
                    out_hbm.at[
                        pl.ds(b_base + (j // t) * _BLK, _BLK), j % t, pl.ds(0, d)
                    ],
                    sem_o,
                )
            )
        for o in outs:
            o.wait()

    return gather_kernel


def kernel(idx, outputs):
    b, t = idx.shape
    d = outputs.shape[1]
    parts = []
    for p in range(t):
        stride = d**p
        if stride <= d:
            parts.append(
                lax.slice(outputs, (0, 0), ((d - 1) * stride + 1, d), (stride, 1))
            )
        else:
            parts.extend(
                lax.slice(outputs, (v * stride, 0), (v * stride + 1, d))
                for v in range(d)
            )
    cache = jnp.tile(jnp.concatenate(parts, axis=0), (_REPS, 1))
    idx_blocks = idx.reshape(b // _BLK, _BLK, t).transpose(0, 2, 1).reshape(-1)
    out_padded = _build(b, t, d)(idx_blocks, cache)
    return lax.slice(out_padded, (0, 0, 0), (b, t, d))

# --- scband reference (transcript-rebuilt; emitter-appended) ---
"""Pipeline reference for scband-dummy-model-2439541424701 (READ-ONLY COPY).

The authoritative reference and input builder live on the scoring server;
editing this copy changes nothing except your own understanding.
"""

import jax, jax.numpy as jnp
import numpy as np

BLOCK_SIZE = 4
VOCAB_SIZE = 32
BATCH = 16384


def setup_inputs(seed: int = 0) -> dict:
    key = jax.random.key(seed)
    k_idx, k_tab = jax.random.split(key)
    idx = jax.random.randint(k_idx, (BATCH, BLOCK_SIZE), 0, VOCAB_SIZE, dtype=jnp.int32)
    outputs = jax.random.normal(k_tab, (VOCAB_SIZE ** BLOCK_SIZE, VOCAB_SIZE), dtype=jnp.float32)
    return {"idx": idx, "outputs": outputs}


def reference(idx, outputs):
    b, t = idx.shape
    vocab = outputs.shape[1]
    # positional scaling: idx * vocab**position  (faithful to the torch module)
    scale = (vocab ** jnp.arange(t, dtype=jnp.int32)).reshape(1, t)
    scaled = idx * scale
    gathered = jnp.take(outputs, scaled.reshape(-1), axis=0)
    return gathered.reshape(b, t, vocab)

if __name__ == "__main__":
    import jax
    _d = setup_inputs()
    print(jax.jit(kernel)(*tuple(_d.values())))

</pallas_src>

<mosaic_0001>
#map = affine_map<(d0, d1) -> (0)>
#map1 = affine_map<(d0, d1) -> (0, 0)>
#map2 = affine_map<(d0, d1) -> (0, 0, 0)>
module attributes {stable_mosaic.version = 14 : i64} {
  func.func @gather_kernel(%arg0: i32, %arg1: i32, %arg2: memref<65536xi32, #tpu.memory_space<hbm>>, %arg3: memref<4096x32xf32, #tpu.memory_space<hbm>>, %arg4: memref<16384x4x128xf32, #tpu.memory_space<hbm>>, %arg5: memref<2048xi32, #tpu.memory_space<vmem>>, %arg6: memref<2048x32xf32, #tpu.memory_space<vmem>>, %arg7: memref<!tpu.dma_semaphore, #tpu.memory_space<semaphore_mem>>, %arg8: memref<!tpu.dma_semaphore, #tpu.memory_space<semaphore_mem>>) attributes {dimension_semantics = [#tpu.dimension_semantics<core_parallel>, #tpu.dimension_semantics<subcore_parallel>], iteration_bounds = array<i64: 2, 16>, scalar_prefetch = 0 : i64, scratch_operands = 4 : i64, tpu.core_type = #tpu.core_type<sc_vector_subcore>, window_params = [{transform_indices = #map}, {transform_indices = #map1}, {transform_indices = #map2}]} {
    %mul3A = arith.constant 2 : i32
    %mul3A_0 = arith.muli %arg1, %mul3A : i32
    %add3A = arith.addi %mul3A_0, %arg0 : i32
    %mul3A_1 = arith.constant 2048 : i32
    %mul3A_2 = arith.muli %add3A, %mul3A_1 : i32
    %mul3A_3 = arith.constant 512 : i32
    %mul3A_4 = arith.muli %add3A, %mul3A_3 : i32
    "tpu.region"() ({
      %run_scoped3A = tpu.sem_alloc : memref<!tpu.dma_semaphore, #tpu.memory_space<semaphore_mem>>
      %dma_start3A_1900 = tpu.memref_slice %arg2[%mul3A_2] : memref<65536xi32, #tpu.memory_space<hbm>> -> memref<2048xi32, #tpu.memory_space<hbm>>
      %dma_start3A_1901 = tpu.memref_slice %arg2[%mul3A_2] : memref<65536xi32, #tpu.memory_space<hbm>> -> memref<2048xi32, #tpu.memory_space<hbm>>
      tpu.enqueue_dma source(%dma_start3A_1901 : memref<2048xi32, #tpu.memory_space<hbm>>) target(%arg5 : memref<2048xi32, #tpu.memory_space<vmem>>) target_semaphore(%run_scoped3A : memref<!tpu.dma_semaphore, #tpu.memory_space<semaphore_mem>>)
      %dma_wait3A_1902 = tpu.memref_slice %arg2[%mul3A_2] : memref<65536xi32, #tpu.memory_space<hbm>> -> memref<2048xi32, #tpu.memory_space<hbm>>
      %dma_wait3A_1903 = tpu.memref_slice %arg2[%mul3A_2] : memref<65536xi32, #tpu.memory_space<hbm>> -> memref<2048xi32, #tpu.memory_space<hbm>>
      tpu.wait_dma2 semaphore(%run_scoped3A : memref<!tpu.dma_semaphore, #tpu.memory_space<semaphore_mem>>) src(%dma_wait3A_1903 : memref<2048xi32, #tpu.memory_space<hbm>>) dst(%arg5 : memref<2048xi32, #tpu.memory_space<vmem>>)
      tpu.yield
    }) : () -> ()
    %jit3A = arith.constant 32 : i32
    %eq3A = arith.constant 0 : i32
    %eq3A_5 = arith.cmpi eq, %jit3A, %eq3A : i32
    %jit3A_6 = arith.constant 1 : i32
    %select_n3A = arith.select %eq3A_5, %jit3A_6, %jit3A : i32
    %rem3A = arith.remsi %add3A, %select_n3A : i32
    %ne3A = arith.constant 0 : i32
    %ne3A_7 = arith.cmpi ne, %rem3A, %ne3A : i32
    %lt3A = arith.constant 0 : i32
    %lt3A_8 = arith.cmpi slt, %rem3A, %lt3A : i32
    %lt3A_9 = arith.constant 0 : i32
    %lt3A_10 = arith.cmpi slt, %select_n3A, %lt3A_9 : i32
    %ne3A_11 = arith.xori %lt3A_8, %lt3A_10 : i1
    %and3A = arith.andi %ne3A_11, %ne3A_7 : i1
    %add3A_12 = arith.addi %rem3A, %select_n3A : i32
    %select_n3A_13 = arith.select %and3A, %add3A_12, %rem3A : i32
    %mul3A_14 = arith.constant 128 : i32
    %mul3A_15 = arith.muli %select_n3A_13, %mul3A_14 : i32
    %add3A_16 = arith.constant 0 : i32
    %add3A_17 = arith.addi %mul3A_15, %add3A_16 : i32
    %get3A = arith.constant 0 : index
    %get3A_18 = tpu.vector_load %arg5[%get3A] {strides = array<i32>} : memref<2048xi32, #tpu.memory_space<vmem>>, vector<16xi32>,
    %get3A_19 = vector.shape_cast %get3A_18 : vector<16xi32> to vector<16xi32>
    %add3A_20 = vector.broadcast %add3A_17 : i32 to vector<16xi32>
    %add3A_21 = arith.addi %get3A_19, %add3A_20 : vector<16xi32>
    %swap3A = arith.constant 0 : index
    %swap3A_22 = tpu.vector_load %arg5[%swap3A] {strides = array<i32>} : memref<2048xi32, #tpu.memory_space<vmem>>, vector<16xi32>,
    %swap3A_23 = vector.shape_cast %swap3A_22 : vector<16xi32> to vector<16xi32>
    %swap3A_24 = vector.shape_cast %add3A_21 : vector<16xi32> to vector<16xi32>
    tpu.vector_store %arg5[%swap3A], %swap3A_24 {strides = array<i32>} : memref<2048xi32, #tpu.memory_space<vmem>>, vector<16xi32>,
    %get3A_25 = arith.constant 16 : index
    %get3A_26 = tpu.vector_load %arg5[%get3A_25] {strides = array<i32>} : memref<2048xi32, #tpu.memory_space<vmem>>, vector<16xi32>,
    %get3A_27 = vector.shape_cast %get3A_26 : vector<16xi32> to vector<16xi32>
    %add3A_28 = vector.broadcast %add3A_17 : i32 to vector<16xi32>
    %add3A_29 = arith.addi %get3A_27, %add3A_28 : vector<16xi32>
    %swap3A_30 = arith.constant 16 : index
    %swap3A_31 = tpu.vector_load %arg5[%swap3A_30] {strides = array<i32>} : memref<2048xi32, #tpu.memory_space<vmem>>, vector<16xi32>,
    %swap3A_32 = vector.shape_cast %swap3A_31 : vector<16xi32> to vector<16xi32>
    %swap3A_33 = vector.shape_cast %add3A_29 : vector<16xi32> to vector<16xi32>
    tpu.vector_store %arg5[%swap3A_30], %swap3A_33 {strides = array<i32>} : memref<2048xi32, #tpu.memory_space<vmem>>, vector<16xi32>,
    %get3A_34 = arith.constant 32 : index
    %get3A_35 = tpu.vector_load %arg5[%get3A_34] {strides = array<i32>} : memref<2048xi32, #tpu.memory_space<vmem>>, vector<16xi32>,
    %get3A_36 = vector.shape_cast %get3A_35 : vector<16xi32> to vector<16xi32>
    %add3A_37 = vector.broadcast %add3A_17 : i32 to vector<16xi32>
    %add3A_38 = arith.addi %get3A_36, %add3A_37 : vector<16xi32>
    %swap3A_39 = arith.constant 32 : index
    %swap3A_40 = tpu.vector_load %arg5[%swap3A_39] {strides = array<i32>} : memref<2048xi32, #tpu.memory_space<vmem>>, vector<16xi32>,
    %swap3A_41 = vector.shape_cast %swap3A_40 : vector<16xi32> to vector<16xi32>
    %swap3A_42 = vector.shape_cast %add3A_38 : vector<16xi32> to vector<16xi32>
    tpu.vector_store %arg5[%swap3A_39], %swap3A_42 {strides = array<i32>} : memref<2048xi32, #tpu.memory_space<vmem>>, vector<16xi32>,
    %get3A_43 = arith.constant 48 : index
    %get3A_44 = tpu.vector_load %arg5[%get3A_43] {strides = array<i32>} : memref<2048xi32, #tpu.memory_space<vmem>>, vector<16xi32>,
    %get3A_45 = vector.shape_cast %get3A_44 : vector<16xi32> to vector<16xi32>
    %add3A_46 = vector.broadcast %add3A_17 : i32 to vector<16xi32>
    %add3A_47 = arith.addi %get3A_45, %add3A_46 : vector<16xi32>
    %swap3A_48 = arith.constant 48 : index
    %swap3A_49 = tpu.vector_load %arg5[%swap3A_48] {strides = array<i32>} : memref<2048xi32, #tpu.memory_space<vmem>>, vector<16xi32>,
    %swap3A_50 = vector.shape_cast %swap3A_49 : vector<16xi32> to vector<16xi32>
    %swap3A_51 = vector.shape_cast %add3A_47 : vector<16xi32> to vector<16xi32>
    tpu.vector_store %arg5[%swap3A_48], %swap3A_51 {strides = array<i32>} : memref<2048xi32, #tpu.memory_space<vmem>>, vector<16xi32>,
    %get3A_52 = arith.constant 64 : index
    %get3A_53 = tpu.vector_load %arg5[%get3A_52] {strides = array<i32>} : memref<2048xi32, #tpu.memory_space<vmem>>, vector<16xi32>,
    %get3A_54 = vector.shape_cast %get3A_53 : vector<16xi32> to vector<16xi32>
    %add3A_55 = vector.broadcast %add3A_17 : i32 to vector<16xi32>
    %add3A_56 = arith.addi %get3A_54, %add3A_55 : vector<16xi32>
    %swap3A_57 = arith.constant 64 : index
    %swap3A_58 = tpu.vector_load %arg5[%swap3A_57] {strides = array<i32>} : memref<2048xi32, #tpu.memory_space<vmem>>, vector<16xi32>,
    %swap3A_59 = vector.shape_cast %swap3A_58 : vector<16xi32> to vector<16xi32>
    %swap3A_60 = vector.shape_cast %add3A_56 : vector<16xi32> to vector<16xi32>
    tpu.vector_store %arg5[%swap3A_57], %swap3A_60 {strides = array<i32>} : memref<2048xi32, #tpu.memory_space<vmem>>, vector<16xi32>,
    %get3A_61 = arith.constant 80 : index
    %get3A_62 = tpu.vector_load %arg5[%get3A_61] {strides = array<i32>} : memref<2048xi32, #tpu.memory_space<vmem>>, vector<16xi32>,
    %get3A_63 = vector.shape_cast %get3A_62 : vector<16xi32> to vector<16xi32>
    %add3A_64 = vector.broadcast %add3A_17 : i32 to vector<16xi32>
    %add3A_65 = arith.addi %get3A_63, %add3A_64 : vector<16xi32>
    %swap3A_66 = arith.constant 80 : index
    %swap3A_67 = tpu.vector_load %arg5[%swap3A_66] {strides = array<i32>} : memref<2048xi32, #tpu.memory_space<vmem>>, vector<16xi32>,
    %swap3A_68 = vector.shape_cast %swap3A_67 : vector<16xi32> to vector<16xi32>
    %swap3A_69 = vector.shape_cast %add3A_65 : vector<16xi32> to vector<16xi32>
    tpu.vector_store %arg5[%swap3A_66], %swap3A_69 {strides = array<i32>} : memref<2048xi32, #tpu.memory_space<vmem>>, vector<16xi32>,
    %get3A_70 = arith.constant 96 : index
    %get3A_71 = tpu.vector_load %arg5[%get3A_70] {strides = array<i32>} : memref<2048xi32, #tpu.memory_space<vmem>>, vector<16xi32>,
    %get3A_72 = vector.shape_cast %get3A_71 : vector<16xi32> to vector<16xi32>
    %add3A_73 = vector.broadcast %add3A_17 : i32 to vector<16xi32>
    %add3A_74 = arith.addi %get3A_72, %add3A_73 : vector<16xi32>
    %swap3A_75 = arith.constant 96 : index
    %swap3A_76 = tpu.vector_load %arg5[%swap3A_75] {strides = array<i32>} : memref<2048xi32, #tpu.memory_space<vmem>>, vector<16xi32>,
    %swap3A_77 = vector.shape_cast %swap3A_76 : vector<16xi32> to vector<16xi32>
    %swap3A_78 = vector.shape_cast %add3A_74 : vector<16xi32> to vector<16xi32>
    tpu.vector_store %arg5[%swap3A_75], %swap3A_78 {strides = array<i32>} : memref<2048xi32, #tpu.memory_space<vmem>>, vector<16xi32>,
    %get3A_79 = arith.constant 112 : index
    %get3A_80 = tpu.vector_load %arg5[%get3A_79] {strides = array<i32>} : memref<2048xi32, #tpu.memory_space<vmem>>, vector<16xi32>,
    %get3A_81 = vector.shape_cast %get3A_80 : vector<16xi32> to vector<16xi32>
    %add3A_82 = vector.broadcast %add3A_17 : i32 to vector<16xi32>
    %add3A_83 = arith.addi %get3A_81, %add3A_82 : vector<16xi32>
    %swap3A_84 = arith.constant 112 : index
    %swap3A_85 = tpu.vector_load %arg5[%swap3A_84] {strides = array<i32>} : memref<2048xi32, #tpu.memory_space<vmem>>, vector<16xi32>,
    %swap3A_86 = vector.shape_cast %swap3A_85 : vector<16xi32> to vector<16xi32>
    %swap3A_87 = vector.shape_cast %add3A_83 : vector<16xi32> to vector<16xi32>
    tpu.vector_store %arg5[%swap3A_84], %swap3A_87 {strides = array<i32>} : memref<2048xi32, #tpu.memory_space<vmem>>, vector<16xi32>,
    %dma_start3A = arith.constant 0 : i32
    %dma_start3A_88 = arith.constant 0 : i32
    %dma_start3A_89 = tpu.memref_slice %arg6[%dma_start3A, %dma_start3A_88] : memref<2048x32xf32, #tpu.memory_space<vmem>> -> memref<128x32xf32, #tpu.memory_space<vmem>>
    %dma_start3A_90 = arith.constant 0 : i32
    %dma_start3A_91 = tpu.memref_slice %arg5[%dma_start3A_90] : memref<2048xi32, #tpu.memory_space<vmem>> -> memref<128xi32, #tpu.memory_space<vmem>>
    %dma_start3A_92 = arith.constant 0 : i32
    %dma_start3A_93 = arith.constant 0 : i32
    %dma_start3A_94 = tpu.memref_slice %arg3[%dma_start3A_92, %dma_start3A_93] : memref<4096x32xf32, #tpu.memory_space<hbm>> -> memref<4096x32xf32, #tpu.memory_space<hbm>>
    tpu.enqueue_indirect_dma source(%dma_start3A_94 : memref<4096x32xf32, #tpu.memory_space<hbm>>) target(%dma_start3A_89 : memref<128x32xf32, #tpu.memory_space<vmem>>) offsets(%dma_start3A_91 : memref<128xi32, #tpu.memory_space<vmem>>) semaphore(%arg7 : memref<!tpu.dma_semaphore, #tpu.memory_space<semaphore_mem>>)
    %add3A_95 = arith.constant 32 : i32
    %add3A_96 = arith.addi %mul3A_15, %add3A_95 : i32
    %get3A_97 = arith.constant 128 : index
    %get3A_98 = tpu.vector_load %arg5[%get3A_97] {strides = array<i32>} : memref<2048xi32, #tpu.memory_space<vmem>>, vector<16xi32>,
    %get3A_99 = vector.shape_cast %get3A_98 : vector<16xi32> to vector<16xi32>
    %add3A_100 = vector.broadcast %add3A_96 : i32 to vector<16xi32>
    %add3A_101 = arith.addi %get3A_99, %add3A_100 : vector<16xi32>
    %swap3A_102 = arith.constant 128 : index
    %swap3A_103 = tpu.vector_load %arg5[%swap3A_102] {strides = array<i32>} : memref<2048xi32, #tpu.memory_space<vmem>>, vector<16xi32>,
    %swap3A_104 = vector.shape_cast %swap3A_103 : vector<16xi32> to vector<16xi32>
    %swap3A_105 = vector.shape_cast %add3A_101 : vector<16xi32> to vector<16xi32>
    tpu.vector_store %arg5[%swap3A_102], %swap3A_105 {strides = array<i32>} : memref<2048xi32, #tpu.memory_space<vmem>>, vector<16xi32>,
    %get3A_106 = arith.constant 144 : index
    %get3A_107 = tpu.vector_load %arg5[%get3A_106] {strides = array<i32>} : memref<2048xi32, #tpu.memory_space<vmem>>, vector<16xi32>,
    %get3A_108 = vector.shape_cast %get3A_107 : vector<16xi32> to vector<16xi32>
    %add3A_109 = vector.broadcast %add3A_96 : i32 to vector<16xi32>
    %add3A_110 = arith.addi %get3A_108, %add3A_109 : vector<16xi32>
    %swap3A_111 = arith.constant 144 : index
    %swap3A_112 = tpu.vector_load %arg5[%swap3A_111] {strides = array<i32>} : memref<2048xi32, #tpu.memory_space<vmem>>, vector<16xi32>,
    %swap3A_113 = vector.shape_cast %swap3A_112 : vector<16xi32> to vector<16xi32>
    %swap3A_114 = vector.shape_cast %add3A_110 : vector<16xi32> to vector<16xi32>
    tpu.vector_store %arg5[%swap3A_111], %swap3A_114 {strides = array<i32>} : memref<2048xi32, #tpu.memory_space<vmem>>, vector<16xi32>,
    %get3A_115 = arith.constant 160 : index
    %get3A_116 = tpu.vector_load %arg5[%get3A_115] {strides = array<i32>} : memref<2048xi32, #tpu.memory_space<vmem>>, vector<16xi32>,
    %get3A_117 = vector.shape_cast %get3A_116 : vector<16xi32> to vector<16xi32>
    %add3A_118 = vector.broadcast %add3A_96 : i32 to vector<16xi32>
    %add3A_119 = arith.addi %get3A_117, %add3A_118 : vector<16xi32>
    %swap3A_120 = arith.constant 160 : index
    %swap3A_121 = tpu.vector_load %arg5[%swap3A_120] {strides = array<i32>} : memref<2048xi32, #tpu.memory_space<vmem>>, vector<16xi32>,
    %swap3A_122 = vector.shape_cast %swap3A_121 : vector<16xi32> to vector<16xi32>
    %swap3A_123 = vector.shape_cast %add3A_119 : vector<16xi32> to vector<16xi32>
    tpu.vector_store %arg5[%swap3A_120], %swap3A_123 {strides = array<i32>} : memref<2048xi32, #tpu.memory_space<vmem>>, vector<16xi32>,
    %get3A_124 = arith.constant 176 : index
    %get3A_125 = tpu.vector_load %arg5[%get3A_124] {strides = array<i32>} : memref<2048xi32, #tpu.memory_space<vmem>>, vector<16xi32>,
    %get3A_126 = vector.shape_cast %get3A_125 : vector<16xi32> to vector<16xi32>
    %add3A_127 = vector.broadcast %add3A_96 : i32 to vector<16xi32>
    %add3A_128 = arith.addi %get3A_126, %add3A_127 : vector<16xi32>
    %swap3A_129 = arith.constant 176 : index
    %swap3A_130 = tpu.vector_load %arg5[%swap3A_129] {strides = array<i32>} : memref<2048xi32, #tpu.memory_space<vmem>>, vector<16xi32>,
    %swap3A_131 = vector.shape_cast %swap3A_130 : vector<16xi32> to vector<16xi32>
    %swap3A_132 = vector.shape_cast %add3A_128 : vector<16xi32> to vector<16xi32>
    tpu.vector_store %arg5[%swap3A_129], %swap3A_132 {strides = array<i32>} : memref<2048xi32, #tpu.memory_space<vmem>>, vector<16xi32>,
    %get3A_133 = arith.constant 192 : index
    %get3A_134 = tpu.vector_load %arg5[%get3A_133] {strides = array<i32>} : memref<2048xi32, #tpu.memory_space<vmem>>, vector<16xi32>,
    %get3A_135 = vector.shape_cast %get3A_134 : vector<16xi32> to vector<16xi32>
    %add3A_136 = vector.broadcast %add3A_96 : i32 to vector<16xi32>
    %add3A_137 = arith.addi %get3A_135, %add3A_136 : vector<16xi32>
    %swap3A_138 = arith.constant 192 : index
    %swap3A_139 = tpu.vector_load %arg5[%swap3A_138] {strides = array<i32>} : memref<2048xi32, #tpu.memory_space<vmem>>, vector<16xi32>,
    %swap3A_140 = vector.shape_cast %swap3A_139 : vector<16xi32> to vector<16xi32>
    %swap3A_141 = vector.shape_cast %add3A_137 : vector<16xi32> to vector<16xi32>
    tpu.vector_store %arg5[%swap3A_138], %swap3A_141 {strides = array<i32>} : memref<2048xi32, #tpu.memory_space<vmem>>, vector<16xi32>,
    %get3A_142 = arith.constant 208 : index
    %get3A_143 = tpu.vector_load %arg5[%get3A_142] {strides = array<i32>} : memref<2048xi32, #tpu.memory_space<vmem>>, vector<16xi32>,
    %get3A_144 = vector.shape_cast %get3A_143 : vector<16xi32> to vector<16xi32>
    %add3A_145 = vector.broadcast %add3A_96 : i32 to vector<16xi32>
    %add3A_146 = arith.addi %get3A_144, %add3A_145 : vector<16xi32>
    %swap3A_147 = arith.constant 208 : index
    %swap3A_148 = tpu.vector_load %arg5[%swap3A_147] {strides = array<i32>} : memref<2048xi32, #tpu.memory_space<vmem>>, vector<16xi32>,
    %swap3A_149 = vector.shape_cast %swap3A_148 : vector<16xi32> to vector<16xi32>
    %swap3A_150 = vector.shape_cast %add3A_146 : vector<16xi32> to vector<16xi32>
    tpu.vector_store %arg5[%swap3A_147], %swap3A_150 {strides = array<i32>} : memref<2048xi32, #tpu.memory_space<vmem>>, vector<16xi32>,
    %get3A_151 = arith.constant 224 : index
    %get3A_152 = tpu.vector_load %arg5[%get3A_151] {strides = array<i32>} : memref<2048xi32, #tpu.memory_space<vmem>>, vector<16xi32>,
    %get3A_153 = vector.shape_cast %get3A_152 : vector<16xi32> to vector<16xi32>
    %add3A_154 = vector.broadcast %add3A_96 : i32 to vector<16xi32>
    %add3A_155 = arith.addi %get3A_153, %add3A_154 : vector<16xi32>
    %swap3A_156 = arith.constant 224 : index
    %swap3A_157 = tpu.vector_load %arg5[%swap3A_156] {strides = array<i32>} : memref<2048xi32, #tpu.memory_space<vmem>>, vector<16xi32>,
    %swap3A_158 = vector.shape_cast %swap3A_157 : vector<16xi32> to vector<16xi32>
    %swap3A_159 = vector.shape_cast %add3A_155 : vector<16xi32> to vector<16xi32>
    tpu.vector_store %arg5[%swap3A_156], %swap3A_159 {strides = array<i32>} : memref<2048xi32, #tpu.memory_space<vmem>>, vector<16xi32>,
    %get3A_160 = arith.constant 240 : index
    %get3A_161 = tpu.vector_load %arg5[%get3A_160] {strides = array<i32>} : memref<2048xi32, #tpu.memory_space<vmem>>, vector<16xi32>,
    %get3A_162 = vector.shape_cast %get3A_161 : vector<16xi32> to vector<16xi32>
    %add3A_163 = vector.broadcast %add3A_96 : i32 to vector<16xi32>
    %add3A_164 = arith.addi %get3A_162, %add3A_163 : vector<16xi32>
    %swap3A_165 = arith.constant 240 : index
    %swap3A_166 = tpu.vector_load %arg5[%swap3A_165] {strides = array<i32>} : memref<2048xi32, #tpu.memory_space<vmem>>, vector<16xi32>,
    %swap3A_167 = vector.shape_cast %swap3A_166 : vector<16xi32> to vector<16xi32>
    %swap3A_168 = vector.shape_cast %add3A_164 : vector<16xi32> to vector<16xi32>
    tpu.vector_store %arg5[%swap3A_165], %swap3A_168 {strides = array<i32>} : memref<2048xi32, #tpu.memory_space<vmem>>, vector<16xi32>,
    %dma_start3A_169 = arith.constant 128 : i32
    %dma_start3A_170 = arith.constant 0 : i32
    %dma_start3A_171 = tpu.memref_slice %arg6[%dma_start3A_169, %dma_start3A_170] : memref<2048x32xf32, #tpu.memory_space<vmem>> -> memref<128x32xf32, #tpu.memory_space<vmem>>
    %dma_start3A_172 = arith.constant 128 : i32
    %dma_start3A_173 = tpu.memref_slice %arg5[%dma_start3A_172] : memref<2048xi32, #tpu.memory_space<vmem>> -> memref<128xi32, #tpu.memory_space<vmem>>
    %dma_start3A_174 = arith.constant 0 : i32
    %dma_start3A_175 = arith.constant 0 : i32
    %dma_start3A_176 = tpu.memref_slice %arg3[%dma_start3A_174, %dma_start3A_175] : memref<4096x32xf32, #tpu.memory_space<hbm>> -> memref<4096x32xf32, #tpu.memory_space<hbm>>
    tpu.enqueue_indirect_dma source(%dma_start3A_176 : memref<4096x32xf32, #tpu.memory_space<hbm>>) target(%dma_start3A_171 : memref<128x32xf32, #tpu.memory_space<vmem>>) offsets(%dma_start3A_173 : memref<128xi32, #tpu.memory_space<vmem>>) semaphore(%arg7 : memref<!tpu.dma_semaphore, #tpu.memory_space<semaphore_mem>>)
    %add3A_177 = arith.constant 64 : i32
    %add3A_178 = arith.addi %mul3A_15, %add3A_177 : i32
    %get3A_179 = arith.constant 256 : index
    %get3A_180 = tpu.vector_load %arg5[%get3A_179] {strides = array<i32>} : memref<2048xi32, #tpu.memory_space<vmem>>, vector<16xi32>,
    %get3A_181 = vector.shape_cast %get3A_180 : vector<16xi32> to vector<16xi32>
    %add3A_182 = vector.broadcast %add3A_178 : i32 to vector<16xi32>
    %add3A_183 = arith.addi %get3A_181, %add3A_182 : vector<16xi32>
    %swap3A_184 = arith.constant 256 : index
    %swap3A_185 = tpu.vector_load %arg5[%swap3A_184] {strides = array<i32>} : memref<2048xi32, #tpu.memory_space<vmem>>, vector<16xi32>,
    %swap3A_186 = vector.shape_cast %swap3A_185 : vector<16xi32> to vector<16xi32>
    %swap3A_187 = vector.shape_cast %add3A_183 : vector<16xi32> to vector<16xi32>
    tpu.vector_store %arg5[%swap3A_184], %swap3A_187 {strides = array<i32>} : memref<2048xi32, #tpu.memory_space<vmem>>, vector<16xi32>,
    %get3A_188 = arith.constant 272 : index
    %get3A_189 = tpu.vector_load %arg5[%get3A_188] {strides = array<i32>} : memref<2048xi32, #tpu.memory_space<vmem>>, vector<16xi32>,
    %get3A_190 = vector.shape_cast %get3A_189 : vector<16xi32> to vector<16xi32>
    %add3A_191 = vector.broadcast %add3A_178 : i32 to vector<16xi32>
    %add3A_192 = arith.addi %get3A_190, %add3A_191 : vector<16xi32>
    %swap3A_193 = arith.constant 272 : index
    %swap3A_194 = tpu.vector_load %arg5[%swap3A_193] {strides = array<i32>} : memref<2048xi32, #tpu.memory_space<vmem>>, vector<16xi32>,
    %swap3A_195 = vector.shape_cast %swap3A_194 : vector<16xi32> to vector<16xi32>
    %swap3A_196 = vector.shape_cast %add3A_192 : vector<16xi32> to vector<16xi32>
    tpu.vector_store %arg5[%swap3A_193], %swap3A_196 {strides = array<i32>} : memref<2048xi32, #tpu.memory_space<vmem>>, vector<16xi32>,
    %get3A_197 = arith.constant 288 : index
    %get3A_198 = tpu.vector_load %arg5[%get3A_197] {strides = array<i32>} : memref<2048xi32, #tpu.memory_space<vmem>>, vector<16xi32>,
    %get3A_199 = vector.shape_cast %get3A_198 : vector<16xi32> to vector<16xi32>
    %add3A_200 = vector.broadcast %add3A_178 : i32 to vector<16xi32>
    %add3A_201 = arith.addi %get3A_199, %add3A_200 : vector<16xi32>
    %swap3A_202 = arith.constant 288 : index
    %swap3A_203 = tpu.vector_load %arg5[%swap3A_202] {strides = array<i32>} : memref<2048xi32, #tpu.memory_space<vmem>>, vector<16xi32>,
    %swap3A_204 = vector.shape_cast %swap3A_203 : vector<16xi32> to vector<16xi32>
    %swap3A_205 = vector.shape_cast %add3A_201 : vector<16xi32> to vector<16xi32>
    tpu.vector_store %arg5[%swap3A_202], %swap3A_205 {strides = array<i32>} : memref<2048xi32, #tpu.memory_space<vmem>>, vector<16xi32>,
    %get3A_206 = arith.constant 304 : index
    %get3A_207 = tpu.vector_load %arg5[%get3A_206] {strides = array<i32>} : memref<2048xi32, #tpu.memory_space<vmem>>, vector<16xi32>,
    %get3A_208 = vector.shape_cast %get3A_207 : vector<16xi32> to vector<16xi32>
    %add3A_209 = vector.broadcast %add3A_178 : i32 to vector<16xi32>
    %add3A_210 = arith.addi %get3A_208, %add3A_209 : vector<16xi32>
    %swap3A_211 = arith.constant 304 : index
    %swap3A_212 = tpu.vector_load %arg5[%swap3A_211] {strides = array<i32>} : memref<2048xi32, #tpu.memory_space<vmem>>, vector<16xi32>,
    %swap3A_213 = vector.shape_cast %swap3A_212 : vector<16xi32> to vector<16xi32>
    %swap3A_214 = vector.shape_cast %add3A_210 : vector<16xi32> to vector<16xi32>
    tpu.vector_store %arg5[%swap3A_211], %swap3A_214 {strides = array<i32>} : memref<2048xi32, #tpu.memory_space<vmem>>, vector<16xi32>,
    %get3A_215 = arith.constant 320 : index
    %get3A_216 = tpu.vector_load %arg5[%get3A_215] {strides = array<i32>} : memref<2048xi32, #tpu.memory_space<vmem>>, vector<16xi32>,
    %get3A_217 = vector.shape_cast %get3A_216 : vector<16xi32> to vector<16xi32>
    %add3A_218 = vector.broadcast %add3A_178 : i32 to vector<16xi32>
    %add3A_219 = arith.addi %get3A_217, %add3A_218 : vector<16xi32>
    %swap3A_220 = arith.constant 320 : index
    %swap3A_221 = tpu.vector_load %arg5[%swap3A_220] {strides = array<i32>} : memref<2048xi32, #tpu.memory_space<vmem>>, vector<16xi32>,
    %swap3A_222 = vector.shape_cast %swap3A_221 : vector<16xi32> to vector<16xi32>
    %swap3A_223 = vector.shape_cast %add3A_219 : vector<16xi32> to vector<16xi32>
    tpu.vector_store %arg5[%swap3A_220], %swap3A_223 {strides = array<i32>} : memref<2048xi32, #tpu.memory_space<vmem>>, vector<16xi32>,
    %get3A_224 = arith.constant 336 : index
    %get3A_225 = tpu.vector_load %arg5[%get3A_224] {strides = array<i32>} : memref<2048xi32, #tpu.memory_space<vmem>>, vector<16xi32>,
    %get3A_226 = vector.shape_cast %get3A_225 : vector<16xi32> to vector<16xi32>
    %add3A_227 = vector.broadcast %add3A_178 : i32 to vector<16xi32>
    %add3A_228 = arith.addi %get3A_226, %add3A_227 : vector<16xi32>
    %swap3A_229 = arith.constant 336 : index
    %swap3A_230 = tpu.vector_load %arg5[%swap3A_229] {strides = array<i32>} : memref<2048xi32, #tpu.memory_space<vmem>>, vector<16xi32>,
    %swap3A_231 = vector.shape_cast %swap3A_230 : vector<16xi32> to vector<16xi32>
    %swap3A_232 = vector.shape_cast %add3A_228 : vector<16xi32> to vector<16xi32>
    tpu.vector_store %arg5[%swap3A_229], %swap3A_232 {strides = array<i32>} : memref<2048xi32, #tpu.memory_space<vmem>>, vector<16xi32>,
    %get3A_233 = arith.constant 352 : index
    %get3A_234 = tpu.vector_load %arg5[%get3A_233] {strides = array<i32>} : memref<2048xi32, #tpu.memory_space<vmem>>, vector<16xi32>,
    %get3A_235 = vector.shape_cast %get3A_234 : vector<16xi32> to vector<16xi32>
    %add3A_236 = vector.broadcast %add3A_178 : i32 to vector<16xi32>
    %add3A_237 = arith.addi %get3A_235, %add3A_236 : vector<16xi32>
    %swap3A_238 = arith.constant 352 : index
    %swap3A_239 = tpu.vector_load %arg5[%swap3A_238] {strides = array<i32>} : memref<2048xi32, #tpu.memory_space<vmem>>, vector<16xi32>,
    %swap3A_240 = vector.shape_cast %swap3A_239 : vector<16xi32> to vector<16xi32>
    %swap3A_241 = vector.shape_cast %add3A_237 : vector<16xi32> to vector<16xi32>
    tpu.vector_store %arg5[%swap3A_238], %swap3A_241 {strides = array<i32>} : memref<2048xi32, #tpu.memory_space<vmem>>, vector<16xi32>,
    %get3A_242 = arith.constant 368 : index
    %get3A_243 = tpu.vector_load %arg5[%get3A_242] {strides = array<i32>} : memref<2048xi32, #tpu.memory_space<vmem>>, vector<16xi32>,
    %get3A_244 = vector.shape_cast %get3A_243 : vector<16xi32> to vector<16xi32>
    %add3A_245 = vector.broadcast %add3A_178 : i32 to vector<16xi32>
    %add3A_246 = arith.addi %get3A_244, %add3A_245 : vector<16xi32>
    %swap3A_247 = arith.constant 368 : index
    %swap3A_248 = tpu.vector_load %arg5[%swap3A_247] {strides = array<i32>} : memref<2048xi32, #tpu.memory_space<vmem>>, vector<16xi32>,
    %swap3A_249 = vector.shape_cast %swap3A_248 : vector<16xi32> to vector<16xi32>
    %swap3A_250 = vector.shape_cast %add3A_246 : vector<16xi32> to vector<16xi32>
    tpu.vector_store %arg5[%swap3A_247], %swap3A_250 {strides = array<i32>} : memref<2048xi32, #tpu.memory_space<vmem>>, vector<16xi32>,
    %dma_start3A_251 = arith.constant 256 : i32
    %dma_start3A_252 = arith.constant 0 : i32
    %dma_start3A_253 = tpu.memref_slice %arg6[%dma_start3A_251, %dma_start3A_252] : memref<2048x32xf32, #tpu.memory_space<vmem>> -> memref<128x32xf32, #tpu.memory_space<vmem>>
    %dma_start3A_254 = arith.constant 256 : i32
    %dma_start3A_255 = tpu.memref_slice %arg5[%dma_start3A_254] : memref<2048xi32, #tpu.memory_space<vmem>> -> memref<128xi32, #tpu.memory_space<vmem>>
    %dma_start3A_256 = arith.constant 0 : i32
    %dma_start3A_257 = arith.constant 0 : i32
    %dma_start3A_258 = tpu.memref_slice %arg3[%dma_start3A_256, %dma_start3A_257] : memref<4096x32xf32, #tpu.memory_space<hbm>> -> memref<4096x32xf32, #tpu.memory_space<hbm>>
    tpu.enqueue_indirect_dma source(%dma_start3A_258 : memref<4096x32xf32, #tpu.memory_space<hbm>>) target(%dma_start3A_253 : memref<128x32xf32, #tpu.memory_space<vmem>>) offsets(%dma_start3A_255 : memref<128xi32, #tpu.memory_space<vmem>>) semaphore(%arg7 : memref<!tpu.dma_semaphore, #tpu.memory_space<semaphore_mem>>)
    %add3A_259 = arith.constant 96 : i32
    %add3A_260 = arith.addi %mul3A_15, %add3A_259 : i32
    %get3A_261 = arith.constant 384 : index
    %get3A_262 = tpu.vector_load %arg5[%get3A_261] {strides = array<i32>} : memref<2048xi32, #tpu.memory_space<vmem>>, vector<16xi32>,
    %get3A_263 = vector.shape_cast %get3A_262 : vector<16xi32> to vector<16xi32>
    %add3A_264 = vector.broadcast %add3A_260 : i32 to vector<16xi32>
    %add3A_265 = arith.addi %get3A_263, %add3A_264 : vector<16xi32>
    %swap3A_266 = arith.constant 384 : index
    %swap3A_267 = tpu.vector_load %arg5[%swap3A_266] {strides = array<i32>} : memref<2048xi32, #tpu.memory_space<vmem>>, vector<16xi32>,
    %swap3A_268 = vector.shape_cast %swap3A_267 : vector<16xi32> to vector<16xi32>
    %swap3A_269 = vector.shape_cast %add3A_265 : vector<16xi32> to vector<16xi32>
    tpu.vector_store %arg5[%swap3A_266], %swap3A_269 {strides = array<i32>} : memref<2048xi32, #tpu.memory_space<vmem>>, vector<16xi32>,
    %get3A_270 = arith.constant 400 : index
    %get3A_271 = tpu.vector_load %arg5[%get3A_270] {strides = array<i32>} : memref<2048xi32, #tpu.memory_space<vmem>>, vector<16xi32>,
    %get3A_272 = vector.shape_cast %get3A_271 : vector<16xi32> to vector<16xi32>
    %add3A_273 = vector.broadcast %add3A_260 : i32 to vector<16xi32>
    %add3A_274 = arith.addi %get3A_272, %add3A_273 : vector<16xi32>
    %swap3A_275 = arith.constant 400 : index
    %swap3A_276 = tpu.vector_load %arg5[%swap3A_275] {strides = array<i32>} : memref<2048xi32, #tpu.memory_space<vmem>>, vector<16xi32>,
    %swap3A_277 = vector.shape_cast %swap3A_276 : vector<16xi32> to vector<16xi32>
    %swap3A_278 = vector.shape_cast %add3A_274 : vector<16xi32> to vector<16xi32>
    tpu.vector_store %arg5[%swap3A_275], %swap3A_278 {strides = array<i32>} : memref<2048xi32, #tpu.memory_space<vmem>>, vector<16xi32>,
    %get3A_279 = arith.constant 416 : index
    %get3A_280 = tpu.vector_load %arg5[%get3A_279] {strides = array<i32>} : memref<2048xi32, #tpu.memory_space<vmem>>, vector<16xi32>,
    %get3A_281 = vector.shape_cast %get3A_280 : vector<16xi32> to vector<16xi32>
    %add3A_282 = vector.broadcast %add3A_260 : i32 to vector<16xi32>
    %add3A_283 = arith.addi %get3A_281, %add3A_282 : vector<16xi32>
    %swap3A_284 = arith.constant 416 : index
    %swap3A_285 = tpu.vector_load %arg5[%swap3A_284] {strides = array<i32>} : memref<2048xi32, #tpu.memory_space<vmem>>, vector<16xi32>,
    %swap3A_286 = vector.shape_cast %swap3A_285 : vector<16xi32> to vector<16xi32>
    %swap3A_287 = vector.shape_cast %add3A_283 : vector<16xi32> to vector<16xi32>
    tpu.vector_store %arg5[%swap3A_284], %swap3A_287 {strides = array<i32>} : memref<2048xi32, #tpu.memory_space<vmem>>, vector<16xi32>,
    %get3A_288 = arith.constant 432 : index
    %get3A_289 = tpu.vector_load %arg5[%get3A_288] {strides = array<i32>} : memref<2048xi32, #tpu.memory_space<vmem>>, vector<16xi32>,
    %get3A_290 = vector.shape_cast %get3A_289 : vector<16xi32> to vector<16xi32>
    %add3A_291 = vector.broadcast %add3A_260 : i32 to vector<16xi32>
    %add3A_292 = arith.addi %get3A_290, %add3A_291 : vector<16xi32>
    %swap3A_293 = arith.constant 432 : index
    %swap3A_294 = tpu.vector_load %arg5[%swap3A_293] {strides = array<i32>} : memref<2048xi32, #tpu.memory_space<vmem>>, vector<16xi32>,
    %swap3A_295 = vector.shape_cast %swap3A_294 : vector<16xi32> to vector<16xi32>
    %swap3A_296 = vector.shape_cast %add3A_292 : vector<16xi32> to vector<16xi32>
    tpu.vector_store %arg5[%swap3A_293], %swap3A_296 {strides = array<i32>} : memref<2048xi32, #tpu.memory_space<vmem>>, vector<16xi32>,
    %get3A_297 = arith.constant 448 : index
    %get3A_298 = tpu.vector_load %arg5[%get3A_297] {strides = array<i32>} : memref<2048xi32, #tpu.memory_space<vmem>>, vector<16xi32>,
    %get3A_299 = vector.shape_cast %get3A_298 : vector<16xi32> to vector<16xi32>
    %add3A_300 = vector.broadcast %add3A_260 : i32 to vector<16xi32>
    %add3A_301 = arith.addi %get3A_299, %add3A_300 : vector<16xi32>
    %swap3A_302 = arith.constant 448 : index
    %swap3A_303 = tpu.vector_load %arg5[%swap3A_302] {strides = array<i32>} : memref<2048xi32, #tpu.memory_space<vmem>>, vector<16xi32>,
    %swap3A_304 = vector.shape_cast %swap3A_303 : vector<16xi32> to vector<16xi32>
    %swap3A_305 = vector.shape_cast %add3A_301 : vector<16xi32> to vector<16xi32>
    tpu.vector_store %arg5[%swap3A_302], %swap3A_305 {strides = array<i32>} : memref<2048xi32, #tpu.memory_space<vmem>>, vector<16xi32>,
    %get3A_306 = arith.constant 464 : index
    %get3A_307 = tpu.vector_load %arg5[%get3A_306] {strides = array<i32>} : memref<2048xi32, #tpu.memory_space<vmem>>, vector<16xi32>,
    %get3A_308 = vector.shape_cast %get3A_307 : vector<16xi32> to vector<16xi32>
    %add3A_309 = vector.broadcast %add3A_260 : i32 to vector<16xi32>
    %add3A_310 = arith.addi %get3A_308, %add3A_309 : vector<16xi32>
    %swap3A_311 = arith.constant 464 : index
    %swap3A_312 = tpu.vector_load %arg5[%swap3A_311] {strides = array<i32>} : memref<2048xi32, #tpu.memory_space<vmem>>, vector<16xi32>,
    %swap3A_313 = vector.shape_cast %swap3A_312 : vector<16xi32> to vector<16xi32>
    %swap3A_314 = vector.shape_cast %add3A_310 : vector<16xi32> to vector<16xi32>
    tpu.vector_store %arg5[%swap3A_311], %swap3A_314 {strides = array<i32>} : memref<2048xi32, #tpu.memory_space<vmem>>, vector<16xi32>,
    %get3A_315 = arith.constant 480 : index
    %get3A_316 = tpu.vector_load %arg5[%get3A_315] {strides = array<i32>} : memref<2048xi32, #tpu.memory_space<vmem>>, vector<16xi32>,
    %get3A_317 = vector.shape_cast %get3A_316 : vector<16xi32> to vector<16xi32>
    %add3A_318 = vector.broadcast %add3A_260 : i32 to vector<16xi32>
    %add3A_319 = arith.addi %get3A_317, %add3A_318 : vector<16xi32>
    %swap3A_320 = arith.constant 480 : index
    %swap3A_321 = tpu.vector_load %arg5[%swap3A_320] {strides = array<i32>} : memref<2048xi32, #tpu.memory_space<vmem>>, vector<16xi32>,
    %swap3A_322 = vector.shape_cast %swap3A_321 : vector<16xi32> to vector<16xi32>
    %swap3A_323 = vector.shape_cast %add3A_319 : vector<16xi32> to vector<16xi32>
    tpu.vector_store %arg5[%swap3A_320], %swap3A_323 {strides = array<i32>} : memref<2048xi32, #tpu.memory_space<vmem>>, vector<16xi32>,
    %get3A_324 = arith.constant 496 : index
    %get3A_325 = tpu.vector_load %arg5[%get3A_324] {strides = array<i32>} : memref<2048xi32, #tpu.memory_space<vmem>>, vector<16xi32>,
    %get3A_326 = vector.shape_cast %get3A_325 : vector<16xi32> to vector<16xi32>
    %add3A_327 = vector.broadcast %add3A_260 : i32 to vector<16xi32>
    %add3A_328 = arith.addi %get3A_326, %add3A_327 : vector<16xi32>
    %swap3A_329 = arith.constant 496 : index
    %swap3A_330 = tpu.vector_load %arg5[%swap3A_329] {strides = array<i32>} : memref<2048xi32, #tpu.memory_space<vmem>>, vector<16xi32>,
    %swap3A_331 = vector.shape_cast %swap3A_330 : vector<16xi32> to vector<16xi32>
    %swap3A_332 = vector.shape_cast %add3A_328 : vector<16xi32> to vector<16xi32>
    tpu.vector_store %arg5[%swap3A_329], %swap3A_332 {strides = array<i32>} : memref<2048xi32, #tpu.memory_space<vmem>>, vector<16xi32>,
    %dma_start3A_333 = arith.constant 384 : i32
    %dma_start3A_334 = arith.constant 0 : i32
    %dma_start3A_335 = tpu.memref_slice %arg6[%dma_start3A_333, %dma_start3A_334] : memref<2048x32xf32, #tpu.memory_space<vmem>> -> memref<128x32xf32, #tpu.memory_space<vmem>>
    %dma_start3A_336 = arith.constant 384 : i32
    %dma_start3A_337 = tpu.memref_slice %arg5[%dma_start3A_336] : memref<2048xi32, #tpu.memory_space<vmem>> -> memref<128xi32, #tpu.memory_space<vmem>>
    %dma_start3A_338 = arith.constant 0 : i32
    %dma_start3A_339 = arith.constant 0 : i32
    %dma_start3A_340 = tpu.memref_slice %arg3[%dma_start3A_338, %dma_start3A_339] : memref<4096x32xf32, #tpu.memory_space<hbm>> -> memref<4096x32xf32, #tpu.memory_space<hbm>>
    tpu.enqueue_indirect_dma source(%dma_start3A_340 : memref<4096x32xf32, #tpu.memory_space<hbm>>) target(%dma_start3A_335 : memref<128x32xf32, #tpu.memory_space<vmem>>) offsets(%dma_start3A_337 : memref<128xi32, #tpu.memory_space<vmem>>) semaphore(%arg7 : memref<!tpu.dma_semaphore, #tpu.memory_space<semaphore_mem>>)
    %add3A_341 = arith.constant 0 : i32
    %add3A_342 = arith.addi %mul3A_15, %add3A_341 : i32
    %get3A_343 = arith.constant 512 : index
    %get3A_344 = tpu.vector_load %arg5[%get3A_343] {strides = array<i32>} : memref<2048xi32, #tpu.memory_space<vmem>>, vector<16xi32>,
    %get3A_345 = vector.shape_cast %get3A_344 : vector<16xi32> to vector<16xi32>
    %add3A_346 = vector.broadcast %add3A_342 : i32 to vector<16xi32>
    %add3A_347 = arith.addi %get3A_345, %add3A_346 : vector<16xi32>
    %swap3A_348 = arith.constant 512 : index
    %swap3A_349 = tpu.vector_load %arg5[%swap3A_348] {strides = array<i32>} : memref<2048xi32, #tpu.memory_space<vmem>>, vector<16xi32>,
    %swap3A_350 = vector.shape_cast %swap3A_349 : vector<16xi32> to vector<16xi32>
    %swap3A_351 = vector.shape_cast %add3A_347 : vector<16xi32> to vector<16xi32>
    tpu.vector_store %arg5[%swap3A_348], %swap3A_351 {strides = array<i32>} : memref<2048xi32, #tpu.memory_space<vmem>>, vector<16xi32>,
    %get3A_352 = arith.constant 528 : index
    %get3A_353 = tpu.vector_load %arg5[%get3A_352] {strides = array<i32>} : memref<2048xi32, #tpu.memory_space<vmem>>, vector<16xi32>,
    %get3A_354 = vector.shape_cast %get3A_353 : vector<16xi32> to vector<16xi32>
    %add3A_355 = vector.broadcast %add3A_342 : i32 to vector<16xi32>
    %add3A_356 = arith.addi %get3A_354, %add3A_355 : vector<16xi32>
    %swap3A_357 = arith.constant 528 : index
    %swap3A_358 = tpu.vector_load %arg5[%swap3A_357] {strides = array<i32>} : memref<2048xi32, #tpu.memory_space<vmem>>, vector<16xi32>,
    %swap3A_359 = vector.shape_cast %swap3A_358 : vector<16xi32> to vector<16xi32>
    %swap3A_360 = vector.shape_cast %add3A_356 : vector<16xi32> to vector<16xi32>
    tpu.vector_store %arg5[%swap3A_357], %swap3A_360 {strides = array<i32>} : memref<2048xi32, #tpu.memory_space<vmem>>, vector<16xi32>,
    %get3A_361 = arith.constant 544 : index
    %get3A_362 = tpu.vector_load %arg5[%get3A_361] {strides = array<i32>} : memref<2048xi32, #tpu.memory_space<vmem>>, vector<16xi32>,
    %get3A_363 = vector.shape_cast %get3A_362 : vector<16xi32> to vector<16xi32>
    %add3A_364 = vector.broadcast %add3A_342 : i32 to vector<16xi32>
    %add3A_365 = arith.addi %get3A_363, %add3A_364 : vector<16xi32>
    %swap3A_366 = arith.constant 544 : index
    %swap3A_367 = tpu.vector_load %arg5[%swap3A_366] {strides = array<i32>} : memref<2048xi32, #tpu.memory_space<vmem>>, vector<16xi32>,
    %swap3A_368 = vector.shape_cast %swap3A_367 : vector<16xi32> to vector<16xi32>
    %swap3A_369 = vector.shape_cast %add3A_365 : vector<16xi32> to vector<16xi32>
    tpu.vector_store %arg5[%swap3A_366], %swap3A_369 {strides = array<i32>} : memref<2048xi32, #tpu.memory_space<vmem>>, vector<16xi32>,
    %get3A_370 = arith.constant 560 : index
    %get3A_371 = tpu.vector_load %arg5[%get3A_370] {strides = array<i32>} : memref<2048xi32, #tpu.memory_space<vmem>>, vector<16xi32>,
    %get3A_372 = vector.shape_cast %get3A_371 : vector<16xi32> to vector<16xi32>
    %add3A_373 = vector.broadcast %add3A_342 : i32 to vector<16xi32>
    %add3A_374 = arith.addi %get3A_372, %add3A_373 : vector<16xi32>
    %swap3A_375 = arith.constant 560 : index
    %swap3A_376 = tpu.vector_load %arg5[%swap3A_375] {strides = array<i32>} : memref<2048xi32, #tpu.memory_space<vmem>>, vector<16xi32>,
    %swap3A_377 = vector.shape_cast %swap3A_376 : vector<16xi32> to vector<16xi32>
    %swap3A_378 = vector.shape_cast %add3A_374 : vector<16xi32> to vector<16xi32>
    tpu.vector_store %arg5[%swap3A_375], %swap3A_378 {strides = array<i32>} : memref<2048xi32, #tpu.memory_space<vmem>>, vector<16xi32>,
    %get3A_379 = arith.constant 576 : index
    %get3A_380 = tpu.vector_load %arg5[%get3A_379] {strides = array<i32>} : memref<2048xi32, #tpu.memory_space<vmem>>, vector<16xi32>,
    %get3A_381 = vector.shape_cast %get3A_380 : vector<16xi32> to vector<16xi32>
    %add3A_382 = vector.broadcast %add3A_342 : i32 to vector<16xi32>
    %add3A_383 = arith.addi %get3A_381, %add3A_382 : vector<16xi32>
    %swap3A_384 = arith.constant 576 : index
    %swap3A_385 = tpu.vector_load %arg5[%swap3A_384] {strides = array<i32>} : memref<2048xi32, #tpu.memory_space<vmem>>, vector<16xi32>,
    %swap3A_386 = vector.shape_cast %swap3A_385 : vector<16xi32> to vector<16xi32>
    %swap3A_387 = vector.shape_cast %add3A_383 : vector<16xi32> to vector<16xi32>
    tpu.vector_store %arg5[%swap3A_384], %swap3A_387 {strides = array<i32>} : memref<2048xi32, #tpu.memory_space<vmem>>, vector<16xi32>,
    %get3A_388 = arith.constant 592 : index
    %get3A_389 = tpu.vector_load %arg5[%get3A_388] {strides = array<i32>} : memref<2048xi32, #tpu.memory_space<vmem>>, vector<16xi32>,
    %get3A_390 = vector.shape_cast %get3A_389 : vector<16xi32> to vector<16xi32>
    %add3A_391 = vector.broadcast %add3A_342 : i32 to vector<16xi32>
    %add3A_392 = arith.addi %get3A_390, %add3A_391 : vector<16xi32>
    %swap3A_393 = arith.constant 592 : index
    %swap3A_394 = tpu.vector_load %arg5[%swap3A_393] {strides = array<i32>} : memref<2048xi32, #tpu.memory_space<vmem>>, vector<16xi32>,
    %swap3A_395 = vector.shape_cast %swap3A_394 : vector<16xi32> to vector<16xi32>
    %swap3A_396 = vector.shape_cast %add3A_392 : vector<16xi32> to vector<16xi32>
    tpu.vector_store %arg5[%swap3A_393], %swap3A_396 {strides = array<i32>} : memref<2048xi32, #tpu.memory_space<vmem>>, vector<16xi32>,
    %get3A_397 = arith.constant 608 : index
    %get3A_398 = tpu.vector_load %arg5[%get3A_397] {strides = array<i32>} : memref<2048xi32, #tpu.memory_space<vmem>>, vector<16xi32>,
    %get3A_399 = vector.shape_cast %get3A_398 : vector<16xi32> to vector<16xi32>
    %add3A_400 = vector.broadcast %add3A_342 : i32 to vector<16xi32>
    %add3A_401 = arith.addi %get3A_399, %add3A_400 : vector<16xi32>
    %swap3A_402 = arith.constant 608 : index
    %swap3A_403 = tpu.vector_load %arg5[%swap3A_402] {strides = array<i32>} : memref<2048xi32, #tpu.memory_space<vmem>>, vector<16xi32>,
    %swap3A_404 = vector.shape_cast %swap3A_403 : vector<16xi32> to vector<16xi32>
    %swap3A_405 = vector.shape_cast %add3A_401 : vector<16xi32> to vector<16xi32>
    tpu.vector_store %arg5[%swap3A_402], %swap3A_405 {strides = array<i32>} : memref<2048xi32, #tpu.memory_space<vmem>>, vector<16xi32>,
    %get3A_406 = arith.constant 624 : index
    %get3A_407 = tpu.vector_load %arg5[%get3A_406] {strides = array<i32>} : memref<2048xi32, #tpu.memory_space<vmem>>, vector<16xi32>,
    %get3A_408 = vector.shape_cast %get3A_407 : vector<16xi32> to vector<16xi32>
    %add3A_409 = vector.broadcast %add3A_342 : i32 to vector<16xi32>
    %add3A_410 = arith.addi %get3A_408, %add3A_409 : vector<16xi32>
    %swap3A_411 = arith.constant 624 : index
    %swap3A_412 = tpu.vector_load %arg5[%swap3A_411] {strides = array<i32>} : memref<2048xi32, #tpu.memory_space<vmem>>, vector<16xi32>,
    %swap3A_413 = vector.shape_cast %swap3A_412 : vector<16xi32> to vector<16xi32>
    %swap3A_414 = vector.shape_cast %add3A_410 : vector<16xi32> to vector<16xi32>
    tpu.vector_store %arg5[%swap3A_411], %swap3A_414 {strides = array<i32>} : memref<2048xi32, #tpu.memory_space<vmem>>, vector<16xi32>,
    %dma_start3A_415 = arith.constant 512 : i32
    %dma_start3A_416 = arith.constant 0 : i32
    %dma_start3A_417 = tpu.memref_slice %arg6[%dma_start3A_415, %dma_start3A_416] : memref<2048x32xf32, #tpu.memory_space<vmem>> -> memref<128x32xf32, #tpu.memory_space<vmem>>
    %dma_start3A_418 = arith.constant 512 : i32
    %dma_start3A_419 = tpu.memref_slice %arg5[%dma_start3A_418] : memref<2048xi32, #tpu.memory_space<vmem>> -> memref<128xi32, #tpu.memory_space<vmem>>
    %dma_start3A_420 = arith.constant 0 : i32
    %dma_start3A_421 = arith.constant 0 : i32
    %dma_start3A_422 = tpu.memref_slice %arg3[%dma_start3A_420, %dma_start3A_421] : memref<4096x32xf32, #tpu.memory_space<hbm>> -> memref<4096x32xf32, #tpu.memory_space<hbm>>
    tpu.enqueue_indirect_dma source(%dma_start3A_422 : memref<4096x32xf32, #tpu.memory_space<hbm>>) target(%dma_start3A_417 : memref<128x32xf32, #tpu.memory_space<vmem>>) offsets(%dma_start3A_419 : memref<128xi32, #tpu.memory_space<vmem>>) semaphore(%arg7 : memref<!tpu.dma_semaphore, #tpu.memory_space<semaphore_mem>>)
    %add3A_423 = arith.constant 32 : i32
    %add3A_424 = arith.addi %mul3A_15, %add3A_423 : i32
    %get3A_425 = arith.constant 640 : index
    %get3A_426 = tpu.vector_load %arg5[%get3A_425] {strides = array<i32>} : memref<2048xi32, #tpu.memory_space<vmem>>, vector<16xi32>,
    %get3A_427 = vector.shape_cast %get3A_426 : vector<16xi32> to vector<16xi32>
    %add3A_428 = vector.broadcast %add3A_424 : i32 to vector<16xi32>
    %add3A_429 = arith.addi %get3A_427, %add3A_428 : vector<16xi32>
    %swap3A_430 = arith.constant 640 : index
    %swap3A_431 = tpu.vector_load %arg5[%swap3A_430] {strides = array<i32>} : memref<2048xi32, #tpu.memory_space<vmem>>, vector<16xi32>,
    %swap3A_432 = vector.shape_cast %swap3A_431 : vector<16xi32> to vector<16xi32>
    %swap3A_433 = vector.shape_cast %add3A_429 : vector<16xi32> to vector<16xi32>
    tpu.vector_store %arg5[%swap3A_430], %swap3A_433 {strides = array<i32>} : memref<2048xi32, #tpu.memory_space<vmem>>, vector<16xi32>,
    %get3A_434 = arith.constant 656 : index
    %get3A_435 = tpu.vector_load %arg5[%get3A_434] {strides = array<i32>} : memref<2048xi32, #tpu.memory_space<vmem>>, vector<16xi32>,
    %get3A_436 = vector.shape_cast %get3A_435 : vector<16xi32> to vector<16xi32>
    %add3A_437 = vector.broadcast %add3A_424 : i32 to vector<16xi32>
    %add3A_438 = arith.addi %get3A_436, %add3A_437 : vector<16xi32>
    %swap3A_439 = arith.constant 656 : index
    %swap3A_440 = tpu.vector_load %arg5[%swap3A_439] {strides = array<i32>} : memref<2048xi32, #tpu.memory_space<vmem>>, vector<16xi32>,
    %swap3A_441 = vector.shape_cast %swap3A_440 : vector<16xi32> to vector<16xi32>
    %swap3A_442 = vector.shape_cast %add3A_438 : vector<16xi32> to vector<16xi32>
    tpu.vector_store %arg5[%swap3A_439], %swap3A_442 {strides = array<i32>} : memref<2048xi32, #tpu.memory_space<vmem>>, vector<16xi32>,
    %get3A_443 = arith.constant 672 : index
    %get3A_444 = tpu.vector_load %arg5[%get3A_443] {strides = array<i32>} : memref<2048xi32, #tpu.memory_space<vmem>>, vector<16xi32>,
    %get3A_445 = vector.shape_cast %get3A_444 : vector<16xi32> to vector<16xi32>
    %add3A_446 = vector.broadcast %add3A_424 : i32 to vector<16xi32>
    %add3A_447 = arith.addi %get3A_445, %add3A_446 : vector<16xi32>
    %swap3A_448 = arith.constant 672 : index
    %swap3A_449 = tpu.vector_load %arg5[%swap3A_448] {strides = array<i32>} : memref<2048xi32, #tpu.memory_space<vmem>>, vector<16xi32>,
    %swap3A_450 = vector.shape_cast %swap3A_449 : vector<16xi32> to vector<16xi32>
    %swap3A_451 = vector.shape_cast %add3A_447 : vector<16xi32> to vector<16xi32>
    tpu.vector_store %arg5[%swap3A_448], %swap3A_451 {strides = array<i32>} : memref<2048xi32, #tpu.memory_space<vmem>>, vector<16xi32>,
    %get3A_452 = arith.constant 688 : index
    %get3A_453 = tpu.vector_load %arg5[%get3A_452] {strides = array<i32>} : memref<2048xi32, #tpu.memory_space<vmem>>, vector<16xi32>,
    %get3A_454 = vector.shape_cast %get3A_453 : vector<16xi32> to vector<16xi32>
    %add3A_455 = vector.broadcast %add3A_424 : i32 to vector<16xi32>
    %add3A_456 = arith.addi %get3A_454, %add3A_455 : vector<16xi32>
    %swap3A_457 = arith.constant 688 : index
    %swap3A_458 = tpu.vector_load %arg5[%swap3A_457] {strides = array<i32>} : memref<2048xi32, #tpu.memory_space<vmem>>, vector<16xi32>,
    %swap3A_459 = vector.shape_cast %swap3A_458 : vector<16xi32> to vector<16xi32>
    %swap3A_460 = vector.shape_cast %add3A_456 : vector<16xi32> to vector<16xi32>
    tpu.vector_store %arg5[%swap3A_457], %swap3A_460 {strides = array<i32>} : memref<2048xi32, #tpu.memory_space<vmem>>, vector<16xi32>,
    %get3A_461 = arith.constant 704 : index
    %get3A_462 = tpu.vector_load %arg5[%get3A_461] {strides = array<i32>} : memref<2048xi32, #tpu.memory_space<vmem>>, vector<16xi32>,
    %get3A_463 = vector.shape_cast %get3A_462 : vector<16xi32> to vector<16xi32>
    %add3A_464 = vector.broadcast %add3A_424 : i32 to vector<16xi32>
    %add3A_465 = arith.addi %get3A_463, %add3A_464 : vector<16xi32>
    %swap3A_466 = arith.constant 704 : index
    %swap3A_467 = tpu.vector_load %arg5[%swap3A_466] {strides = array<i32>} : memref<2048xi32, #tpu.memory_space<vmem>>, vector<16xi32>,
    %swap3A_468 = vector.shape_cast %swap3A_467 : vector<16xi32> to vector<16xi32>
    %swap3A_469 = vector.shape_cast %add3A_465 : vector<16xi32> to vector<16xi32>
    tpu.vector_store %arg5[%swap3A_466], %swap3A_469 {strides = array<i32>} : memref<2048xi32, #tpu.memory_space<vmem>>, vector<16xi32>,
    %get3A_470 = arith.constant 720 : index
    %get3A_471 = tpu.vector_load %arg5[%get3A_470] {strides = array<i32>} : memref<2048xi32, #tpu.memory_space<vmem>>, vector<16xi32>,
    %get3A_472 = vector.shape_cast %get3A_471 : vector<16xi32> to vector<16xi32>
    %add3A_473 = vector.broadcast %add3A_424 : i32 to vector<16xi32>
    %add3A_474 = arith.addi %get3A_472, %add3A_473 : vector<16xi32>
    %swap3A_475 = arith.constant 720 : index
    %swap3A_476 = tpu.vector_load %arg5[%swap3A_475] {strides = array<i32>} : memref<2048xi32, #tpu.memory_space<vmem>>, vector<16xi32>,
    %swap3A_477 = vector.shape_cast %swap3A_476 : vector<16xi32> to vector<16xi32>
    %swap3A_478 = vector.shape_cast %add3A_474 : vector<16xi32> to vector<16xi32>
    tpu.vector_store %arg5[%swap3A_475], %swap3A_478 {strides = array<i32>} : memref<2048xi32, #tpu.memory_space<vmem>>, vector<16xi32>,
    %get3A_479 = arith.constant 736 : index
    %get3A_480 = tpu.vector_load %arg5[%get3A_479] {strides = array<i32>} : memref<2048xi32, #tpu.memory_space<vmem>>, vector<16xi32>,
    %get3A_481 = vector.shape_cast %get3A_480 : vector<16xi32> to vector<16xi32>
    %add3A_482 = vector.broadcast %add3A_424 : i32 to vector<16xi32>
    %add3A_483 = arith.addi %get3A_481, %add3A_482 : vector<16xi32>
    %swap3A_484 = arith.constant 736 : index
    %swap3A_485 = tpu.vector_load %arg5[%swap3A_484] {strides = array<i32>} : memref<2048xi32, #tpu.memory_space<vmem>>, vector<16xi32>,
    %swap3A_486 = vector.shape_cast %swap3A_485 : vector<16xi32> to vector<16xi32>
    %swap3A_487 = vector.shape_cast %add3A_483 : vector<16xi32> to vector<16xi32>
    tpu.vector_store %arg5[%swap3A_484], %swap3A_487 {strides = array<i32>} : memref<2048xi32, #tpu.memory_space<vmem>>, vector<16xi32>,
    %get3A_488 = arith.constant 752 : index
    %get3A_489 = tpu.vector_load %arg5[%get3A_488] {strides = array<i32>} : memref<2048xi32, #tpu.memory_space<vmem>>, vector<16xi32>,
    %get3A_490 = vector.shape_cast %get3A_489 : vector<16xi32> to vector<16xi32>
    %add3A_491 = vector.broadcast %add3A_424 : i32 to vector<16xi32>
    %add3A_492 = arith.addi %get3A_490, %add3A_491 : vector<16xi32>
    %swap3A_493 = arith.constant 752 : index
    %swap3A_494 = tpu.vector_load %arg5[%swap3A_493] {strides = array<i32>} : memref<2048xi32, #tpu.memory_space<vmem>>, vector<16xi32>,
    %swap3A_495 = vector.shape_cast %swap3A_494 : vector<16xi32> to vector<16xi32>
    %swap3A_496 = vector.shape_cast %add3A_492 : vector<16xi32> to vector<16xi32>
    tpu.vector_store %arg5[%swap3A_493], %swap3A_496 {strides = array<i32>} : memref<2048xi32, #tpu.memory_space<vmem>>, vector<16xi32>,
    %dma_start3A_497 = arith.constant 640 : i32
    %dma_start3A_498 = arith.constant 0 : i32
    %dma_start3A_499 = tpu.memref_slice %arg6[%dma_start3A_497, %dma_start3A_498] : memref<2048x32xf32, #tpu.memory_space<vmem>> -> memref<128x32xf32, #tpu.memory_space<vmem>>
    %dma_start3A_500 = arith.constant 640 : i32
    %dma_start3A_501 = tpu.memref_slice %arg5[%dma_start3A_500] : memref<2048xi32, #tpu.memory_space<vmem>> -> memref<128xi32, #tpu.memory_space<vmem>>
    %dma_start3A_502 = arith.constant 0 : i32
    %dma_start3A_503 = arith.constant 0 : i32
    %dma_start3A_504 = tpu.memref_slice %arg3[%dma_start3A_502, %dma_start3A_503] : memref<4096x32xf32, #tpu.memory_space<hbm>> -> memref<4096x32xf32, #tpu.memory_space<hbm>>
    tpu.enqueue_indirect_dma source(%dma_start3A_504 : memref<4096x32xf32, #tpu.memory_space<hbm>>) target(%dma_start3A_499 : memref<128x32xf32, #tpu.memory_space<vmem>>) offsets(%dma_start3A_501 : memref<128xi32, #tpu.memory_space<vmem>>) semaphore(%arg7 : memref<!tpu.dma_semaphore, #tpu.memory_space<semaphore_mem>>)
    %add3A_505 = arith.constant 64 : i32
    %add3A_506 = arith.addi %mul3A_15, %add3A_505 : i32
    %get3A_507 = arith.constant 768 : index
    %get3A_508 = tpu.vector_load %arg5[%get3A_507] {strides = array<i32>} : memref<2048xi32, #tpu.memory_space<vmem>>, vector<16xi32>,
    %get3A_509 = vector.shape_cast %get3A_508 : vector<16xi32> to vector<16xi32>
    %add3A_510 = vector.broadcast %add3A_506 : i32 to vector<16xi32>
    %add3A_511 = arith.addi %get3A_509, %add3A_510 : vector<16xi32>
    %swap3A_512 = arith.constant 768 : index
    %swap3A_513 = tpu.vector_load %arg5[%swap3A_512] {strides = array<i32>} : memref<2048xi32, #tpu.memory_space<vmem>>, vector<16xi32>,
    %swap3A_514 = vector.shape_cast %swap3A_513 : vector<16xi32> to vector<16xi32>
    %swap3A_515 = vector.shape_cast %add3A_511 : vector<16xi32> to vector<16xi32>
    tpu.vector_store %arg5[%swap3A_512], %swap3A_515 {strides = array<i32>} : memref<2048xi32, #tpu.memory_space<vmem>>, vector<16xi32>,
    %get3A_516 = arith.constant 784 : index
    %get3A_517 = tpu.vector_load %arg5[%get3A_516] {strides = array<i32>} : memref<2048xi32, #tpu.memory_space<vmem>>, vector<16xi32>,
    %get3A_518 = vector.shape_cast %get3A_517 : vector<16xi32> to vector<16xi32>
    %add3A_519 = vector.broadcast %add3A_506 : i32 to vector<16xi32>
    %add3A_520 = arith.addi %get3A_518, %add3A_519 : vector<16xi32>
    %swap3A_521 = arith.constant 784 : index
    %swap3A_522 = tpu.vector_load %arg5[%swap3A_521] {strides = array<i32>} : memref<2048xi32, #tpu.memory_space<vmem>>, vector<16xi32>,
    %swap3A_523 = vector.shape_cast %swap3A_522 : vector<16xi32> to vector<16xi32>
    %swap3A_524 = vector.shape_cast %add3A_520 : vector<16xi32> to vector<16xi32>
    tpu.vector_store %arg5[%swap3A_521], %swap3A_524 {strides = array<i32>} : memref<2048xi32, #tpu.memory_space<vmem>>, vector<16xi32>,
    %get3A_525 = arith.constant 800 : index
    %get3A_526 = tpu.vector_load %arg5[%get3A_525] {strides = array<i32>} : memref<2048xi32, #tpu.memory_space<vmem>>, vector<16xi32>,
    %get3A_527 = vector.shape_cast %get3A_526 : vector<16xi32> to vector<16xi32>
    %add3A_528 = vector.broadcast %add3A_506 : i32 to vector<16xi32>
    %add3A_529 = arith.addi %get3A_527, %add3A_528 : vector<16xi32>
    %swap3A_530 = arith.constant 800 : index
    %swap3A_531 = tpu.vector_load %arg5[%swap3A_530] {strides = array<i32>} : memref<2048xi32, #tpu.memory_space<vmem>>, vector<16xi32>,
    %swap3A_532 = vector.shape_cast %swap3A_531 : vector<16xi32> to vector<16xi32>
    %swap3A_533 = vector.shape_cast %add3A_529 : vector<16xi32> to vector<16xi32>
    tpu.vector_store %arg5[%swap3A_530], %swap3A_533 {strides = array<i32>} : memref<2048xi32, #tpu.memory_space<vmem>>, vector<16xi32>,
    %get3A_534 = arith.constant 816 : index
    %get3A_535 = tpu.vector_load %arg5[%get3A_534] {strides = array<i32>} : memref<2048xi32, #tpu.memory_space<vmem>>, vector<16xi32>,
    %get3A_536 = vector.shape_cast %get3A_535 : vector<16xi32> to vector<16xi32>
    %add3A_537 = vector.broadcast %add3A_506 : i32 to vector<16xi32>
    %add3A_538 = arith.addi %get3A_536, %add3A_537 : vector<16xi32>
    %swap3A_539 = arith.constant 816 : index
    %swap3A_540 = tpu.vector_load %arg5[%swap3A_539] {strides = array<i32>} : memref<2048xi32, #tpu.memory_space<vmem>>, vector<16xi32>,
    %swap3A_541 = vector.shape_cast %swap3A_540 : vector<16xi32> to vector<16xi32>
    %swap3A_542 = vector.shape_cast %add3A_538 : vector<16xi32> to vector<16xi32>
    tpu.vector_store %arg5[%swap3A_539], %swap3A_542 {strides = array<i32>} : memref<2048xi32, #tpu.memory_space<vmem>>, vector<16xi32>,
    %get3A_543 = arith.constant 832 : index
    %get3A_544 = tpu.vector_load %arg5[%get3A_543] {strides = array<i32>} : memref<2048xi32, #tpu.memory_space<vmem>>, vector<16xi32>,
    %get3A_545 = vector.shape_cast %get3A_544 : vector<16xi32> to vector<16xi32>
    %add3A_546 = vector.broadcast %add3A_506 : i32 to vector<16xi32>
    %add3A_547 = arith.addi %get3A_545, %add3A_546 : vector<16xi32>
    %swap3A_548 = arith.constant 832 : index
    %swap3A_549 = tpu.vector_load %arg5[%swap3A_548] {strides = array<i32>} : memref<2048xi32, #tpu.memory_space<vmem>>, vector<16xi32>,
    %swap3A_550 = vector.shape_cast %swap3A_549 : vector<16xi32> to vector<16xi32>
    %swap3A_551 = vector.shape_cast %add3A_547 : vector<16xi32> to vector<16xi32>
    tpu.vector_store %arg5[%swap3A_548], %swap3A_551 {strides = array<i32>} : memref<2048xi32, #tpu.memory_space<vmem>>, vector<16xi32>,
    %get3A_552 = arith.constant 848 : index
    %get3A_553 = tpu.vector_load %arg5[%get3A_552] {strides = array<i32>} : memref<2048xi32, #tpu.memory_space<vmem>>, vector<16xi32>,
    %get3A_554 = vector.shape_cast %get3A_553 : vector<16xi32> to vector<16xi32>
    %add3A_555 = vector.broadcast %add3A_506 : i32 to vector<16xi32>
    %add3A_556 = arith.addi %get3A_554, %add3A_555 : vector<16xi32>
    %swap3A_557 = arith.constant 848 : index
    %swap3A_558 = tpu.vector_load %arg5[%swap3A_557] {strides = array<i32>} : memref<2048xi32, #tpu.memory_space<vmem>>, vector<16xi32>,
    %swap3A_559 = vector.shape_cast %swap3A_558 : vector<16xi32> to vector<16xi32>
    %swap3A_560 = vector.shape_cast %add3A_556 : vector<16xi32> to vector<16xi32>
    tpu.vector_store %arg5[%swap3A_557], %swap3A_560 {strides = array<i32>} : memref<2048xi32, #tpu.memory_space<vmem>>, vector<16xi32>,
    %get3A_561 = arith.constant 864 : index
    %get3A_562 = tpu.vector_load %arg5[%get3A_561] {strides = array<i32>} : memref<2048xi32, #tpu.memory_space<vmem>>, vector<16xi32>,
    %get3A_563 = vector.shape_cast %get3A_562 : vector<16xi32> to vector<16xi32>
    %add3A_564 = vector.broadcast %add3A_506 : i32 to vector<16xi32>
    %add3A_565 = arith.addi %get3A_563, %add3A_564 : vector<16xi32>
    %swap3A_566 = arith.constant 864 : index
    %swap3A_567 = tpu.vector_load %arg5[%swap3A_566] {strides = array<i32>} : memref<2048xi32, #tpu.memory_space<vmem>>, vector<16xi32>,
    %swap3A_568 = vector.shape_cast %swap3A_567 : vector<16xi32> to vector<16xi32>
    %swap3A_569 = vector.shape_cast %add3A_565 : vector<16xi32> to vector<16xi32>
    tpu.vector_store %arg5[%swap3A_566], %swap3A_569 {strides = array<i32>} : memref<2048xi32, #tpu.memory_space<vmem>>, vector<16xi32>,
    %get3A_570 = arith.constant 880 : index
    %get3A_571 = tpu.vector_load %arg5[%get3A_570] {strides = array<i32>} : memref<2048xi32, #tpu.memory_space<vmem>>, vector<16xi32>,
    %get3A_572 = vector.shape_cast %get3A_571 : vector<16xi32> to vector<16xi32>
    %add3A_573 = vector.broadcast %add3A_506 : i32 to vector<16xi32>
    %add3A_574 = arith.addi %get3A_572, %add3A_573 : vector<16xi32>
    %swap3A_575 = arith.constant 880 : index
    %swap3A_576 = tpu.vector_load %arg5[%swap3A_575] {strides = array<i32>} : memref<2048xi32, #tpu.memory_space<vmem>>, vector<16xi32>,
    %swap3A_577 = vector.shape_cast %swap3A_576 : vector<16xi32> to vector<16xi32>
    %swap3A_578 = vector.shape_cast %add3A_574 : vector<16xi32> to vector<16xi32>
    tpu.vector_store %arg5[%swap3A_575], %swap3A_578 {strides = array<i32>} : memref<2048xi32, #tpu.memory_space<vmem>>, vector<16xi32>,
    %dma_start3A_579 = arith.constant 768 : i32
    %dma_start3A_580 = arith.constant 0 : i32
    %dma_start3A_581 = tpu.memref_slice %arg6[%dma_start3A_579, %dma_start3A_580] : memref<2048x32xf32, #tpu.memory_space<vmem>> -> memref<128x32xf32, #tpu.memory_space<vmem>>
    %dma_start3A_582 = arith.constant 768 : i32
    %dma_start3A_583 = tpu.memref_slice %arg5[%dma_start3A_582] : memref<2048xi32, #tpu.memory_space<vmem>> -> memref<128xi32, #tpu.memory_space<vmem>>
    %dma_start3A_584 = arith.constant 0 : i32
    %dma_start3A_585 = arith.constant 0 : i32
    %dma_start3A_586 = tpu.memref_slice %arg3[%dma_start3A_584, %dma_start3A_585] : memref<4096x32xf32, #tpu.memory_space<hbm>> -> memref<4096x32xf32, #tpu.memory_space<hbm>>
    tpu.enqueue_indirect_dma source(%dma_start3A_586 : memref<4096x32xf32, #tpu.memory_space<hbm>>) target(%dma_start3A_581 : memref<128x32xf32, #tpu.memory_space<vmem>>) offsets(%dma_start3A_583 : memref<128xi32, #tpu.memory_space<vmem>>) semaphore(%arg7 : memref<!tpu.dma_semaphore, #tpu.memory_space<semaphore_mem>>)
    %add3A_587 = arith.constant 96 : i32
    %add3A_588 = arith.addi %mul3A_15, %add3A_587 : i32
    %get3A_589 = arith.constant 896 : index
    %get3A_590 = tpu.vector_load %arg5[%get3A_589] {strides = array<i32>} : memref<2048xi32, #tpu.memory_space<vmem>>, vector<16xi32>,
    %get3A_591 = vector.shape_cast %get3A_590 : vector<16xi32> to vector<16xi32>
    %add3A_592 = vector.broadcast %add3A_588 : i32 to vector<16xi32>
    %add3A_593 = arith.addi %get3A_591, %add3A_592 : vector<16xi32>
    %swap3A_594 = arith.constant 896 : index
    %swap3A_595 = tpu.vector_load %arg5[%swap3A_594] {strides = array<i32>} : memref<2048xi32, #tpu.memory_space<vmem>>, vector<16xi32>,
    %swap3A_596 = vector.shape_cast %swap3A_595 : vector<16xi32> to vector<16xi32>
    %swap3A_597 = vector.shape_cast %add3A_593 : vector<16xi32> to vector<16xi32>
    tpu.vector_store %arg5[%swap3A_594], %swap3A_597 {strides = array<i32>} : memref<2048xi32, #tpu.memory_space<vmem>>, vector<16xi32>,
    %get3A_598 = arith.constant 912 : index
    %get3A_599 = tpu.vector_load %arg5[%get3A_598] {strides = array<i32>} : memref<2048xi32, #tpu.memory_space<vmem>>, vector<16xi32>,
    %get3A_600 = vector.shape_cast %get3A_599 : vector<16xi32> to vector<16xi32>
    %add3A_601 = vector.broadcast %add3A_588 : i32 to vector<16xi32>
    %add3A_602 = arith.addi %get3A_600, %add3A_601 : vector<16xi32>
    %swap3A_603 = arith.constant 912 : index
    %swap3A_604 = tpu.vector_load %arg5[%swap3A_603] {strides = array<i32>} : memref<2048xi32, #tpu.memory_space<vmem>>, vector<16xi32>,
    %swap3A_605 = vector.shape_cast %swap3A_604 : vector<16xi32> to vector<16xi32>
    %swap3A_606 = vector.shape_cast %add3A_602 : vector<16xi32> to vector<16xi32>
    tpu.vector_store %arg5[%swap3A_603], %swap3A_606 {strides = array<i32>} : memref<2048xi32, #tpu.memory_space<vmem>>, vector<16xi32>,
    %get3A_607 = arith.constant 928 : index
    %get3A_608 = tpu.vector_load %arg5[%get3A_607] {strides = array<i32>} : memref<2048xi32, #tpu.memory_space<vmem>>, vector<16xi32>,
    %get3A_609 = vector.shape_cast %get3A_608 : vector<16xi32> to vector<16xi32>
    %add3A_610 = vector.broadcast %add3A_588 : i32 to vector<16xi32>
    %add3A_611 = arith.addi %get3A_609, %add3A_610 : vector<16xi32>
    %swap3A_612 = arith.constant 928 : index
    %swap3A_613 = tpu.vector_load %arg5[%swap3A_612] {strides = array<i32>} : memref<2048xi32, #tpu.memory_space<vmem>>, vector<16xi32>,
    %swap3A_614 = vector.shape_cast %swap3A_613 : vector<16xi32> to vector<16xi32>
    %swap3A_615 = vector.shape_cast %add3A_611 : vector<16xi32> to vector<16xi32>
    tpu.vector_store %arg5[%swap3A_612], %swap3A_615 {strides = array<i32>} : memref<2048xi32, #tpu.memory_space<vmem>>, vector<16xi32>,
    %get3A_616 = arith.constant 944 : index
    %get3A_617 = tpu.vector_load %arg5[%get3A_616] {strides = array<i32>} : memref<2048xi32, #tpu.memory_space<vmem>>, vector<16xi32>,
    %get3A_618 = vector.shape_cast %get3A_617 : vector<16xi32> to vector<16xi32>
    %add3A_619 = vector.broadcast %add3A_588 : i32 to vector<16xi32>
    %add3A_620 = arith.addi %get3A_618, %add3A_619 : vector<16xi32>
    %swap3A_621 = arith.constant 944 : index
    %swap3A_622 = tpu.vector_load %arg5[%swap3A_621] {strides = array<i32>} : memref<2048xi32, #tpu.memory_space<vmem>>, vector<16xi32>,
    %swap3A_623 = vector.shape_cast %swap3A_622 : vector<16xi32> to vector<16xi32>
    %swap3A_624 = vector.shape_cast %add3A_620 : vector<16xi32> to vector<16xi32>
    tpu.vector_store %arg5[%swap3A_621], %swap3A_624 {strides = array<i32>} : memref<2048xi32, #tpu.memory_space<vmem>>, vector<16xi32>,
    %get3A_625 = arith.constant 960 : index
    %get3A_626 = tpu.vector_load %arg5[%get3A_625] {strides = array<i32>} : memref<2048xi32, #tpu.memory_space<vmem>>, vector<16xi32>,
    %get3A_627 = vector.shape_cast %get3A_626 : vector<16xi32> to vector<16xi32>
    %add3A_628 = vector.broadcast %add3A_588 : i32 to vector<16xi32>
    %add3A_629 = arith.addi %get3A_627, %add3A_628 : vector<16xi32>
    %swap3A_630 = arith.constant 960 : index
    %swap3A_631 = tpu.vector_load %arg5[%swap3A_630] {strides = array<i32>} : memref<2048xi32, #tpu.memory_space<vmem>>, vector<16xi32>,
    %swap3A_632 = vector.shape_cast %swap3A_631 : vector<16xi32> to vector<16xi32>
    %swap3A_633 = vector.shape_cast %add3A_629 : vector<16xi32> to vector<16xi32>
    tpu.vector_store %arg5[%swap3A_630], %swap3A_633 {strides = array<i32>} : memref<2048xi32, #tpu.memory_space<vmem>>, vector<16xi32>,
    %get3A_634 = arith.constant 976 : index
    %get3A_635 = tpu.vector_load %arg5[%get3A_634] {strides = array<i32>} : memref<2048xi32, #tpu.memory_space<vmem>>, vector<16xi32>,
    %get3A_636 = vector.shape_cast %get3A_635 : vector<16xi32> to vector<16xi32>
    %add3A_637 = vector.broadcast %add3A_588 : i32 to vector<16xi32>
    %add3A_638 = arith.addi %get3A_636, %add3A_637 : vector<16xi32>
    %swap3A_639 = arith.constant 976 : index
    %swap3A_640 = tpu.vector_load %arg5[%swap3A_639] {strides = array<i32>} : memref<2048xi32, #tpu.memory_space<vmem>>, vector<16xi32>,
    %swap3A_641 = vector.shape_cast %swap3A_640 : vector<16xi32> to vector<16xi32>
    %swap3A_642 = vector.shape_cast %add3A_638 : vector<16xi32> to vector<16xi32>
    tpu.vector_store %arg5[%swap3A_639], %swap3A_642 {strides = array<i32>} : memref<2048xi32, #tpu.memory_space<vmem>>, vector<16xi32>,
    %get3A_643 = arith.constant 992 : index
    %get3A_644 = tpu.vector_load %arg5[%get3A_643] {strides = array<i32>} : memref<2048xi32, #tpu.memory_space<vmem>>, vector<16xi32>,
    %get3A_645 = vector.shape_cast %get3A_644 : vector<16xi32> to vector<16xi32>
    %add3A_646 = vector.broadcast %add3A_588 : i32 to vector<16xi32>
    %add3A_647 = arith.addi %get3A_645, %add3A_646 : vector<16xi32>
    %swap3A_648 = arith.constant 992 : index
    %swap3A_649 = tpu.vector_load %arg5[%swap3A_648] {strides = array<i32>} : memref<2048xi32, #tpu.memory_space<vmem>>, vector<16xi32>,
    %swap3A_650 = vector.shape_cast %swap3A_649 : vector<16xi32> to vector<16xi32>
    %swap3A_651 = vector.shape_cast %add3A_647 : vector<16xi32> to vector<16xi32>
    tpu.vector_store %arg5[%swap3A_648], %swap3A_651 {strides = array<i32>} : memref<2048xi32, #tpu.memory_space<vmem>>, vector<16xi32>,
    %get3A_652 = arith.constant 1008 : index
    %get3A_653 = tpu.vector_load %arg5[%get3A_652] {strides = array<i32>} : memref<2048xi32, #tpu.memory_space<vmem>>, vector<16xi32>,
    %get3A_654 = vector.shape_cast %get3A_653 : vector<16xi32> to vector<16xi32>
    %add3A_655 = vector.broadcast %add3A_588 : i32 to vector<16xi32>
    %add3A_656 = arith.addi %get3A_654, %add3A_655 : vector<16xi32>
    %swap3A_657 = arith.constant 1008 : index
    %swap3A_658 = tpu.vector_load %arg5[%swap3A_657] {strides = array<i32>} : memref<2048xi32, #tpu.memory_space<vmem>>, vector<16xi32>,
    %swap3A_659 = vector.shape_cast %swap3A_658 : vector<16xi32> to vector<16xi32>
    %swap3A_660 = vector.shape_cast %add3A_656 : vector<16xi32> to vector<16xi32>
    tpu.vector_store %arg5[%swap3A_657], %swap3A_660 {strides = array<i32>} : memref<2048xi32, #tpu.memory_space<vmem>>, vector<16xi32>,
    %dma_start3A_661 = arith.constant 896 : i32
    %dma_start3A_662 = arith.constant 0 : i32
    %dma_start3A_663 = tpu.memref_slice %arg6[%dma_start3A_661, %dma_start3A_662] : memref<2048x32xf32, #tpu.memory_space<vmem>> -> memref<128x32xf32, #tpu.memory_space<vmem>>
    %dma_start3A_664 = arith.constant 896 : i32
    %dma_start3A_665 = tpu.memref_slice %arg5[%dma_start3A_664] : memref<2048xi32, #tpu.memory_space<vmem>> -> memref<128xi32, #tpu.memory_space<vmem>>
    %dma_start3A_666 = arith.constant 0 : i32
    %dma_start3A_667 = arith.constant 0 : i32
    %dma_start3A_668 = tpu.memref_slice %arg3[%dma_start3A_666, %dma_start3A_667] : memref<4096x32xf32, #tpu.memory_space<hbm>> -> memref<4096x32xf32, #tpu.memory_space<hbm>>
    tpu.enqueue_indirect_dma source(%dma_start3A_668 : memref<4096x32xf32, #tpu.memory_space<hbm>>) target(%dma_start3A_663 : memref<128x32xf32, #tpu.memory_space<vmem>>) offsets(%dma_start3A_665 : memref<128xi32, #tpu.memory_space<vmem>>) semaphore(%arg7 : memref<!tpu.dma_semaphore, #tpu.memory_space<semaphore_mem>>)
    %add3A_669 = arith.constant 0 : i32
    %add3A_670 = arith.addi %mul3A_15, %add3A_669 : i32
    %get3A_671 = arith.constant 1024 : index
    %get3A_672 = tpu.vector_load %arg5[%get3A_671] {strides = array<i32>} : memref<2048xi32, #tpu.memory_space<vmem>>, vector<16xi32>,
    %get3A_673 = vector.shape_cast %get3A_672 : vector<16xi32> to vector<16xi32>
    %add3A_674 = vector.broadcast %add3A_670 : i32 to vector<16xi32>
    %add3A_675 = arith.addi %get3A_673, %add3A_674 : vector<16xi32>
    %swap3A_676 = arith.constant 1024 : index
    %swap3A_677 = tpu.vector_load %arg5[%swap3A_676] {strides = array<i32>} : memref<2048xi32, #tpu.memory_space<vmem>>, vector<16xi32>,
    %swap3A_678 = vector.shape_cast %swap3A_677 : vector<16xi32> to vector<16xi32>
    %swap3A_679 = vector.shape_cast %add3A_675 : vector<16xi32> to vector<16xi32>
    tpu.vector_store %arg5[%swap3A_676], %swap3A_679 {strides = array<i32>} : memref<2048xi32, #tpu.memory_space<vmem>>, vector<16xi32>,
    %get3A_680 = arith.constant 1040 : index
    %get3A_681 = tpu.vector_load %arg5[%get3A_680] {strides = array<i32>} : memref<2048xi32, #tpu.memory_space<vmem>>, vector<16xi32>,
    %get3A_682 = vector.shape_cast %get3A_681 : vector<16xi32> to vector<16xi32>
    %add3A_683 = vector.broadcast %add3A_670 : i32 to vector<16xi32>
    %add3A_684 = arith.addi %get3A_682, %add3A_683 : vector<16xi32>
    %swap3A_685 = arith.constant 1040 : index
    %swap3A_686 = tpu.vector_load %arg5[%swap3A_685] {strides = array<i32>} : memref<2048xi32, #tpu.memory_space<vmem>>, vector<16xi32>,
    %swap3A_687 = vector.shape_cast %swap3A_686 : vector<16xi32> to vector<16xi32>
    %swap3A_688 = vector.shape_cast %add3A_684 : vector<16xi32> to vector<16xi32>
    tpu.vector_store %arg5[%swap3A_685], %swap3A_688 {strides = array<i32>} : memref<2048xi32, #tpu.memory_space<vmem>>, vector<16xi32>,
    %get3A_689 = arith.constant 1056 : index
    %get3A_690 = tpu.vector_load %arg5[%get3A_689] {strides = array<i32>} : memref<2048xi32, #tpu.memory_space<vmem>>, vector<16xi32>,
    %get3A_691 = vector.shape_cast %get3A_690 : vector<16xi32> to vector<16xi32>
    %add3A_692 = vector.broadcast %add3A_670 : i32 to vector<16xi32>
    %add3A_693 = arith.addi %get3A_691, %add3A_692 : vector<16xi32>
    %swap3A_694 = arith.constant 1056 : index
    %swap3A_695 = tpu.vector_load %arg5[%swap3A_694] {strides = array<i32>} : memref<2048xi32, #tpu.memory_space<vmem>>, vector<16xi32>,
    %swap3A_696 = vector.shape_cast %swap3A_695 : vector<16xi32> to vector<16xi32>
    %swap3A_697 = vector.shape_cast %add3A_693 : vector<16xi32> to vector<16xi32>
    tpu.vector_store %arg5[%swap3A_694], %swap3A_697 {strides = array<i32>} : memref<2048xi32, #tpu.memory_space<vmem>>, vector<16xi32>,
    %get3A_698 = arith.constant 1072 : index
    %get3A_699 = tpu.vector_load %arg5[%get3A_698] {strides = array<i32>} : memref<2048xi32, #tpu.memory_space<vmem>>, vector<16xi32>,
    %get3A_700 = vector.shape_cast %get3A_699 : vector<16xi32> to vector<16xi32>
    %add3A_701 = vector.broadcast %add3A_670 : i32 to vector<16xi32>
    %add3A_702 = arith.addi %get3A_700, %add3A_701 : vector<16xi32>
    %swap3A_703 = arith.constant 1072 : index
    %swap3A_704 = tpu.vector_load %arg5[%swap3A_703] {strides = array<i32>} : memref<2048xi32, #tpu.memory_space<vmem>>, vector<16xi32>,
    %swap3A_705 = vector.shape_cast %swap3A_704 : vector<16xi32> to vector<16xi32>
    %swap3A_706 = vector.shape_cast %add3A_702 : vector<16xi32> to vector<16xi32>
    tpu.vector_store %arg5[%swap3A_703], %swap3A_706 {strides = array<i32>} : memref<2048xi32, #tpu.memory_space<vmem>>, vector<16xi32>,
    %get3A_707 = arith.constant 1088 : index
    %get3A_708 = tpu.vector_load %arg5[%get3A_707] {strides = array<i32>} : memref<2048xi32, #tpu.memory_space<vmem>>, vector<16xi32>,
    %get3A_709 = vector.shape_cast %get3A_708 : vector<16xi32> to vector<16xi32>
    %add3A_710 = vector.broadcast %add3A_670 : i32 to vector<16xi32>
    %add3A_711 = arith.addi %get3A_709, %add3A_710 : vector<16xi32>
    %swap3A_712 = arith.constant 1088 : index
    %swap3A_713 = tpu.vector_load %arg5[%swap3A_712] {strides = array<i32>} : memref<2048xi32, #tpu.memory_space<vmem>>, vector<16xi32>,
    %swap3A_714 = vector.shape_cast %swap3A_713 : vector<16xi32> to vector<16xi32>
    %swap3A_715 = vector.shape_cast %add3A_711 : vector<16xi32> to vector<16xi32>
    tpu.vector_store %arg5[%swap3A_712], %swap3A_715 {strides = array<i32>} : memref<2048xi32, #tpu.memory_space<vmem>>, vector<16xi32>,
    %get3A_716 = arith.constant 1104 : index
    %get3A_717 = tpu.vector_load %arg5[%get3A_716] {strides = array<i32>} : memref<2048xi32, #tpu.memory_space<vmem>>, vector<16xi32>,
    %get3A_718 = vector.shape_cast %get3A_717 : vector<16xi32> to vector<16xi32>
    %add3A_719 = vector.broadcast %add3A_670 : i32 to vector<16xi32>
    %add3A_720 = arith.addi %get3A_718, %add3A_719 : vector<16xi32>
    %swap3A_721 = arith.constant 1104 : index
    %swap3A_722 = tpu.vector_load %arg5[%swap3A_721] {strides = array<i32>} : memref<2048xi32, #tpu.memory_space<vmem>>, vector<16xi32>,
    %swap3A_723 = vector.shape_cast %swap3A_722 : vector<16xi32> to vector<16xi32>
    %swap3A_724 = vector.shape_cast %add3A_720 : vector<16xi32> to vector<16xi32>
    tpu.vector_store %arg5[%swap3A_721], %swap3A_724 {strides = array<i32>} : memref<2048xi32, #tpu.memory_space<vmem>>, vector<16xi32>,
    %get3A_725 = arith.constant 1120 : index
    %get3A_726 = tpu.vector_load %arg5[%get3A_725] {strides = array<i32>} : memref<2048xi32, #tpu.memory_space<vmem>>, vector<16xi32>,
    %get3A_727 = vector.shape_cast %get3A_726 : vector<16xi32> to vector<16xi32>
    %add3A_728 = vector.broadcast %add3A_670 : i32 to vector<16xi32>
    %add3A_729 = arith.addi %get3A_727, %add3A_728 : vector<16xi32>
    %swap3A_730 = arith.constant 1120 : index
    %swap3A_731 = tpu.vector_load %arg5[%swap3A_730] {strides = array<i32>} : memref<2048xi32, #tpu.memory_space<vmem>>, vector<16xi32>,
    %swap3A_732 = vector.shape_cast %swap3A_731 : vector<16xi32> to vector<16xi32>
    %swap3A_733 = vector.shape_cast %add3A_729 : vector<16xi32> to vector<16xi32>
    tpu.vector_store %arg5[%swap3A_730], %swap3A_733 {strides = array<i32>} : memref<2048xi32, #tpu.memory_space<vmem>>, vector<16xi32>,
    %get3A_734 = arith.constant 1136 : index
    %get3A_735 = tpu.vector_load %arg5[%get3A_734] {strides = array<i32>} : memref<2048xi32, #tpu.memory_space<vmem>>, vector<16xi32>,
    %get3A_736 = vector.shape_cast %get3A_735 : vector<16xi32> to vector<16xi32>
    %add3A_737 = vector.broadcast %add3A_670 : i32 to vector<16xi32>
    %add3A_738 = arith.addi %get3A_736, %add3A_737 : vector<16xi32>
    %swap3A_739 = arith.constant 1136 : index
    %swap3A_740 = tpu.vector_load %arg5[%swap3A_739] {strides = array<i32>} : memref<2048xi32, #tpu.memory_space<vmem>>, vector<16xi32>,
    %swap3A_741 = vector.shape_cast %swap3A_740 : vector<16xi32> to vector<16xi32>
    %swap3A_742 = vector.shape_cast %add3A_738 : vector<16xi32> to vector<16xi32>
    tpu.vector_store %arg5[%swap3A_739], %swap3A_742 {strides = array<i32>} : memref<2048xi32, #tpu.memory_space<vmem>>, vector<16xi32>,
    %dma_start3A_743 = arith.constant 1024 : i32
    %dma_start3A_744 = arith.constant 0 : i32
    %dma_start3A_745 = tpu.memref_slice %arg6[%dma_start3A_743, %dma_start3A_744] : memref<2048x32xf32, #tpu.memory_space<vmem>> -> memref<128x32xf32, #tpu.memory_space<vmem>>
    %dma_start3A_746 = arith.constant 1024 : i32
    %dma_start3A_747 = tpu.memref_slice %arg5[%dma_start3A_746] : memref<2048xi32, #tpu.memory_space<vmem>> -> memref<128xi32, #tpu.memory_space<vmem>>
    %dma_start3A_748 = arith.constant 0 : i32
    %dma_start3A_749 = arith.constant 0 : i32
    %dma_start3A_750 = tpu.memref_slice %arg3[%dma_start3A_748, %dma_start3A_749] : memref<4096x32xf32, #tpu.memory_space<hbm>> -> memref<4096x32xf32, #tpu.memory_space<hbm>>
    tpu.enqueue_indirect_dma source(%dma_start3A_750 : memref<4096x32xf32, #tpu.memory_space<hbm>>) target(%dma_start3A_745 : memref<128x32xf32, #tpu.memory_space<vmem>>) offsets(%dma_start3A_747 : memref<128xi32, #tpu.memory_space<vmem>>) semaphore(%arg7 : memref<!tpu.dma_semaphore, #tpu.memory_space<semaphore_mem>>)
    %add3A_751 = arith.constant 32 : i32
    %add3A_752 = arith.addi %mul3A_15, %add3A_751 : i32
    %get3A_753 = arith.constant 1152 : index
    %get3A_754 = tpu.vector_load %arg5[%get3A_753] {strides = array<i32>} : memref<2048xi32, #tpu.memory_space<vmem>>, vector<16xi32>,
    %get3A_755 = vector.shape_cast %get3A_754 : vector<16xi32> to vector<16xi32>
    %add3A_756 = vector.broadcast %add3A_752 : i32 to vector<16xi32>
    %add3A_757 = arith.addi %get3A_755, %add3A_756 : vector<16xi32>
    %swap3A_758 = arith.constant 1152 : index
    %swap3A_759 = tpu.vector_load %arg5[%swap3A_758] {strides = array<i32>} : memref<2048xi32, #tpu.memory_space<vmem>>, vector<16xi32>,
    %swap3A_760 = vector.shape_cast %swap3A_759 : vector<16xi32> to vector<16xi32>
    %swap3A_761 = vector.shape_cast %add3A_757 : vector<16xi32> to vector<16xi32>
    tpu.vector_store %arg5[%swap3A_758], %swap3A_761 {strides = array<i32>} : memref<2048xi32, #tpu.memory_space<vmem>>, vector<16xi32>,
    %get3A_762 = arith.constant 1168 : index
    %get3A_763 = tpu.vector_load %arg5[%get3A_762] {strides = array<i32>} : memref<2048xi32, #tpu.memory_space<vmem>>, vector<16xi32>,
    %get3A_764 = vector.shape_cast %get3A_763 : vector<16xi32> to vector<16xi32>
    %add3A_765 = vector.broadcast %add3A_752 : i32 to vector<16xi32>
    %add3A_766 = arith.addi %get3A_764, %add3A_765 : vector<16xi32>
    %swap3A_767 = arith.constant 1168 : index
    %swap3A_768 = tpu.vector_load %arg5[%swap3A_767] {strides = array<i32>} : memref<2048xi32, #tpu.memory_space<vmem>>, vector<16xi32>,
    %swap3A_769 = vector.shape_cast %swap3A_768 : vector<16xi32> to vector<16xi32>
    %swap3A_770 = vector.shape_cast %add3A_766 : vector<16xi32> to vector<16xi32>
    tpu.vector_store %arg5[%swap3A_767], %swap3A_770 {strides = array<i32>} : memref<2048xi32, #tpu.memory_space<vmem>>, vector<16xi32>,
    %get3A_771 = arith.constant 1184 : index
    %get3A_772 = tpu.vector_load %arg5[%get3A_771] {strides = array<i32>} : memref<2048xi32, #tpu.memory_space<vmem>>, vector<16xi32>,
    %get3A_773 = vector.shape_cast %get3A_772 : vector<16xi32> to vector<16xi32>
    %add3A_774 = vector.broadcast %add3A_752 : i32 to vector<16xi32>
    %add3A_775 = arith.addi %get3A_773, %add3A_774 : vector<16xi32>
    %swap3A_776 = arith.constant 1184 : index
    %swap3A_777 = tpu.vector_load %arg5[%swap3A_776] {strides = array<i32>} : memref<2048xi32, #tpu.memory_space<vmem>>, vector<16xi32>,
    %swap3A_778 = vector.shape_cast %swap3A_777 : vector<16xi32> to vector<16xi32>
    %swap3A_779 = vector.shape_cast %add3A_775 : vector<16xi32> to vector<16xi32>
    tpu.vector_store %arg5[%swap3A_776], %swap3A_779 {strides = array<i32>} : memref<2048xi32, #tpu.memory_space<vmem>>, vector<16xi32>,
    %get3A_780 = arith.constant 1200 : index
    %get3A_781 = tpu.vector_load %arg5[%get3A_780] {strides = array<i32>} : memref<2048xi32, #tpu.memory_space<vmem>>, vector<16xi32>,
    %get3A_782 = vector.shape_cast %get3A_781 : vector<16xi32> to vector<16xi32>
    %add3A_783 = vector.broadcast %add3A_752 : i32 to vector<16xi32>
    %add3A_784 = arith.addi %get3A_782, %add3A_783 : vector<16xi32>
    %swap3A_785 = arith.constant 1200 : index
    %swap3A_786 = tpu.vector_load %arg5[%swap3A_785] {strides = array<i32>} : memref<2048xi32, #tpu.memory_space<vmem>>, vector<16xi32>,
    %swap3A_787 = vector.shape_cast %swap3A_786 : vector<16xi32> to vector<16xi32>
    %swap3A_788 = vector.shape_cast %add3A_784 : vector<16xi32> to vector<16xi32>
    tpu.vector_store %arg5[%swap3A_785], %swap3A_788 {strides = array<i32>} : memref<2048xi32, #tpu.memory_space<vmem>>, vector<16xi32>,
    %get3A_789 = arith.constant 1216 : index
    %get3A_790 = tpu.vector_load %arg5[%get3A_789] {strides = array<i32>} : memref<2048xi32, #tpu.memory_space<vmem>>, vector<16xi32>,
    %get3A_791 = vector.shape_cast %get3A_790 : vector<16xi32> to vector<16xi32>
    %add3A_792 = vector.broadcast %add3A_752 : i32 to vector<16xi32>
    %add3A_793 = arith.addi %get3A_791, %add3A_792 : vector<16xi32>
    %swap3A_794 = arith.constant 1216 : index
    %swap3A_795 = tpu.vector_load %arg5[%swap3A_794] {strides = array<i32>} : memref<2048xi32, #tpu.memory_space<vmem>>, vector<16xi32>,
    %swap3A_796 = vector.shape_cast %swap3A_795 : vector<16xi32> to vector<16xi32>
    %swap3A_797 = vector.shape_cast %add3A_793 : vector<16xi32> to vector<16xi32>
    tpu.vector_store %arg5[%swap3A_794], %swap3A_797 {strides = array<i32>} : memref<2048xi32, #tpu.memory_space<vmem>>, vector<16xi32>,
    %get3A_798 = arith.constant 1232 : index
    %get3A_799 = tpu.vector_load %arg5[%get3A_798] {strides = array<i32>} : memref<2048xi32, #tpu.memory_space<vmem>>, vector<16xi32>,
    %get3A_800 = vector.shape_cast %get3A_799 : vector<16xi32> to vector<16xi32>
    %add3A_801 = vector.broadcast %add3A_752 : i32 to vector<16xi32>
    %add3A_802 = arith.addi %get3A_800, %add3A_801 : vector<16xi32>
    %swap3A_803 = arith.constant 1232 : index
    %swap3A_804 = tpu.vector_load %arg5[%swap3A_803] {strides = array<i32>} : memref<2048xi32, #tpu.memory_space<vmem>>, vector<16xi32>,
    %swap3A_805 = vector.shape_cast %swap3A_804 : vector<16xi32> to vector<16xi32>
    %swap3A_806 = vector.shape_cast %add3A_802 : vector<16xi32> to vector<16xi32>
    tpu.vector_store %arg5[%swap3A_803], %swap3A_806 {strides = array<i32>} : memref<2048xi32, #tpu.memory_space<vmem>>, vector<16xi32>,
    %get3A_807 = arith.constant 1248 : index
    %get3A_808 = tpu.vector_load %arg5[%get3A_807] {strides = array<i32>} : memref<2048xi32, #tpu.memory_space<vmem>>, vector<16xi32>,
    %get3A_809 = vector.shape_cast %get3A_808 : vector<16xi32> to vector<16xi32>
    %add3A_810 = vector.broadcast %add3A_752 : i32 to vector<16xi32>
    %add3A_811 = arith.addi %get3A_809, %add3A_810 : vector<16xi32>
    %swap3A_812 = arith.constant 1248 : index
    %swap3A_813 = tpu.vector_load %arg5[%swap3A_812] {strides = array<i32>} : memref<2048xi32, #tpu.memory_space<vmem>>, vector<16xi32>,
    %swap3A_814 = vector.shape_cast %swap3A_813 : vector<16xi32> to vector<16xi32>
    %swap3A_815 = vector.shape_cast %add3A_811 : vector<16xi32> to vector<16xi32>
    tpu.vector_store %arg5[%swap3A_812], %swap3A_815 {strides = array<i32>} : memref<2048xi32, #tpu.memory_space<vmem>>, vector<16xi32>,
    %get3A_816 = arith.constant 1264 : index
    %get3A_817 = tpu.vector_load %arg5[%get3A_816] {strides = array<i32>} : memref<2048xi32, #tpu.memory_space<vmem>>, vector<16xi32>,
    %get3A_818 = vector.shape_cast %get3A_817 : vector<16xi32> to vector<16xi32>
    %add3A_819 = vector.broadcast %add3A_752 : i32 to vector<16xi32>
    %add3A_820 = arith.addi %get3A_818, %add3A_819 : vector<16xi32>
    %swap3A_821 = arith.constant 1264 : index
    %swap3A_822 = tpu.vector_load %arg5[%swap3A_821] {strides = array<i32>} : memref<2048xi32, #tpu.memory_space<vmem>>, vector<16xi32>,
    %swap3A_823 = vector.shape_cast %swap3A_822 : vector<16xi32> to vector<16xi32>
    %swap3A_824 = vector.shape_cast %add3A_820 : vector<16xi32> to vector<16xi32>
    tpu.vector_store %arg5[%swap3A_821], %swap3A_824 {strides = array<i32>} : memref<2048xi32, #tpu.memory_space<vmem>>, vector<16xi32>,
    %dma_start3A_825 = arith.constant 1152 : i32
    %dma_start3A_826 = arith.constant 0 : i32
    %dma_start3A_827 = tpu.memref_slice %arg6[%dma_start3A_825, %dma_start3A_826] : memref<2048x32xf32, #tpu.memory_space<vmem>> -> memref<128x32xf32, #tpu.memory_space<vmem>>
    %dma_start3A_828 = arith.constant 1152 : i32
    %dma_start3A_829 = tpu.memref_slice %arg5[%dma_start3A_828] : memref<2048xi32, #tpu.memory_space<vmem>> -> memref<128xi32, #tpu.memory_space<vmem>>
    %dma_start3A_830 = arith.constant 0 : i32
    %dma_start3A_831 = arith.constant 0 : i32
    %dma_start3A_832 = tpu.memref_slice %arg3[%dma_start3A_830, %dma_start3A_831] : memref<4096x32xf32, #tpu.memory_space<hbm>> -> memref<4096x32xf32, #tpu.memory_space<hbm>>
    tpu.enqueue_indirect_dma source(%dma_start3A_832 : memref<4096x32xf32, #tpu.memory_space<hbm>>) target(%dma_start3A_827 : memref<128x32xf32, #tpu.memory_space<vmem>>) offsets(%dma_start3A_829 : memref<128xi32, #tpu.memory_space<vmem>>) semaphore(%arg7 : memref<!tpu.dma_semaphore, #tpu.memory_space<semaphore_mem>>)
    %add3A_833 = arith.constant 64 : i32
    %add3A_834 = arith.addi %mul3A_15, %add3A_833 : i32
    %get3A_835 = arith.constant 1280 : index
    %get3A_836 = tpu.vector_load %arg5[%get3A_835] {strides = array<i32>} : memref<2048xi32, #tpu.memory_space<vmem>>, vector<16xi32>,
    %get3A_837 = vector.shape_cast %get3A_836 : vector<16xi32> to vector<16xi32>
    %add3A_838 = vector.broadcast %add3A_834 : i32 to vector<16xi32>
    %add3A_839 = arith.addi %get3A_837, %add3A_838 : vector<16xi32>
    %swap3A_840 = arith.constant 1280 : index
    %swap3A_841 = tpu.vector_load %arg5[%swap3A_840] {strides = array<i32>} : memref<2048xi32, #tpu.memory_space<vmem>>, vector<16xi32>,
    %swap3A_842 = vector.shape_cast %swap3A_841 : vector<16xi32> to vector<16xi32>
    %swap3A_843 = vector.shape_cast %add3A_839 : vector<16xi32> to vector<16xi32>
    tpu.vector_store %arg5[%swap3A_840], %swap3A_843 {strides = array<i32>} : memref<2048xi32, #tpu.memory_space<vmem>>, vector<16xi32>,
    %get3A_844 = arith.constant 1296 : index
    %get3A_845 = tpu.vector_load %arg5[%get3A_844] {strides = array<i32>} : memref<2048xi32, #tpu.memory_space<vmem>>, vector<16xi32>,
    %get3A_846 = vector.shape_cast %get3A_845 : vector<16xi32> to vector<16xi32>
    %add3A_847 = vector.broadcast %add3A_834 : i32 to vector<16xi32>
    %add3A_848 = arith.addi %get3A_846, %add3A_847 : vector<16xi32>
    %swap3A_849 = arith.constant 1296 : index
    %swap3A_850 = tpu.vector_load %arg5[%swap3A_849] {strides = array<i32>} : memref<2048xi32, #tpu.memory_space<vmem>>, vector<16xi32>,
    %swap3A_851 = vector.shape_cast %swap3A_850 : vector<16xi32> to vector<16xi32>
    %swap3A_852 = vector.shape_cast %add3A_848 : vector<16xi32> to vector<16xi32>
    tpu.vector_store %arg5[%swap3A_849], %swap3A_852 {strides = array<i32>} : memref<2048xi32, #tpu.memory_space<vmem>>, vector<16xi32>,
    %get3A_853 = arith.constant 1312 : index
    %get3A_854 = tpu.vector_load %arg5[%get3A_853] {strides = array<i32>} : memref<2048xi32, #tpu.memory_space<vmem>>, vector<16xi32>,
    %get3A_855 = vector.shape_cast %get3A_854 : vector<16xi32> to vector<16xi32>
    %add3A_856 = vector.broadcast %add3A_834 : i32 to vector<16xi32>
    %add3A_857 = arith.addi %get3A_855, %add3A_856 : vector<16xi32>
    %swap3A_858 = arith.constant 1312 : index
    %swap3A_859 = tpu.vector_load %arg5[%swap3A_858] {strides = array<i32>} : memref<2048xi32, #tpu.memory_space<vmem>>, vector<16xi32>,
    %swap3A_860 = vector.shape_cast %swap3A_859 : vector<16xi32> to vector<16xi32>
    %swap3A_861 = vector.shape_cast %add3A_857 : vector<16xi32> to vector<16xi32>
    tpu.vector_store %arg5[%swap3A_858], %swap3A_861 {strides = array<i32>} : memref<2048xi32, #tpu.memory_space<vmem>>, vector<16xi32>,
    %get3A_862 = arith.constant 1328 : index
    %get3A_863 = tpu.vector_load %arg5[%get3A_862] {strides = array<i32>} : memref<2048xi32, #tpu.memory_space<vmem>>, vector<16xi32>,
    %get3A_864 = vector.shape_cast %get3A_863 : vector<16xi32> to vector<16xi32>
    %add3A_865 = vector.broadcast %add3A_834 : i32 to vector<16xi32>
    %add3A_866 = arith.addi %get3A_864, %add3A_865 : vector<16xi32>
    %swap3A_867 = arith.constant 1328 : index
    %swap3A_868 = tpu.vector_load %arg5[%swap3A_867] {strides = array<i32>} : memref<2048xi32, #tpu.memory_space<vmem>>, vector<16xi32>,
    %swap3A_869 = vector.shape_cast %swap3A_868 : vector<16xi32> to vector<16xi32>
    %swap3A_870 = vector.shape_cast %add3A_866 : vector<16xi32> to vector<16xi32>
    tpu.vector_store %arg5[%swap3A_867], %swap3A_870 {strides = array<i32>} : memref<2048xi32, #tpu.memory_space<vmem>>, vector<16xi32>,
    %get3A_871 = arith.constant 1344 : index
    %get3A_872 = tpu.vector_load %arg5[%get3A_871] {strides = array<i32>} : memref<2048xi32, #tpu.memory_space<vmem>>, vector<16xi32>,
    %get3A_873 = vector.shape_cast %get3A_872 : vector<16xi32> to vector<16xi32>
    %add3A_874 = vector.broadcast %add3A_834 : i32 to vector<16xi32>
    %add3A_875 = arith.addi %get3A_873, %add3A_874 : vector<16xi32>
    %swap3A_876 = arith.constant 1344 : index
    %swap3A_877 = tpu.vector_load %arg5[%swap3A_876] {strides = array<i32>} : memref<2048xi32, #tpu.memory_space<vmem>>, vector<16xi32>,
    %swap3A_878 = vector.shape_cast %swap3A_877 : vector<16xi32> to vector<16xi32>
    %swap3A_879 = vector.shape_cast %add3A_875 : vector<16xi32> to vector<16xi32>
    tpu.vector_store %arg5[%swap3A_876], %swap3A_879 {strides = array<i32>} : memref<2048xi32, #tpu.memory_space<vmem>>, vector<16xi32>,
    %get3A_880 = arith.constant 1360 : index
    %get3A_881 = tpu.vector_load %arg5[%get3A_880] {strides = array<i32>} : memref<2048xi32, #tpu.memory_space<vmem>>, vector<16xi32>,
    %get3A_882 = vector.shape_cast %get3A_881 : vector<16xi32> to vector<16xi32>
    %add3A_883 = vector.broadcast %add3A_834 : i32 to vector<16xi32>
    %add3A_884 = arith.addi %get3A_882, %add3A_883 : vector<16xi32>
    %swap3A_885 = arith.constant 1360 : index
    %swap3A_886 = tpu.vector_load %arg5[%swap3A_885] {strides = array<i32>} : memref<2048xi32, #tpu.memory_space<vmem>>, vector<16xi32>,
    %swap3A_887 = vector.shape_cast %swap3A_886 : vector<16xi32> to vector<16xi32>
    %swap3A_888 = vector.shape_cast %add3A_884 : vector<16xi32> to vector<16xi32>
    tpu.vector_store %arg5[%swap3A_885], %swap3A_888 {strides = array<i32>} : memref<2048xi32, #tpu.memory_space<vmem>>, vector<16xi32>,
    %get3A_889 = arith.constant 1376 : index
    %get3A_890 = tpu.vector_load %arg5[%get3A_889] {strides = array<i32>} : memref<2048xi32, #tpu.memory_space<vmem>>, vector<16xi32>,
    %get3A_891 = vector.shape_cast %get3A_890 : vector<16xi32> to vector<16xi32>
    %add3A_892 = vector.broadcast %add3A_834 : i32 to vector<16xi32>
    %add3A_893 = arith.addi %get3A_891, %add3A_892 : vector<16xi32>
    %swap3A_894 = arith.constant 1376 : index
    %swap3A_895 = tpu.vector_load %arg5[%swap3A_894] {strides = array<i32>} : memref<2048xi32, #tpu.memory_space<vmem>>, vector<16xi32>,
    %swap3A_896 = vector.shape_cast %swap3A_895 : vector<16xi32> to vector<16xi32>
    %swap3A_897 = vector.shape_cast %add3A_893 : vector<16xi32> to vector<16xi32>
    tpu.vector_store %arg5[%swap3A_894], %swap3A_897 {strides = array<i32>} : memref<2048xi32, #tpu.memory_space<vmem>>, vector<16xi32>,
    %get3A_898 = arith.constant 1392 : index
    %get3A_899 = tpu.vector_load %arg5[%get3A_898] {strides = array<i32>} : memref<2048xi32, #tpu.memory_space<vmem>>, vector<16xi32>,
    %get3A_900 = vector.shape_cast %get3A_899 : vector<16xi32> to vector<16xi32>
    %add3A_901 = vector.broadcast %add3A_834 : i32 to vector<16xi32>
    %add3A_902 = arith.addi %get3A_900, %add3A_901 : vector<16xi32>
    %swap3A_903 = arith.constant 1392 : index
    %swap3A_904 = tpu.vector_load %arg5[%swap3A_903] {strides = array<i32>} : memref<2048xi32, #tpu.memory_space<vmem>>, vector<16xi32>,
    %swap3A_905 = vector.shape_cast %swap3A_904 : vector<16xi32> to vector<16xi32>
    %swap3A_906 = vector.shape_cast %add3A_902 : vector<16xi32> to vector<16xi32>
    tpu.vector_store %arg5[%swap3A_903], %swap3A_906 {strides = array<i32>} : memref<2048xi32, #tpu.memory_space<vmem>>, vector<16xi32>,
    %dma_start3A_907 = arith.constant 1280 : i32
    %dma_start3A_908 = arith.constant 0 : i32
    %dma_start3A_909 = tpu.memref_slice %arg6[%dma_start3A_907, %dma_start3A_908] : memref<2048x32xf32, #tpu.memory_space<vmem>> -> memref<128x32xf32, #tpu.memory_space<vmem>>
    %dma_start3A_910 = arith.constant 1280 : i32
    %dma_start3A_911 = tpu.memref_slice %arg5[%dma_start3A_910] : memref<2048xi32, #tpu.memory_space<vmem>> -> memref<128xi32, #tpu.memory_space<vmem>>
    %dma_start3A_912 = arith.constant 0 : i32
    %dma_start3A_913 = arith.constant 0 : i32
    %dma_start3A_914 = tpu.memref_slice %arg3[%dma_start3A_912, %dma_start3A_913] : memref<4096x32xf32, #tpu.memory_space<hbm>> -> memref<4096x32xf32, #tpu.memory_space<hbm>>
    tpu.enqueue_indirect_dma source(%dma_start3A_914 : memref<4096x32xf32, #tpu.memory_space<hbm>>) target(%dma_start3A_909 : memref<128x32xf32, #tpu.memory_space<vmem>>) offsets(%dma_start3A_911 : memref<128xi32, #tpu.memory_space<vmem>>) semaphore(%arg7 : memref<!tpu.dma_semaphore, #tpu.memory_space<semaphore_mem>>)
    %add3A_915 = arith.constant 96 : i32
    %add3A_916 = arith.addi %mul3A_15, %add3A_915 : i32
    %get3A_917 = arith.constant 1408 : index
    %get3A_918 = tpu.vector_load %arg5[%get3A_917] {strides = array<i32>} : memref<2048xi32, #tpu.memory_space<vmem>>, vector<16xi32>,
    %get3A_919 = vector.shape_cast %get3A_918 : vector<16xi32> to vector<16xi32>
    %add3A_920 = vector.broadcast %add3A_916 : i32 to vector<16xi32>
    %add3A_921 = arith.addi %get3A_919, %add3A_920 : vector<16xi32>
    %swap3A_922 = arith.constant 1408 : index
    %swap3A_923 = tpu.vector_load %arg5[%swap3A_922] {strides = array<i32>} : memref<2048xi32, #tpu.memory_space<vmem>>, vector<16xi32>,
    %swap3A_924 = vector.shape_cast %swap3A_923 : vector<16xi32> to vector<16xi32>
    %swap3A_925 = vector.shape_cast %add3A_921 : vector<16xi32> to vector<16xi32>
    tpu.vector_store %arg5[%swap3A_922], %swap3A_925 {strides = array<i32>} : memref<2048xi32, #tpu.memory_space<vmem>>, vector<16xi32>,
    %get3A_926 = arith.constant 1424 : index
    %get3A_927 = tpu.vector_load %arg5[%get3A_926] {strides = array<i32>} : memref<2048xi32, #tpu.memory_space<vmem>>, vector<16xi32>,
    %get3A_928 = vector.shape_cast %get3A_927 : vector<16xi32> to vector<16xi32>
    %add3A_929 = vector.broadcast %add3A_916 : i32 to vector<16xi32>
    %add3A_930 = arith.addi %get3A_928, %add3A_929 : vector<16xi32>
    %swap3A_931 = arith.constant 1424 : index
    %swap3A_932 = tpu.vector_load %arg5[%swap3A_931] {strides = array<i32>} : memref<2048xi32, #tpu.memory_space<vmem>>, vector<16xi32>,
    %swap3A_933 = vector.shape_cast %swap3A_932 : vector<16xi32> to vector<16xi32>
    %swap3A_934 = vector.shape_cast %add3A_930 : vector<16xi32> to vector<16xi32>
    tpu.vector_store %arg5[%swap3A_931], %swap3A_934 {strides = array<i32>} : memref<2048xi32, #tpu.memory_space<vmem>>, vector<16xi32>,
    %get3A_935 = arith.constant 1440 : index
    %get3A_936 = tpu.vector_load %arg5[%get3A_935] {strides = array<i32>} : memref<2048xi32, #tpu.memory_space<vmem>>, vector<16xi32>,
    %get3A_937 = vector.shape_cast %get3A_936 : vector<16xi32> to vector<16xi32>
    %add3A_938 = vector.broadcast %add3A_916 : i32 to vector<16xi32>
    %add3A_939 = arith.addi %get3A_937, %add3A_938 : vector<16xi32>
    %swap3A_940 = arith.constant 1440 : index
    %swap3A_941 = tpu.vector_load %arg5[%swap3A_940] {strides = array<i32>} : memref<2048xi32, #tpu.memory_space<vmem>>, vector<16xi32>,
    %swap3A_942 = vector.shape_cast %swap3A_941 : vector<16xi32> to vector<16xi32>
    %swap3A_943 = vector.shape_cast %add3A_939 : vector<16xi32> to vector<16xi32>
    tpu.vector_store %arg5[%swap3A_940], %swap3A_943 {strides = array<i32>} : memref<2048xi32, #tpu.memory_space<vmem>>, vector<16xi32>,
    %get3A_944 = arith.constant 1456 : index
    %get3A_945 = tpu.vector_load %arg5[%get3A_944] {strides = array<i32>} : memref<2048xi32, #tpu.memory_space<vmem>>, vector<16xi32>,
    %get3A_946 = vector.shape_cast %get3A_945 : vector<16xi32> to vector<16xi32>
    %add3A_947 = vector.broadcast %add3A_916 : i32 to vector<16xi32>
    %add3A_948 = arith.addi %get3A_946, %add3A_947 : vector<16xi32>
    %swap3A_949 = arith.constant 1456 : index
    %swap3A_950 = tpu.vector_load %arg5[%swap3A_949] {strides = array<i32>} : memref<2048xi32, #tpu.memory_space<vmem>>, vector<16xi32>,
    %swap3A_951 = vector.shape_cast %swap3A_950 : vector<16xi32> to vector<16xi32>
    %swap3A_952 = vector.shape_cast %add3A_948 : vector<16xi32> to vector<16xi32>
    tpu.vector_store %arg5[%swap3A_949], %swap3A_952 {strides = array<i32>} : memref<2048xi32, #tpu.memory_space<vmem>>, vector<16xi32>,
    %get3A_953 = arith.constant 1472 : index
    %get3A_954 = tpu.vector_load %arg5[%get3A_953] {strides = array<i32>} : memref<2048xi32, #tpu.memory_space<vmem>>, vector<16xi32>,
    %get3A_955 = vector.shape_cast %get3A_954 : vector<16xi32> to vector<16xi32>
    %add3A_956 = vector.broadcast %add3A_916 : i32 to vector<16xi32>
    %add3A_957 = arith.addi %get3A_955, %add3A_956 : vector<16xi32>
    %swap3A_958 = arith.constant 1472 : index
    %swap3A_959 = tpu.vector_load %arg5[%swap3A_958] {strides = array<i32>} : memref<2048xi32, #tpu.memory_space<vmem>>, vector<16xi32>,
    %swap3A_960 = vector.shape_cast %swap3A_959 : vector<16xi32> to vector<16xi32>
    %swap3A_961 = vector.shape_cast %add3A_957 : vector<16xi32> to vector<16xi32>
    tpu.vector_store %arg5[%swap3A_958], %swap3A_961 {strides = array<i32>} : memref<2048xi32, #tpu.memory_space<vmem>>, vector<16xi32>,
    %get3A_962 = arith.constant 1488 : index
    %get3A_963 = tpu.vector_load %arg5[%get3A_962] {strides = array<i32>} : memref<2048xi32, #tpu.memory_space<vmem>>, vector<16xi32>,
    %get3A_964 = vector.shape_cast %get3A_963 : vector<16xi32> to vector<16xi32>
    %add3A_965 = vector.broadcast %add3A_916 : i32 to vector<16xi32>
    %add3A_966 = arith.addi %get3A_964, %add3A_965 : vector<16xi32>
    %swap3A_967 = arith.constant 1488 : index
    %swap3A_968 = tpu.vector_load %arg5[%swap3A_967] {strides = array<i32>} : memref<2048xi32, #tpu.memory_space<vmem>>, vector<16xi32>,
    %swap3A_969 = vector.shape_cast %swap3A_968 : vector<16xi32> to vector<16xi32>
    %swap3A_970 = vector.shape_cast %add3A_966 : vector<16xi32> to vector<16xi32>
    tpu.vector_store %arg5[%swap3A_967], %swap3A_970 {strides = array<i32>} : memref<2048xi32, #tpu.memory_space<vmem>>, vector<16xi32>,
    %get3A_971 = arith.constant 1504 : index
    %get3A_972 = tpu.vector_load %arg5[%get3A_971] {strides = array<i32>} : memref<2048xi32, #tpu.memory_space<vmem>>, vector<16xi32>,
    %get3A_973 = vector.shape_cast %get3A_972 : vector<16xi32> to vector<16xi32>
    %add3A_974 = vector.broadcast %add3A_916 : i32 to vector<16xi32>
    %add3A_975 = arith.addi %get3A_973, %add3A_974 : vector<16xi32>
    %swap3A_976 = arith.constant 1504 : index
    %swap3A_977 = tpu.vector_load %arg5[%swap3A_976] {strides = array<i32>} : memref<2048xi32, #tpu.memory_space<vmem>>, vector<16xi32>,
    %swap3A_978 = vector.shape_cast %swap3A_977 : vector<16xi32> to vector<16xi32>
    %swap3A_979 = vector.shape_cast %add3A_975 : vector<16xi32> to vector<16xi32>
    tpu.vector_store %arg5[%swap3A_976], %swap3A_979 {strides = array<i32>} : memref<2048xi32, #tpu.memory_space<vmem>>, vector<16xi32>,
    %get3A_980 = arith.constant 1520 : index
    %get3A_981 = tpu.vector_load %arg5[%get3A_980] {strides = array<i32>} : memref<2048xi32, #tpu.memory_space<vmem>>, vector<16xi32>,
    %get3A_982 = vector.shape_cast %get3A_981 : vector<16xi32> to vector<16xi32>
    %add3A_983 = vector.broadcast %add3A_916 : i32 to vector<16xi32>
    %add3A_984 = arith.addi %get3A_982, %add3A_983 : vector<16xi32>
    %swap3A_985 = arith.constant 1520 : index
    %swap3A_986 = tpu.vector_load %arg5[%swap3A_985] {strides = array<i32>} : memref<2048xi32, #tpu.memory_space<vmem>>, vector<16xi32>,
    %swap3A_987 = vector.shape_cast %swap3A_986 : vector<16xi32> to vector<16xi32>
    %swap3A_988 = vector.shape_cast %add3A_984 : vector<16xi32> to vector<16xi32>
    tpu.vector_store %arg5[%swap3A_985], %swap3A_988 {strides = array<i32>} : memref<2048xi32, #tpu.memory_space<vmem>>, vector<16xi32>,
    %dma_start3A_989 = arith.constant 1408 : i32
    %dma_start3A_990 = arith.constant 0 : i32
    %dma_start3A_991 = tpu.memref_slice %arg6[%dma_start3A_989, %dma_start3A_990] : memref<2048x32xf32, #tpu.memory_space<vmem>> -> memref<128x32xf32, #tpu.memory_space<vmem>>
    %dma_start3A_992 = arith.constant 1408 : i32
    %dma_start3A_993 = tpu.memref_slice %arg5[%dma_start3A_992] : memref<2048xi32, #tpu.memory_space<vmem>> -> memref<128xi32, #tpu.memory_space<vmem>>
    %dma_start3A_994 = arith.constant 0 : i32
    %dma_start3A_995 = arith.constant 0 : i32
    %dma_start3A_996 = tpu.memref_slice %arg3[%dma_start3A_994, %dma_start3A_995] : memref<4096x32xf32, #tpu.memory_space<hbm>> -> memref<4096x32xf32, #tpu.memory_space<hbm>>
    tpu.enqueue_indirect_dma source(%dma_start3A_996 : memref<4096x32xf32, #tpu.memory_space<hbm>>) target(%dma_start3A_991 : memref<128x32xf32, #tpu.memory_space<vmem>>) offsets(%dma_start3A_993 : memref<128xi32, #tpu.memory_space<vmem>>) semaphore(%arg7 : memref<!tpu.dma_semaphore, #tpu.memory_space<semaphore_mem>>)
    %add3A_997 = arith.constant 0 : i32
    %add3A_998 = arith.addi %mul3A_15, %add3A_997 : i32
    %get3A_999 = arith.constant 1536 : index
    %get3A_1000 = tpu.vector_load %arg5[%get3A_999] {strides = array<i32>} : memref<2048xi32, #tpu.memory_space<vmem>>, vector<16xi32>,
    %get3A_1001 = vector.shape_cast %get3A_1000 : vector<16xi32> to vector<16xi32>
    %add3A_1002 = vector.broadcast %add3A_998 : i32 to vector<16xi32>
    %add3A_1003 = arith.addi %get3A_1001, %add3A_1002 : vector<16xi32>
    %swap3A_1004 = arith.constant 1536 : index
    %swap3A_1005 = tpu.vector_load %arg5[%swap3A_1004] {strides = array<i32>} : memref<2048xi32, #tpu.memory_space<vmem>>, vector<16xi32>,
    %swap3A_1006 = vector.shape_cast %swap3A_1005 : vector<16xi32> to vector<16xi32>
    %swap3A_1007 = vector.shape_cast %add3A_1003 : vector<16xi32> to vector<16xi32>
    tpu.vector_store %arg5[%swap3A_1004], %swap3A_1007 {strides = array<i32>} : memref<2048xi32, #tpu.memory_space<vmem>>, vector<16xi32>,
    %get3A_1008 = arith.constant 1552 : index
    %get3A_1009 = tpu.vector_load %arg5[%get3A_1008] {strides = array<i32>} : memref<2048xi32, #tpu.memory_space<vmem>>, vector<16xi32>,
    %get3A_1010 = vector.shape_cast %get3A_1009 : vector<16xi32> to vector<16xi32>
    %add3A_1011 = vector.broadcast %add3A_998 : i32 to vector<16xi32>
    %add3A_1012 = arith.addi %get3A_1010, %add3A_1011 : vector<16xi32>
    %swap3A_1013 = arith.constant 1552 : index
    %swap3A_1014 = tpu.vector_load %arg5[%swap3A_1013] {strides = array<i32>} : memref<2048xi32, #tpu.memory_space<vmem>>, vector<16xi32>,
    %swap3A_1015 = vector.shape_cast %swap3A_1014 : vector<16xi32> to vector<16xi32>
    %swap3A_1016 = vector.shape_cast %add3A_1012 : vector<16xi32> to vector<16xi32>
    tpu.vector_store %arg5[%swap3A_1013], %swap3A_1016 {strides = array<i32>} : memref<2048xi32, #tpu.memory_space<vmem>>, vector<16xi32>,
    %get3A_1017 = arith.constant 1568 : index
    %get3A_1018 = tpu.vector_load %arg5[%get3A_1017] {strides = array<i32>} : memref<2048xi32, #tpu.memory_space<vmem>>, vector<16xi32>,
    %get3A_1019 = vector.shape_cast %get3A_1018 : vector<16xi32> to vector<16xi32>
    %add3A_1020 = vector.broadcast %add3A_998 : i32 to vector<16xi32>
    %add3A_1021 = arith.addi %get3A_1019, %add3A_1020 : vector<16xi32>
    %swap3A_1022 = arith.constant 1568 : index
    %swap3A_1023 = tpu.vector_load %arg5[%swap3A_1022] {strides = array<i32>} : memref<2048xi32, #tpu.memory_space<vmem>>, vector<16xi32>,
    %swap3A_1024 = vector.shape_cast %swap3A_1023 : vector<16xi32> to vector<16xi32>
    %swap3A_1025 = vector.shape_cast %add3A_1021 : vector<16xi32> to vector<16xi32>
    tpu.vector_store %arg5[%swap3A_1022], %swap3A_1025 {strides = array<i32>} : memref<2048xi32, #tpu.memory_space<vmem>>, vector<16xi32>,
    %get3A_1026 = arith.constant 1584 : index
    %get3A_1027 = tpu.vector_load %arg5[%get3A_1026] {strides = array<i32>} : memref<2048xi32, #tpu.memory_space<vmem>>, vector<16xi32>,
    %get3A_1028 = vector.shape_cast %get3A_1027 : vector<16xi32> to vector<16xi32>
    %add3A_1029 = vector.broadcast %add3A_998 : i32 to vector<16xi32>
    %add3A_1030 = arith.addi %get3A_1028, %add3A_1029 : vector<16xi32>
    %swap3A_1031 = arith.constant 1584 : index
    %swap3A_1032 = tpu.vector_load %arg5[%swap3A_1031] {strides = array<i32>} : memref<2048xi32, #tpu.memory_space<vmem>>, vector<16xi32>,
    %swap3A_1033 = vector.shape_cast %swap3A_1032 : vector<16xi32> to vector<16xi32>
    %swap3A_1034 = vector.shape_cast %add3A_1030 : vector<16xi32> to vector<16xi32>
    tpu.vector_store %arg5[%swap3A_1031], %swap3A_1034 {strides = array<i32>} : memref<2048xi32, #tpu.memory_space<vmem>>, vector<16xi32>,
    %get3A_1035 = arith.constant 1600 : index
    %get3A_1036 = tpu.vector_load %arg5[%get3A_1035] {strides = array<i32>} : memref<2048xi32, #tpu.memory_space<vmem>>, vector<16xi32>,
    %get3A_1037 = vector.shape_cast %get3A_1036 : vector<16xi32> to vector<16xi32>
    %add3A_1038 = vector.broadcast %add3A_998 : i32 to vector<16xi32>
    %add3A_1039 = arith.addi %get3A_1037, %add3A_1038 : vector<16xi32>
    %swap3A_1040 = arith.constant 1600 : index
    %swap3A_1041 = tpu.vector_load %arg5[%swap3A_1040] {strides = array<i32>} : memref<2048xi32, #tpu.memory_space<vmem>>, vector<16xi32>,
    %swap3A_1042 = vector.shape_cast %swap3A_1041 : vector<16xi32> to vector<16xi32>
    %swap3A_1043 = vector.shape_cast %add3A_1039 : vector<16xi32> to vector<16xi32>
    tpu.vector_store %arg5[%swap3A_1040], %swap3A_1043 {strides = array<i32>} : memref<2048xi32, #tpu.memory_space<vmem>>, vector<16xi32>,
    %get3A_1044 = arith.constant 1616 : index
    %get3A_1045 = tpu.vector_load %arg5[%get3A_1044] {strides = array<i32>} : memref<2048xi32, #tpu.memory_space<vmem>>, vector<16xi32>,
    %get3A_1046 = vector.shape_cast %get3A_1045 : vector<16xi32> to vector<16xi32>
    %add3A_1047 = vector.broadcast %add3A_998 : i32 to vector<16xi32>
    %add3A_1048 = arith.addi %get3A_1046, %add3A_1047 : vector<16xi32>
    %swap3A_1049 = arith.constant 1616 : index
    %swap3A_1050 = tpu.vector_load %arg5[%swap3A_1049] {strides = array<i32>} : memref<2048xi32, #tpu.memory_space<vmem>>, vector<16xi32>,
    %swap3A_1051 = vector.shape_cast %swap3A_1050 : vector<16xi32> to vector<16xi32>
    %swap3A_1052 = vector.shape_cast %add3A_1048 : vector<16xi32> to vector<16xi32>
    tpu.vector_store %arg5[%swap3A_1049], %swap3A_1052 {strides = array<i32>} : memref<2048xi32, #tpu.memory_space<vmem>>, vector<16xi32>,
    %get3A_1053 = arith.constant 1632 : index
    %get3A_1054 = tpu.vector_load %arg5[%get3A_1053] {strides = array<i32>} : memref<2048xi32, #tpu.memory_space<vmem>>, vector<16xi32>,
    %get3A_1055 = vector.shape_cast %get3A_1054 : vector<16xi32> to vector<16xi32>
    %add3A_1056 = vector.broadcast %add3A_998 : i32 to vector<16xi32>
    %add3A_1057 = arith.addi %get3A_1055, %add3A_1056 : vector<16xi32>
    %swap3A_1058 = arith.constant 1632 : index
    %swap3A_1059 = tpu.vector_load %arg5[%swap3A_1058] {strides = array<i32>} : memref<2048xi32, #tpu.memory_space<vmem>>, vector<16xi32>,
    %swap3A_1060 = vector.shape_cast %swap3A_1059 : vector<16xi32> to vector<16xi32>
    %swap3A_1061 = vector.shape_cast %add3A_1057 : vector<16xi32> to vector<16xi32>
    tpu.vector_store %arg5[%swap3A_1058], %swap3A_1061 {strides = array<i32>} : memref<2048xi32, #tpu.memory_space<vmem>>, vector<16xi32>,
    %get3A_1062 = arith.constant 1648 : index
    %get3A_1063 = tpu.vector_load %arg5[%get3A_1062] {strides = array<i32>} : memref<2048xi32, #tpu.memory_space<vmem>>, vector<16xi32>,
    %get3A_1064 = vector.shape_cast %get3A_1063 : vector<16xi32> to vector<16xi32>
    %add3A_1065 = vector.broadcast %add3A_998 : i32 to vector<16xi32>
    %add3A_1066 = arith.addi %get3A_1064, %add3A_1065 : vector<16xi32>
    %swap3A_1067 = arith.constant 1648 : index
    %swap3A_1068 = tpu.vector_load %arg5[%swap3A_1067] {strides = array<i32>} : memref<2048xi32, #tpu.memory_space<vmem>>, vector<16xi32>,
    %swap3A_1069 = vector.shape_cast %swap3A_1068 : vector<16xi32> to vector<16xi32>
    %swap3A_1070 = vector.shape_cast %add3A_1066 : vector<16xi32> to vector<16xi32>
    tpu.vector_store %arg5[%swap3A_1067], %swap3A_1070 {strides = array<i32>} : memref<2048xi32, #tpu.memory_space<vmem>>, vector<16xi32>,
    %dma_start3A_1071 = arith.constant 1536 : i32
    %dma_start3A_1072 = arith.constant 0 : i32
    %dma_start3A_1073 = tpu.memref_slice %arg6[%dma_start3A_1071, %dma_start3A_1072] : memref<2048x32xf32, #tpu.memory_space<vmem>> -> memref<128x32xf32, #tpu.memory_space<vmem>>
    %dma_start3A_1074 = arith.constant 1536 : i32
    %dma_start3A_1075 = tpu.memref_slice %arg5[%dma_start3A_1074] : memref<2048xi32, #tpu.memory_space<vmem>> -> memref<128xi32, #tpu.memory_space<vmem>>
    %dma_start3A_1076 = arith.constant 0 : i32
    %dma_start3A_1077 = arith.constant 0 : i32
    %dma_start3A_1078 = tpu.memref_slice %arg3[%dma_start3A_1076, %dma_start3A_1077] : memref<4096x32xf32, #tpu.memory_space<hbm>> -> memref<4096x32xf32, #tpu.memory_space<hbm>>
    tpu.enqueue_indirect_dma source(%dma_start3A_1078 : memref<4096x32xf32, #tpu.memory_space<hbm>>) target(%dma_start3A_1073 : memref<128x32xf32, #tpu.memory_space<vmem>>) offsets(%dma_start3A_1075 : memref<128xi32, #tpu.memory_space<vmem>>) semaphore(%arg7 : memref<!tpu.dma_semaphore, #tpu.memory_space<semaphore_mem>>)
    %add3A_1079 = arith.constant 32 : i32
    %add3A_1080 = arith.addi %mul3A_15, %add3A_1079 : i32
    %get3A_1081 = arith.constant 1664 : index
    %get3A_1082 = tpu.vector_load %arg5[%get3A_1081] {strides = array<i32>} : memref<2048xi32, #tpu.memory_space<vmem>>, vector<16xi32>,
    %get3A_1083 = vector.shape_cast %get3A_1082 : vector<16xi32> to vector<16xi32>
    %add3A_1084 = vector.broadcast %add3A_1080 : i32 to vector<16xi32>
    %add3A_1085 = arith.addi %get3A_1083, %add3A_1084 : vector<16xi32>
    %swap3A_1086 = arith.constant 1664 : index
    %swap3A_1087 = tpu.vector_load %arg5[%swap3A_1086] {strides = array<i32>} : memref<2048xi32, #tpu.memory_space<vmem>>, vector<16xi32>,
    %swap3A_1088 = vector.shape_cast %swap3A_1087 : vector<16xi32> to vector<16xi32>
    %swap3A_1089 = vector.shape_cast %add3A_1085 : vector<16xi32> to vector<16xi32>
    tpu.vector_store %arg5[%swap3A_1086], %swap3A_1089 {strides = array<i32>} : memref<2048xi32, #tpu.memory_space<vmem>>, vector<16xi32>,
    %get3A_1090 = arith.constant 1680 : index
    %get3A_1091 = tpu.vector_load %arg5[%get3A_1090] {strides = array<i32>} : memref<2048xi32, #tpu.memory_space<vmem>>, vector<16xi32>,
    %get3A_1092 = vector.shape_cast %get3A_1091 : vector<16xi32> to vector<16xi32>
    %add3A_1093 = vector.broadcast %add3A_1080 : i32 to vector<16xi32>
    %add3A_1094 = arith.addi %get3A_1092, %add3A_1093 : vector<16xi32>
    %swap3A_1095 = arith.constant 1680 : index
    %swap3A_1096 = tpu.vector_load %arg5[%swap3A_1095] {strides = array<i32>} : memref<2048xi32, #tpu.memory_space<vmem>>, vector<16xi32>,
    %swap3A_1097 = vector.shape_cast %swap3A_1096 : vector<16xi32> to vector<16xi32>
    %swap3A_1098 = vector.shape_cast %add3A_1094 : vector<16xi32> to vector<16xi32>
    tpu.vector_store %arg5[%swap3A_1095], %swap3A_1098 {strides = array<i32>} : memref<2048xi32, #tpu.memory_space<vmem>>, vector<16xi32>,
    %get3A_1099 = arith.constant 1696 : index
    %get3A_1100 = tpu.vector_load %arg5[%get3A_1099] {strides = array<i32>} : memref<2048xi32, #tpu.memory_space<vmem>>, vector<16xi32>,
    %get3A_1101 = vector.shape_cast %get3A_1100 : vector<16xi32> to vector<16xi32>
    %add3A_1102 = vector.broadcast %add3A_1080 : i32 to vector<16xi32>
    %add3A_1103 = arith.addi %get3A_1101, %add3A_1102 : vector<16xi32>
    %swap3A_1104 = arith.constant 1696 : index
    %swap3A_1105 = tpu.vector_load %arg5[%swap3A_1104] {strides = array<i32>} : memref<2048xi32, #tpu.memory_space<vmem>>, vector<16xi32>,
    %swap3A_1106 = vector.shape_cast %swap3A_1105 : vector<16xi32> to vector<16xi32>
    %swap3A_1107 = vector.shape_cast %add3A_1103 : vector<16xi32> to vector<16xi32>
    tpu.vector_store %arg5[%swap3A_1104], %swap3A_1107 {strides = array<i32>} : memref<2048xi32, #tpu.memory_space<vmem>>, vector<16xi32>,
    %get3A_1108 = arith.constant 1712 : index
    %get3A_1109 = tpu.vector_load %arg5[%get3A_1108] {strides = array<i32>} : memref<2048xi32, #tpu.memory_space<vmem>>, vector<16xi32>,
    %get3A_1110 = vector.shape_cast %get3A_1109 : vector<16xi32> to vector<16xi32>
    %add3A_1111 = vector.broadcast %add3A_1080 : i32 to vector<16xi32>
    %add3A_1112 = arith.addi %get3A_1110, %add3A_1111 : vector<16xi32>
    %swap3A_1113 = arith.constant 1712 : index
    %swap3A_1114 = tpu.vector_load %arg5[%swap3A_1113] {strides = array<i32>} : memref<2048xi32, #tpu.memory_space<vmem>>, vector<16xi32>,
    %swap3A_1115 = vector.shape_cast %swap3A_1114 : vector<16xi32> to vector<16xi32>
    %swap3A_1116 = vector.shape_cast %add3A_1112 : vector<16xi32> to vector<16xi32>
    tpu.vector_store %arg5[%swap3A_1113], %swap3A_1116 {strides = array<i32>} : memref<2048xi32, #tpu.memory_space<vmem>>, vector<16xi32>,
    %get3A_1117 = arith.constant 1728 : index
    %get3A_1118 = tpu.vector_load %arg5[%get3A_1117] {strides = array<i32>} : memref<2048xi32, #tpu.memory_space<vmem>>, vector<16xi32>,
    %get3A_1119 = vector.shape_cast %get3A_1118 : vector<16xi32> to vector<16xi32>
    %add3A_1120 = vector.broadcast %add3A_1080 : i32 to vector<16xi32>
    %add3A_1121 = arith.addi %get3A_1119, %add3A_1120 : vector<16xi32>
    %swap3A_1122 = arith.constant 1728 : index
    %swap3A_1123 = tpu.vector_load %arg5[%swap3A_1122] {strides = array<i32>} : memref<2048xi32, #tpu.memory_space<vmem>>, vector<16xi32>,
    %swap3A_1124 = vector.shape_cast %swap3A_1123 : vector<16xi32> to vector<16xi32>
    %swap3A_1125 = vector.shape_cast %add3A_1121 : vector<16xi32> to vector<16xi32>
    tpu.vector_store %arg5[%swap3A_1122], %swap3A_1125 {strides = array<i32>} : memref<2048xi32, #tpu.memory_space<vmem>>, vector<16xi32>,
    %get3A_1126 = arith.constant 1744 : index
    %get3A_1127 = tpu.vector_load %arg5[%get3A_1126] {strides = array<i32>} : memref<2048xi32, #tpu.memory_space<vmem>>, vector<16xi32>,
    %get3A_1128 = vector.shape_cast %get3A_1127 : vector<16xi32> to vector<16xi32>
    %add3A_1129 = vector.broadcast %add3A_1080 : i32 to vector<16xi32>
    %add3A_1130 = arith.addi %get3A_1128, %add3A_1129 : vector<16xi32>
    %swap3A_1131 = arith.constant 1744 : index
    %swap3A_1132 = tpu.vector_load %arg5[%swap3A_1131] {strides = array<i32>} : memref<2048xi32, #tpu.memory_space<vmem>>, vector<16xi32>,
    %swap3A_1133 = vector.shape_cast %swap3A_1132 : vector<16xi32> to vector<16xi32>
    %swap3A_1134 = vector.shape_cast %add3A_1130 : vector<16xi32> to vector<16xi32>
    tpu.vector_store %arg5[%swap3A_1131], %swap3A_1134 {strides = array<i32>} : memref<2048xi32, #tpu.memory_space<vmem>>, vector<16xi32>,
    %get3A_1135 = arith.constant 1760 : index
    %get3A_1136 = tpu.vector_load %arg5[%get3A_1135] {strides = array<i32>} : memref<2048xi32, #tpu.memory_space<vmem>>, vector<16xi32>,
    %get3A_1137 = vector.shape_cast %get3A_1136 : vector<16xi32> to vector<16xi32>
    %add3A_1138 = vector.broadcast %add3A_1080 : i32 to vector<16xi32>
    %add3A_1139 = arith.addi %get3A_1137, %add3A_1138 : vector<16xi32>
    %swap3A_1140 = arith.constant 1760 : index
    %swap3A_1141 = tpu.vector_load %arg5[%swap3A_1140] {strides = array<i32>} : memref<2048xi32, #tpu.memory_space<vmem>>, vector<16xi32>,
    %swap3A_1142 = vector.shape_cast %swap3A_1141 : vector<16xi32> to vector<16xi32>
    %swap3A_1143 = vector.shape_cast %add3A_1139 : vector<16xi32> to vector<16xi32>
    tpu.vector_store %arg5[%swap3A_1140], %swap3A_1143 {strides = array<i32>} : memref<2048xi32, #tpu.memory_space<vmem>>, vector<16xi32>,
    %get3A_1144 = arith.constant 1776 : index
    %get3A_1145 = tpu.vector_load %arg5[%get3A_1144] {strides = array<i32>} : memref<2048xi32, #tpu.memory_space<vmem>>, vector<16xi32>,
    %get3A_1146 = vector.shape_cast %get3A_1145 : vector<16xi32> to vector<16xi32>
    %add3A_1147 = vector.broadcast %add3A_1080 : i32 to vector<16xi32>
    %add3A_1148 = arith.addi %get3A_1146, %add3A_1147 : vector<16xi32>
    %swap3A_1149 = arith.constant 1776 : index
    %swap3A_1150 = tpu.vector_load %arg5[%swap3A_1149] {strides = array<i32>} : memref<2048xi32, #tpu.memory_space<vmem>>, vector<16xi32>,
    %swap3A_1151 = vector.shape_cast %swap3A_1150 : vector<16xi32> to vector<16xi32>
    %swap3A_1152 = vector.shape_cast %add3A_1148 : vector<16xi32> to vector<16xi32>
    tpu.vector_store %arg5[%swap3A_1149], %swap3A_1152 {strides = array<i32>} : memref<2048xi32, #tpu.memory_space<vmem>>, vector<16xi32>,
    %dma_start3A_1153 = arith.constant 1664 : i32
    %dma_start3A_1154 = arith.constant 0 : i32
    %dma_start3A_1155 = tpu.memref_slice %arg6[%dma_start3A_1153, %dma_start3A_1154] : memref<2048x32xf32, #tpu.memory_space<vmem>> -> memref<128x32xf32, #tpu.memory_space<vmem>>
    %dma_start3A_1156 = arith.constant 1664 : i32
    %dma_start3A_1157 = tpu.memref_slice %arg5[%dma_start3A_1156] : memref<2048xi32, #tpu.memory_space<vmem>> -> memref<128xi32, #tpu.memory_space<vmem>>
    %dma_start3A_1158 = arith.constant 0 : i32
    %dma_start3A_1159 = arith.constant 0 : i32
    %dma_start3A_1160 = tpu.memref_slice %arg3[%dma_start3A_1158, %dma_start3A_1159] : memref<4096x32xf32, #tpu.memory_space<hbm>> -> memref<4096x32xf32, #tpu.memory_space<hbm>>
    tpu.enqueue_indirect_dma source(%dma_start3A_1160 : memref<4096x32xf32, #tpu.memory_space<hbm>>) target(%dma_start3A_1155 : memref<128x32xf32, #tpu.memory_space<vmem>>) offsets(%dma_start3A_1157 : memref<128xi32, #tpu.memory_space<vmem>>) semaphore(%arg7 : memref<!tpu.dma_semaphore, #tpu.memory_space<semaphore_mem>>)
    %add3A_1161 = arith.constant 64 : i32
    %add3A_1162 = arith.addi %mul3A_15, %add3A_1161 : i32
    %get3A_1163 = arith.constant 1792 : index
    %get3A_1164 = tpu.vector_load %arg5[%get3A_1163] {strides = array<i32>} : memref<2048xi32, #tpu.memory_space<vmem>>, vector<16xi32>,
    %get3A_1165 = vector.shape_cast %get3A_1164 : vector<16xi32> to vector<16xi32>
    %add3A_1166 = vector.broadcast %add3A_1162 : i32 to vector<16xi32>
    %add3A_1167 = arith.addi %get3A_1165, %add3A_1166 : vector<16xi32>
    %swap3A_1168 = arith.constant 1792 : index
    %swap3A_1169 = tpu.vector_load %arg5[%swap3A_1168] {strides = array<i32>} : memref<2048xi32, #tpu.memory_space<vmem>>, vector<16xi32>,
    %swap3A_1170 = vector.shape_cast %swap3A_1169 : vector<16xi32> to vector<16xi32>
    %swap3A_1171 = vector.shape_cast %add3A_1167 : vector<16xi32> to vector<16xi32>
    tpu.vector_store %arg5[%swap3A_1168], %swap3A_1171 {strides = array<i32>} : memref<2048xi32, #tpu.memory_space<vmem>>, vector<16xi32>,
    %get3A_1172 = arith.constant 1808 : index
    %get3A_1173 = tpu.vector_load %arg5[%get3A_1172] {strides = array<i32>} : memref<2048xi32, #tpu.memory_space<vmem>>, vector<16xi32>,
    %get3A_1174 = vector.shape_cast %get3A_1173 : vector<16xi32> to vector<16xi32>
    %add3A_1175 = vector.broadcast %add3A_1162 : i32 to vector<16xi32>
    %add3A_1176 = arith.addi %get3A_1174, %add3A_1175 : vector<16xi32>
    %swap3A_1177 = arith.constant 1808 : index
    %swap3A_1178 = tpu.vector_load %arg5[%swap3A_1177] {strides = array<i32>} : memref<2048xi32, #tpu.memory_space<vmem>>, vector<16xi32>,
    %swap3A_1179 = vector.shape_cast %swap3A_1178 : vector<16xi32> to vector<16xi32>
    %swap3A_1180 = vector.shape_cast %add3A_1176 : vector<16xi32> to vector<16xi32>
    tpu.vector_store %arg5[%swap3A_1177], %swap3A_1180 {strides = array<i32>} : memref<2048xi32, #tpu.memory_space<vmem>>, vector<16xi32>,
    %get3A_1181 = arith.constant 1824 : index
    %get3A_1182 = tpu.vector_load %arg5[%get3A_1181] {strides = array<i32>} : memref<2048xi32, #tpu.memory_space<vmem>>, vector<16xi32>,
    %get3A_1183 = vector.shape_cast %get3A_1182 : vector<16xi32> to vector<16xi32>
    %add3A_1184 = vector.broadcast %add3A_1162 : i32 to vector<16xi32>
    %add3A_1185 = arith.addi %get3A_1183, %add3A_1184 : vector<16xi32>
    %swap3A_1186 = arith.constant 1824 : index
    %swap3A_1187 = tpu.vector_load %arg5[%swap3A_1186] {strides = array<i32>} : memref<2048xi32, #tpu.memory_space<vmem>>, vector<16xi32>,
    %swap3A_1188 = vector.shape_cast %swap3A_1187 : vector<16xi32> to vector<16xi32>
    %swap3A_1189 = vector.shape_cast %add3A_1185 : vector<16xi32> to vector<16xi32>
    tpu.vector_store %arg5[%swap3A_1186], %swap3A_1189 {strides = array<i32>} : memref<2048xi32, #tpu.memory_space<vmem>>, vector<16xi32>,
    %get3A_1190 = arith.constant 1840 : index
    %get3A_1191 = tpu.vector_load %arg5[%get3A_1190] {strides = array<i32>} : memref<2048xi32, #tpu.memory_space<vmem>>, vector<16xi32>,
    %get3A_1192 = vector.shape_cast %get3A_1191 : vector<16xi32> to vector<16xi32>
    %add3A_1193 = vector.broadcast %add3A_1162 : i32 to vector<16xi32>
    %add3A_1194 = arith.addi %get3A_1192, %add3A_1193 : vector<16xi32>
    %swap3A_1195 = arith.constant 1840 : index
    %swap3A_1196 = tpu.vector_load %arg5[%swap3A_1195] {strides = array<i32>} : memref<2048xi32, #tpu.memory_space<vmem>>, vector<16xi32>,
    %swap3A_1197 = vector.shape_cast %swap3A_1196 : vector<16xi32> to vector<16xi32>
    %swap3A_1198 = vector.shape_cast %add3A_1194 : vector<16xi32> to vector<16xi32>
    tpu.vector_store %arg5[%swap3A_1195], %swap3A_1198 {strides = array<i32>} : memref<2048xi32, #tpu.memory_space<vmem>>, vector<16xi32>,
    %get3A_1199 = arith.constant 1856 : index
    %get3A_1200 = tpu.vector_load %arg5[%get3A_1199] {strides = array<i32>} : memref<2048xi32, #tpu.memory_space<vmem>>, vector<16xi32>,
    %get3A_1201 = vector.shape_cast %get3A_1200 : vector<16xi32> to vector<16xi32>
    %add3A_1202 = vector.broadcast %add3A_1162 : i32 to vector<16xi32>
    %add3A_1203 = arith.addi %get3A_1201, %add3A_1202 : vector<16xi32>
    %swap3A_1204 = arith.constant 1856 : index
    %swap3A_1205 = tpu.vector_load %arg5[%swap3A_1204] {strides = array<i32>} : memref<2048xi32, #tpu.memory_space<vmem>>, vector<16xi32>,
    %swap3A_1206 = vector.shape_cast %swap3A_1205 : vector<16xi32> to vector<16xi32>
    %swap3A_1207 = vector.shape_cast %add3A_1203 : vector<16xi32> to vector<16xi32>
    tpu.vector_store %arg5[%swap3A_1204], %swap3A_1207 {strides = array<i32>} : memref<2048xi32, #tpu.memory_space<vmem>>, vector<16xi32>,
    %get3A_1208 = arith.constant 1872 : index
    %get3A_1209 = tpu.vector_load %arg5[%get3A_1208] {strides = array<i32>} : memref<2048xi32, #tpu.memory_space<vmem>>, vector<16xi32>,
    %get3A_1210 = vector.shape_cast %get3A_1209 : vector<16xi32> to vector<16xi32>
    %add3A_1211 = vector.broadcast %add3A_1162 : i32 to vector<16xi32>
    %add3A_1212 = arith.addi %get3A_1210, %add3A_1211 : vector<16xi32>
    %swap3A_1213 = arith.constant 1872 : index
    %swap3A_1214 = tpu.vector_load %arg5[%swap3A_1213] {strides = array<i32>} : memref<2048xi32, #tpu.memory_space<vmem>>, vector<16xi32>,
    %swap3A_1215 = vector.shape_cast %swap3A_1214 : vector<16xi32> to vector<16xi32>
    %swap3A_1216 = vector.shape_cast %add3A_1212 : vector<16xi32> to vector<16xi32>
    tpu.vector_store %arg5[%swap3A_1213], %swap3A_1216 {strides = array<i32>} : memref<2048xi32, #tpu.memory_space<vmem>>, vector<16xi32>,
    %get3A_1217 = arith.constant 1888 : index
    %get3A_1218 = tpu.vector_load %arg5[%get3A_1217] {strides = array<i32>} : memref<2048xi32, #tpu.memory_space<vmem>>, vector<16xi32>,
    %get3A_1219 = vector.shape_cast %get3A_1218 : vector<16xi32> to vector<16xi32>
    %add3A_1220 = vector.broadcast %add3A_1162 : i32 to vector<16xi32>
    %add3A_1221 = arith.addi %get3A_1219, %add3A_1220 : vector<16xi32>
    %swap3A_1222 = arith.constant 1888 : index
    %swap3A_1223 = tpu.vector_load %arg5[%swap3A_1222] {strides = array<i32>} : memref<2048xi32, #tpu.memory_space<vmem>>, vector<16xi32>,
    %swap3A_1224 = vector.shape_cast %swap3A_1223 : vector<16xi32> to vector<16xi32>
    %swap3A_1225 = vector.shape_cast %add3A_1221 : vector<16xi32> to vector<16xi32>
    tpu.vector_store %arg5[%swap3A_1222], %swap3A_1225 {strides = array<i32>} : memref<2048xi32, #tpu.memory_space<vmem>>, vector<16xi32>,
    %get3A_1226 = arith.constant 1904 : index
    %get3A_1227 = tpu.vector_load %arg5[%get3A_1226] {strides = array<i32>} : memref<2048xi32, #tpu.memory_space<vmem>>, vector<16xi32>,
    %get3A_1228 = vector.shape_cast %get3A_1227 : vector<16xi32> to vector<16xi32>
    %add3A_1229 = vector.broadcast %add3A_1162 : i32 to vector<16xi32>
    %add3A_1230 = arith.addi %get3A_1228, %add3A_1229 : vector<16xi32>
    %swap3A_1231 = arith.constant 1904 : index
    %swap3A_1232 = tpu.vector_load %arg5[%swap3A_1231] {strides = array<i32>} : memref<2048xi32, #tpu.memory_space<vmem>>, vector<16xi32>,
    %swap3A_1233 = vector.shape_cast %swap3A_1232 : vector<16xi32> to vector<16xi32>
    %swap3A_1234 = vector.shape_cast %add3A_1230 : vector<16xi32> to vector<16xi32>
    tpu.vector_store %arg5[%swap3A_1231], %swap3A_1234 {strides = array<i32>} : memref<2048xi32, #tpu.memory_space<vmem>>, vector<16xi32>,
    %dma_start3A_1235 = arith.constant 1792 : i32
    %dma_start3A_1236 = arith.constant 0 : i32
    %dma_start3A_1237 = tpu.memref_slice %arg6[%dma_start3A_1235, %dma_start3A_1236] : memref<2048x32xf32, #tpu.memory_space<vmem>> -> memref<128x32xf32, #tpu.memory_space<vmem>>
    %dma_start3A_1238 = arith.constant 1792 : i32
    %dma_start3A_1239 = tpu.memref_slice %arg5[%dma_start3A_1238] : memref<2048xi32, #tpu.memory_space<vmem>> -> memref<128xi32, #tpu.memory_space<vmem>>
    %dma_start3A_1240 = arith.constant 0 : i32
    %dma_start3A_1241 = arith.constant 0 : i32
    %dma_start3A_1242 = tpu.memref_slice %arg3[%dma_start3A_1240, %dma_start3A_1241] : memref<4096x32xf32, #tpu.memory_space<hbm>> -> memref<4096x32xf32, #tpu.memory_space<hbm>>
    tpu.enqueue_indirect_dma source(%dma_start3A_1242 : memref<4096x32xf32, #tpu.memory_space<hbm>>) target(%dma_start3A_1237 : memref<128x32xf32, #tpu.memory_space<vmem>>) offsets(%dma_start3A_1239 : memref<128xi32, #tpu.memory_space<vmem>>) semaphore(%arg7 : memref<!tpu.dma_semaphore, #tpu.memory_space<semaphore_mem>>)
    %add3A_1243 = arith.constant 96 : i32
    %add3A_1244 = arith.addi %mul3A_15, %add3A_1243 : i32
    %get3A_1245 = arith.constant 1920 : index
    %get3A_1246 = tpu.vector_load %arg5[%get3A_1245] {strides = array<i32>} : memref<2048xi32, #tpu.memory_space<vmem>>, vector<16xi32>,
    %get3A_1247 = vector.shape_cast %get3A_1246 : vector<16xi32> to vector<16xi32>
    %add3A_1248 = vector.broadcast %add3A_1244 : i32 to vector<16xi32>
    %add3A_1249 = arith.addi %get3A_1247, %add3A_1248 : vector<16xi32>
    %swap3A_1250 = arith.constant 1920 : index
    %swap3A_1251 = tpu.vector_load %arg5[%swap3A_1250] {strides = array<i32>} : memref<2048xi32, #tpu.memory_space<vmem>>, vector<16xi32>,
    %swap3A_1252 = vector.shape_cast %swap3A_1251 : vector<16xi32> to vector<16xi32>
    %swap3A_1253 = vector.shape_cast %add3A_1249 : vector<16xi32> to vector<16xi32>
    tpu.vector_store %arg5[%swap3A_1250], %swap3A_1253 {strides = array<i32>} : memref<2048xi32, #tpu.memory_space<vmem>>, vector<16xi32>,
    %get3A_1254 = arith.constant 1936 : index
    %get3A_1255 = tpu.vector_load %arg5[%get3A_1254] {strides = array<i32>} : memref<2048xi32, #tpu.memory_space<vmem>>, vector<16xi32>,
    %get3A_1256 = vector.shape_cast %get3A_1255 : vector<16xi32> to vector<16xi32>
    %add3A_1257 = vector.broadcast %add3A_1244 : i32 to vector<16xi32>
    %add3A_1258 = arith.addi %get3A_1256, %add3A_1257 : vector<16xi32>
    %swap3A_1259 = arith.constant 1936 : index
    %swap3A_1260 = tpu.vector_load %arg5[%swap3A_1259] {strides = array<i32>} : memref<2048xi32, #tpu.memory_space<vmem>>, vector<16xi32>,
    %swap3A_1261 = vector.shape_cast %swap3A_1260 : vector<16xi32> to vector<16xi32>
    %swap3A_1262 = vector.shape_cast %add3A_1258 : vector<16xi32> to vector<16xi32>
    tpu.vector_store %arg5[%swap3A_1259], %swap3A_1262 {strides = array<i32>} : memref<2048xi32, #tpu.memory_space<vmem>>, vector<16xi32>,
    %get3A_1263 = arith.constant 1952 : index
    %get3A_1264 = tpu.vector_load %arg5[%get3A_1263] {strides = array<i32>} : memref<2048xi32, #tpu.memory_space<vmem>>, vector<16xi32>,
    %get3A_1265 = vector.shape_cast %get3A_1264 : vector<16xi32> to vector<16xi32>
    %add3A_1266 = vector.broadcast %add3A_1244 : i32 to vector<16xi32>
    %add3A_1267 = arith.addi %get3A_1265, %add3A_1266 : vector<16xi32>
    %swap3A_1268 = arith.constant 1952 : index
    %swap3A_1269 = tpu.vector_load %arg5[%swap3A_1268] {strides = array<i32>} : memref<2048xi32, #tpu.memory_space<vmem>>, vector<16xi32>,
    %swap3A_1270 = vector.shape_cast %swap3A_1269 : vector<16xi32> to vector<16xi32>
    %swap3A_1271 = vector.shape_cast %add3A_1267 : vector<16xi32> to vector<16xi32>
    tpu.vector_store %arg5[%swap3A_1268], %swap3A_1271 {strides = array<i32>} : memref<2048xi32, #tpu.memory_space<vmem>>, vector<16xi32>,
    %get3A_1272 = arith.constant 1968 : index
    %get3A_1273 = tpu.vector_load %arg5[%get3A_1272] {strides = array<i32>} : memref<2048xi32, #tpu.memory_space<vmem>>, vector<16xi32>,
    %get3A_1274 = vector.shape_cast %get3A_1273 : vector<16xi32> to vector<16xi32>
    %add3A_1275 = vector.broadcast %add3A_1244 : i32 to vector<16xi32>
    %add3A_1276 = arith.addi %get3A_1274, %add3A_1275 : vector<16xi32>
    %swap3A_1277 = arith.constant 1968 : index
    %swap3A_1278 = tpu.vector_load %arg5[%swap3A_1277] {strides = array<i32>} : memref<2048xi32, #tpu.memory_space<vmem>>, vector<16xi32>,
    %swap3A_1279 = vector.shape_cast %swap3A_1278 : vector<16xi32> to vector<16xi32>
    %swap3A_1280 = vector.shape_cast %add3A_1276 : vector<16xi32> to vector<16xi32>
    tpu.vector_store %arg5[%swap3A_1277], %swap3A_1280 {strides = array<i32>} : memref<2048xi32, #tpu.memory_space<vmem>>, vector<16xi32>,
    %get3A_1281 = arith.constant 1984 : index
    %get3A_1282 = tpu.vector_load %arg5[%get3A_1281] {strides = array<i32>} : memref<2048xi32, #tpu.memory_space<vmem>>, vector<16xi32>,
    %get3A_1283 = vector.shape_cast %get3A_1282 : vector<16xi32> to vector<16xi32>
    %add3A_1284 = vector.broadcast %add3A_1244 : i32 to vector<16xi32>
    %add3A_1285 = arith.addi %get3A_1283, %add3A_1284 : vector<16xi32>
    %swap3A_1286 = arith.constant 1984 : index
    %swap3A_1287 = tpu.vector_load %arg5[%swap3A_1286] {strides = array<i32>} : memref<2048xi32, #tpu.memory_space<vmem>>, vector<16xi32>,
    %swap3A_1288 = vector.shape_cast %swap3A_1287 : vector<16xi32> to vector<16xi32>
    %swap3A_1289 = vector.shape_cast %add3A_1285 : vector<16xi32> to vector<16xi32>
    tpu.vector_store %arg5[%swap3A_1286], %swap3A_1289 {strides = array<i32>} : memref<2048xi32, #tpu.memory_space<vmem>>, vector<16xi32>,
    %get3A_1290 = arith.constant 2000 : index
    %get3A_1291 = tpu.vector_load %arg5[%get3A_1290] {strides = array<i32>} : memref<2048xi32, #tpu.memory_space<vmem>>, vector<16xi32>,
    %get3A_1292 = vector.shape_cast %get3A_1291 : vector<16xi32> to vector<16xi32>
    %add3A_1293 = vector.broadcast %add3A_1244 : i32 to vector<16xi32>
    %add3A_1294 = arith.addi %get3A_1292, %add3A_1293 : vector<16xi32>
    %swap3A_1295 = arith.constant 2000 : index
    %swap3A_1296 = tpu.vector_load %arg5[%swap3A_1295] {strides = array<i32>} : memref<2048xi32, #tpu.memory_space<vmem>>, vector<16xi32>,
    %swap3A_1297 = vector.shape_cast %swap3A_1296 : vector<16xi32> to vector<16xi32>
    %swap3A_1298 = vector.shape_cast %add3A_1294 : vector<16xi32> to vector<16xi32>
    tpu.vector_store %arg5[%swap3A_1295], %swap3A_1298 {strides = array<i32>} : memref<2048xi32, #tpu.memory_space<vmem>>, vector<16xi32>,
    %get3A_1299 = arith.constant 2016 : index
    %get3A_1300 = tpu.vector_load %arg5[%get3A_1299] {strides = array<i32>} : memref<2048xi32, #tpu.memory_space<vmem>>, vector<16xi32>,
    %get3A_1301 = vector.shape_cast %get3A_1300 : vector<16xi32> to vector<16xi32>
    %add3A_1302 = vector.broadcast %add3A_1244 : i32 to vector<16xi32>
    %add3A_1303 = arith.addi %get3A_1301, %add3A_1302 : vector<16xi32>
    %swap3A_1304 = arith.constant 2016 : index
    %swap3A_1305 = tpu.vector_load %arg5[%swap3A_1304] {strides = array<i32>} : memref<2048xi32, #tpu.memory_space<vmem>>, vector<16xi32>,
    %swap3A_1306 = vector.shape_cast %swap3A_1305 : vector<16xi32> to vector<16xi32>
    %swap3A_1307 = vector.shape_cast %add3A_1303 : vector<16xi32> to vector<16xi32>
    tpu.vector_store %arg5[%swap3A_1304], %swap3A_1307 {strides = array<i32>} : memref<2048xi32, #tpu.memory_space<vmem>>, vector<16xi32>,
    %get3A_1308 = arith.constant 2032 : index
    %get3A_1309 = tpu.vector_load %arg5[%get3A_1308] {strides = array<i32>} : memref<2048xi32, #tpu.memory_space<vmem>>, vector<16xi32>,
    %get3A_1310 = vector.shape_cast %get3A_1309 : vector<16xi32> to vector<16xi32>
    %add3A_1311 = vector.broadcast %add3A_1244 : i32 to vector<16xi32>
    %add3A_1312 = arith.addi %get3A_1310, %add3A_1311 : vector<16xi32>
    %swap3A_1313 = arith.constant 2032 : index
    %swap3A_1314 = tpu.vector_load %arg5[%swap3A_1313] {strides = array<i32>} : memref<2048xi32, #tpu.memory_space<vmem>>, vector<16xi32>,
    %swap3A_1315 = vector.shape_cast %swap3A_1314 : vector<16xi32> to vector<16xi32>
    %swap3A_1316 = vector.shape_cast %add3A_1312 : vector<16xi32> to vector<16xi32>
    tpu.vector_store %arg5[%swap3A_1313], %swap3A_1316 {strides = array<i32>} : memref<2048xi32, #tpu.memory_space<vmem>>, vector<16xi32>,
    %dma_start3A_1317 = arith.constant 1920 : i32
    %dma_start3A_1318 = arith.constant 0 : i32
    %dma_start3A_1319 = tpu.memref_slice %arg6[%dma_start3A_1317, %dma_start3A_1318] : memref<2048x32xf32, #tpu.memory_space<vmem>> -> memref<128x32xf32, #tpu.memory_space<vmem>>
    %dma_start3A_1320 = arith.constant 1920 : i32
    %dma_start3A_1321 = tpu.memref_slice %arg5[%dma_start3A_1320] : memref<2048xi32, #tpu.memory_space<vmem>> -> memref<128xi32, #tpu.memory_space<vmem>>
    %dma_start3A_1322 = arith.constant 0 : i32
    %dma_start3A_1323 = arith.constant 0 : i32
    %dma_start3A_1324 = tpu.memref_slice %arg3[%dma_start3A_1322, %dma_start3A_1323] : memref<4096x32xf32, #tpu.memory_space<hbm>> -> memref<4096x32xf32, #tpu.memory_space<hbm>>
    tpu.enqueue_indirect_dma source(%dma_start3A_1324 : memref<4096x32xf32, #tpu.memory_space<hbm>>) target(%dma_start3A_1319 : memref<128x32xf32, #tpu.memory_space<vmem>>) offsets(%dma_start3A_1321 : memref<128xi32, #tpu.memory_space<vmem>>) semaphore(%arg7 : memref<!tpu.dma_semaphore, #tpu.memory_space<semaphore_mem>>)
    %dma_wait3A = arith.constant 0 : i32
    %dma_wait3A_1325 = arith.constant 0 : i32
    %dma_wait3A_1326 = tpu.memref_slice %arg6[%dma_wait3A, %dma_wait3A_1325] : memref<2048x32xf32, #tpu.memory_space<vmem>> -> memref<128x32xf32, #tpu.memory_space<vmem>>
    %dma_wait3A_1327 = arith.constant 0 : i32
    %dma_wait3A_1328 = tpu.memref_slice %arg5[%dma_wait3A_1327] : memref<2048xi32, #tpu.memory_space<vmem>> -> memref<128xi32, #tpu.memory_space<vmem>>
    %dma_wait3A_1329 = arith.constant 0 : i32
    %dma_wait3A_1330 = arith.constant 0 : i32
    %dma_wait3A_1331 = tpu.memref_slice %arg3[%dma_wait3A_1329, %dma_wait3A_1330] : memref<4096x32xf32, #tpu.memory_space<hbm>> -> memref<4096x32xf32, #tpu.memory_space<hbm>>
    tpu.wait_indirect_dma semaphore(%arg7 : memref<!tpu.dma_semaphore, #tpu.memory_space<semaphore_mem>>) src(%dma_wait3A_1331 : memref<4096x32xf32, #tpu.memory_space<hbm>>) dst(%dma_wait3A_1326 : memref<128x32xf32, #tpu.memory_space<vmem>>)
    %add3A_1332 = arith.constant 0 : i32
    %add3A_1333 = arith.addi %mul3A_4, %add3A_1332 : i32
    %dma_start3A_1334 = arith.constant 0 : i32
    %dma_start3A_1335 = arith.constant 0 : i32
    %dma_start3A_1336 = arith.constant 0 : i32
    %dma_start3A_1337 = tpu.memref_slice %arg6[%dma_start3A_1335, %dma_start3A_1336] : memref<2048x32xf32, #tpu.memory_space<vmem>> -> memref<128x32xf32, #tpu.memory_space<vmem>>
    %dma_start3A_1338 = arith.constant 0 : i32
    %dma_start3A_1339 = tpu.memref_slice %arg4[%add3A_1333, %dma_start3A_1334, %dma_start3A_1338] : memref<16384x4x128xf32, #tpu.memory_space<hbm>> -> memref<128x1x32xf32, #tpu.memory_space<hbm>>
    %dma_start3A_1340 = tpu.memref_squeeze %dma_start3A_1339 : memref<128x1x32xf32, #tpu.memory_space<hbm>> -> memref<128x32xf32, #tpu.memory_space<hbm>>
    %dma_start3A_1341 = arith.constant 0 : i32
    %dma_start3A_1342 = tpu.memref_slice %arg4[%add3A_1333, %dma_start3A_1334, %dma_start3A_1341] : memref<16384x4x128xf32, #tpu.memory_space<hbm>> -> memref<128x1x32xf32, #tpu.memory_space<hbm>>
    %dma_start3A_1343 = tpu.memref_squeeze %dma_start3A_1342 : memref<128x1x32xf32, #tpu.memory_space<hbm>> -> memref<128x32xf32, #tpu.memory_space<hbm>>
    %dma_start3A_1344 = arith.constant 0 : i32
    %dma_start3A_1345 = arith.constant 0 : i32
    %dma_start3A_1346 = tpu.memref_slice %arg6[%dma_start3A_1344, %dma_start3A_1345] : memref<2048x32xf32, #tpu.memory_space<vmem>> -> memref<128x32xf32, #tpu.memory_space<vmem>>
    tpu.enqueue_dma source(%dma_start3A_1346 : memref<128x32xf32, #tpu.memory_space<vmem>>) target(%dma_start3A_1343 : memref<128x32xf32, #tpu.memory_space<hbm>>) target_semaphore(%arg8 : memref<!tpu.dma_semaphore, #tpu.memory_space<semaphore_mem>>)
    %dma_wait3A_1347 = arith.constant 128 : i32
    %dma_wait3A_1348 = arith.constant 0 : i32
    %dma_wait3A_1349 = tpu.memref_slice %arg6[%dma_wait3A_1347, %dma_wait3A_1348] : memref<2048x32xf32, #tpu.memory_space<vmem>> -> memref<128x32xf32, #tpu.memory_space<vmem>>
    %dma_wait3A_1350 = arith.constant 128 : i32
    %dma_wait3A_1351 = tpu.memref_slice %arg5[%dma_wait3A_1350] : memref<2048xi32, #tpu.memory_space<vmem>> -> memref<128xi32, #tpu.memory_space<vmem>>
    %dma_wait3A_1352 = arith.constant 0 : i32
    %dma_wait3A_1353 = arith.constant 0 : i32
    %dma_wait3A_1354 = tpu.memref_slice %arg3[%dma_wait3A_1352, %dma_wait3A_1353] : memref<4096x32xf32, #tpu.memory_space<hbm>> -> memref<4096x32xf32, #tpu.memory_space<hbm>>
    tpu.wait_indirect_dma semaphore(%arg7 : memref<!tpu.dma_semaphore, #tpu.memory_space<semaphore_mem>>) src(%dma_wait3A_1354 : memref<4096x32xf32, #tpu.memory_space<hbm>>) dst(%dma_wait3A_1349 : memref<128x32xf32, #tpu.memory_space<vmem>>)
    %add3A_1355 = arith.constant 0 : i32
    %add3A_1356 = arith.addi %mul3A_4, %add3A_1355 : i32
    %dma_start3A_1357 = arith.constant 1 : i32
    %dma_start3A_1358 = arith.constant 128 : i32
    %dma_start3A_1359 = arith.constant 0 : i32
    %dma_start3A_1360 = tpu.memref_slice %arg6[%dma_start3A_1358, %dma_start3A_1359] : memref<2048x32xf32, #tpu.memory_space<vmem>> -> memref<128x32xf32, #tpu.memory_space<vmem>>
    %dma_start3A_1361 = arith.constant 0 : i32
    %dma_start3A_1362 = tpu.memref_slice %arg4[%add3A_1356, %dma_start3A_1357, %dma_start3A_1361] : memref<16384x4x128xf32, #tpu.memory_space<hbm>> -> memref<128x1x32xf32, #tpu.memory_space<hbm>>
    %dma_start3A_1363 = tpu.memref_squeeze %dma_start3A_1362 : memref<128x1x32xf32, #tpu.memory_space<hbm>> -> memref<128x32xf32, #tpu.memory_space<hbm>>
    %dma_start3A_1364 = arith.constant 0 : i32
    %dma_start3A_1365 = tpu.memref_slice %arg4[%add3A_1356, %dma_start3A_1357, %dma_start3A_1364] : memref<16384x4x128xf32, #tpu.memory_space<hbm>> -> memref<128x1x32xf32, #tpu.memory_space<hbm>>
    %dma_start3A_1366 = tpu.memref_squeeze %dma_start3A_1365 : memref<128x1x32xf32, #tpu.memory_space<hbm>> -> memref<128x32xf32, #tpu.memory_space<hbm>>
    %dma_start3A_1367 = arith.constant 128 : i32
    %dma_start3A_1368 = arith.constant 0 : i32
    %dma_start3A_1369 = tpu.memref_slice %arg6[%dma_start3A_1367, %dma_start3A_1368] : memref<2048x32xf32, #tpu.memory_space<vmem>> -> memref<128x32xf32, #tpu.memory_space<vmem>>
    tpu.enqueue_dma source(%dma_start3A_1369 : memref<128x32xf32, #tpu.memory_space<vmem>>) target(%dma_start3A_1366 : memref<128x32xf32, #tpu.memory_space<hbm>>) target_semaphore(%arg8 : memref<!tpu.dma_semaphore, #tpu.memory_space<semaphore_mem>>)
    %dma_wait3A_1370 = arith.constant 256 : i32
    %dma_wait3A_1371 = arith.constant 0 : i32
    %dma_wait3A_1372 = tpu.memref_slice %arg6[%dma_wait3A_1370, %dma_wait3A_1371] : memref<2048x32xf32, #tpu.memory_space<vmem>> -> memref<128x32xf32, #tpu.memory_space<vmem>>
    %dma_wait3A_1373 = arith.constant 256 : i32
    %dma_wait3A_1374 = tpu.memref_slice %arg5[%dma_wait3A_1373] : memref<2048xi32, #tpu.memory_space<vmem>> -> memref<128xi32, #tpu.memory_space<vmem>>
    %dma_wait3A_1375 = arith.constant 0 : i32
    %dma_wait3A_1376 = arith.constant 0 : i32
    %dma_wait3A_1377 = tpu.memref_slice %arg3[%dma_wait3A_1375, %dma_wait3A_1376] : memref<4096x32xf32, #tpu.memory_space<hbm>> -> memref<4096x32xf32, #tpu.memory_space<hbm>>
    tpu.wait_indirect_dma semaphore(%arg7 : memref<!tpu.dma_semaphore, #tpu.memory_space<semaphore_mem>>) src(%dma_wait3A_1377 : memref<4096x32xf32, #tpu.memory_space<hbm>>) dst(%dma_wait3A_1372 : memref<128x32xf32, #tpu.memory_space<vmem>>)
    %add3A_1378 = arith.constant 0 : i32
    %add3A_1379 = arith.addi %mul3A_4, %add3A_1378 : i32
    %dma_start3A_1380 = arith.constant 2 : i32
    %dma_start3A_1381 = arith.constant 256 : i32
    %dma_start3A_1382 = arith.constant 0 : i32
    %dma_start3A_1383 = tpu.memref_slice %arg6[%dma_start3A_1381, %dma_start3A_1382] : memref<2048x32xf32, #tpu.memory_space<vmem>> -> memref<128x32xf32, #tpu.memory_space<vmem>>
    %dma_start3A_1384 = arith.constant 0 : i32
    %dma_start3A_1385 = tpu.memref_slice %arg4[%add3A_1379, %dma_start3A_1380, %dma_start3A_1384] : memref<16384x4x128xf32, #tpu.memory_space<hbm>> -> memref<128x1x32xf32, #tpu.memory_space<hbm>>
    %dma_start3A_1386 = tpu.memref_squeeze %dma_start3A_1385 : memref<128x1x32xf32, #tpu.memory_space<hbm>> -> memref<128x32xf32, #tpu.memory_space<hbm>>
    %dma_start3A_1387 = arith.constant 0 : i32
    %dma_start3A_1388 = tpu.memref_slice %arg4[%add3A_1379, %dma_start3A_1380, %dma_start3A_1387] : memref<16384x4x128xf32, #tpu.memory_space<hbm>> -> memref<128x1x32xf32, #tpu.memory_space<hbm>>
    %dma_start3A_1389 = tpu.memref_squeeze %dma_start3A_1388 : memref<128x1x32xf32, #tpu.memory_space<hbm>> -> memref<128x32xf32, #tpu.memory_space<hbm>>
    %dma_start3A_1390 = arith.constant 256 : i32
    %dma_start3A_1391 = arith.constant 0 : i32
    %dma_start3A_1392 = tpu.memref_slice %arg6[%dma_start3A_1390, %dma_start3A_1391] : memref<2048x32xf32, #tpu.memory_space<vmem>> -> memref<128x32xf32, #tpu.memory_space<vmem>>
    tpu.enqueue_dma source(%dma_start3A_1392 : memref<128x32xf32, #tpu.memory_space<vmem>>) target(%dma_start3A_1389 : memref<128x32xf32, #tpu.memory_space<hbm>>) target_semaphore(%arg8 : memref<!tpu.dma_semaphore, #tpu.memory_space<semaphore_mem>>)
    %dma_wait3A_1393 = arith.constant 384 : i32
    %dma_wait3A_1394 = arith.constant 0 : i32
    %dma_wait3A_1395 = tpu.memref_slice %arg6[%dma_wait3A_1393, %dma_wait3A_1394] : memref<2048x32xf32, #tpu.memory_space<vmem>> -> memref<128x32xf32, #tpu.memory_space<vmem>>
    %dma_wait3A_1396 = arith.constant 384 : i32
    %dma_wait3A_1397 = tpu.memref_slice %arg5[%dma_wait3A_1396] : memref<2048xi32, #tpu.memory_space<vmem>> -> memref<128xi32, #tpu.memory_space<vmem>>
    %dma_wait3A_1398 = arith.constant 0 : i32
    %dma_wait3A_1399 = arith.constant 0 : i32
    %dma_wait3A_1400 = tpu.memref_slice %arg3[%dma_wait3A_1398, %dma_wait3A_1399] : memref<4096x32xf32, #tpu.memory_space<hbm>> -> memref<4096x32xf32, #tpu.memory_space<hbm>>
    tpu.wait_indirect_dma semaphore(%arg7 : memref<!tpu.dma_semaphore, #tpu.memory_space<semaphore_mem>>) src(%dma_wait3A_1400 : memref<4096x32xf32, #tpu.memory_space<hbm>>) dst(%dma_wait3A_1395 : memref<128x32xf32, #tpu.memory_space<vmem>>)
    %add3A_1401 = arith.constant 0 : i32
    %add3A_1402 = arith.addi %mul3A_4, %add3A_1401 : i32
    %dma_start3A_1403 = arith.constant 3 : i32
    %dma_start3A_1404 = arith.constant 384 : i32
    %dma_start3A_1405 = arith.constant 0 : i32
    %dma_start3A_1406 = tpu.memref_slice %arg6[%dma_start3A_1404, %dma_start3A_1405] : memref<2048x32xf32, #tpu.memory_space<vmem>> -> memref<128x32xf32, #tpu.memory_space<vmem>>
    %dma_start3A_1407 = arith.constant 0 : i32
    %dma_start3A_1408 = tpu.memref_slice %arg4[%add3A_1402, %dma_start3A_1403, %dma_start3A_1407] : memref<16384x4x128xf32, #tpu.memory_space<hbm>> -> memref<128x1x32xf32, #tpu.memory_space<hbm>>
    %dma_start3A_1409 = tpu.memref_squeeze %dma_start3A_1408 : memref<128x1x32xf32, #tpu.memory_space<hbm>> -> memref<128x32xf32, #tpu.memory_space<hbm>>
    %dma_start3A_1410 = arith.constant 0 : i32
    %dma_start3A_1411 = tpu.memref_slice %arg4[%add3A_1402, %dma_start3A_1403, %dma_start3A_1410] : memref<16384x4x128xf32, #tpu.memory_space<hbm>> -> memref<128x1x32xf32, #tpu.memory_space<hbm>>
    %dma_start3A_1412 = tpu.memref_squeeze %dma_start3A_1411 : memref<128x1x32xf32, #tpu.memory_space<hbm>> -> memref<128x32xf32, #tpu.memory_space<hbm>>
    %dma_start3A_1413 = arith.constant 384 : i32
    %dma_start3A_1414 = arith.constant 0 : i32
    %dma_start3A_1415 = tpu.memref_slice %arg6[%dma_start3A_1413, %dma_start3A_1414] : memref<2048x32xf32, #tpu.memory_space<vmem>> -> memref<128x32xf32, #tpu.memory_space<vmem>>
    tpu.enqueue_dma source(%dma_start3A_1415 : memref<128x32xf32, #tpu.memory_space<vmem>>) target(%dma_start3A_1412 : memref<128x32xf32, #tpu.memory_space<hbm>>) target_semaphore(%arg8 : memref<!tpu.dma_semaphore, #tpu.memory_space<semaphore_mem>>)
    %dma_wait3A_1416 = arith.constant 512 : i32
    %dma_wait3A_1417 = arith.constant 0 : i32
    %dma_wait3A_1418 = tpu.memref_slice %arg6[%dma_wait3A_1416, %dma_wait3A_1417] : memref<2048x32xf32, #tpu.memory_space<vmem>> -> memref<128x32xf32, #tpu.memory_space<vmem>>
    %dma_wait3A_1419 = arith.constant 512 : i32
    %dma_wait3A_1420 = tpu.memref_slice %arg5[%dma_wait3A_1419] : memref<2048xi32, #tpu.memory_space<vmem>> -> memref<128xi32, #tpu.memory_space<vmem>>
    %dma_wait3A_1421 = arith.constant 0 : i32
    %dma_wait3A_1422 = arith.constant 0 : i32
    %dma_wait3A_1423 = tpu.memref_slice %arg3[%dma_wait3A_1421, %dma_wait3A_1422] : memref<4096x32xf32, #tpu.memory_space<hbm>> -> memref<4096x32xf32, #tpu.memory_space<hbm>>
    tpu.wait_indirect_dma semaphore(%arg7 : memref<!tpu.dma_semaphore, #tpu.memory_space<semaphore_mem>>) src(%dma_wait3A_1423 : memref<4096x32xf32, #tpu.memory_space<hbm>>) dst(%dma_wait3A_1418 : memref<128x32xf32, #tpu.memory_space<vmem>>)
    %add3A_1424 = arith.constant 128 : i32
    %add3A_1425 = arith.addi %mul3A_4, %add3A_1424 : i32
    %dma_start3A_1426 = arith.constant 0 : i32
    %dma_start3A_1427 = arith.constant 512 : i32
    %dma_start3A_1428 = arith.constant 0 : i32
    %dma_start3A_1429 = tpu.memref_slice %arg6[%dma_start3A_1427, %dma_start3A_1428] : memref<2048x32xf32, #tpu.memory_space<vmem>> -> memref<128x32xf32, #tpu.memory_space<vmem>>
    %dma_start3A_1430 = arith.constant 0 : i32
    %dma_start3A_1431 = tpu.memref_slice %arg4[%add3A_1425, %dma_start3A_1426, %dma_start3A_1430] : memref<16384x4x128xf32, #tpu.memory_space<hbm>> -> memref<128x1x32xf32, #tpu.memory_space<hbm>>
    %dma_start3A_1432 = tpu.memref_squeeze %dma_start3A_1431 : memref<128x1x32xf32, #tpu.memory_space<hbm>> -> memref<128x32xf32, #tpu.memory_space<hbm>>
    %dma_start3A_1433 = arith.constant 0 : i32
    %dma_start3A_1434 = tpu.memref_slice %arg4[%add3A_1425, %dma_start3A_1426, %dma_start3A_1433] : memref<16384x4x128xf32, #tpu.memory_space<hbm>> -> memref<128x1x32xf32, #tpu.memory_space<hbm>>
    %dma_start3A_1435 = tpu.memref_squeeze %dma_start3A_1434 : memref<128x1x32xf32, #tpu.memory_space<hbm>> -> memref<128x32xf32, #tpu.memory_space<hbm>>
    %dma_start3A_1436 = arith.constant 512 : i32
    %dma_start3A_1437 = arith.constant 0 : i32
    %dma_start3A_1438 = tpu.memref_slice %arg6[%dma_start3A_1436, %dma_start3A_1437] : memref<2048x32xf32, #tpu.memory_space<vmem>> -> memref<128x32xf32, #tpu.memory_space<vmem>>
    tpu.enqueue_dma source(%dma_start3A_1438 : memref<128x32xf32, #tpu.memory_space<vmem>>) target(%dma_start3A_1435 : memref<128x32xf32, #tpu.memory_space<hbm>>) target_semaphore(%arg8 : memref<!tpu.dma_semaphore, #tpu.memory_space<semaphore_mem>>)
    %dma_wait3A_1439 = arith.constant 640 : i32
    %dma_wait3A_1440 = arith.constant 0 : i32
    %dma_wait3A_1441 = tpu.memref_slice %arg6[%dma_wait3A_1439, %dma_wait3A_1440] : memref<2048x32xf32, #tpu.memory_space<vmem>> -> memref<128x32xf32, #tpu.memory_space<vmem>>
    %dma_wait3A_1442 = arith.constant 640 : i32
    %dma_wait3A_1443 = tpu.memref_slice %arg5[%dma_wait3A_1442] : memref<2048xi32, #tpu.memory_space<vmem>> -> memref<128xi32, #tpu.memory_space<vmem>>
    %dma_wait3A_1444 = arith.constant 0 : i32
    %dma_wait3A_1445 = arith.constant 0 : i32
    %dma_wait3A_1446 = tpu.memref_slice %arg3[%dma_wait3A_1444, %dma_wait3A_1445] : memref<4096x32xf32, #tpu.memory_space<hbm>> -> memref<4096x32xf32, #tpu.memory_space<hbm>>
    tpu.wait_indirect_dma semaphore(%arg7 : memref<!tpu.dma_semaphore, #tpu.memory_space<semaphore_mem>>) src(%dma_wait3A_1446 : memref<4096x32xf32, #tpu.memory_space<hbm>>) dst(%dma_wait3A_1441 : memref<128x32xf32, #tpu.memory_space<vmem>>)
    %add3A_1447 = arith.constant 128 : i32
    %add3A_1448 = arith.addi %mul3A_4, %add3A_1447 : i32
    %dma_start3A_1449 = arith.constant 1 : i32
    %dma_start3A_1450 = arith.constant 640 : i32
    %dma_start3A_1451 = arith.constant 0 : i32
    %dma_start3A_1452 = tpu.memref_slice %arg6[%dma_start3A_1450, %dma_start3A_1451] : memref<2048x32xf32, #tpu.memory_space<vmem>> -> memref<128x32xf32, #tpu.memory_space<vmem>>
    %dma_start3A_1453 = arith.constant 0 : i32
    %dma_start3A_1454 = tpu.memref_slice %arg4[%add3A_1448, %dma_start3A_1449, %dma_start3A_1453] : memref<16384x4x128xf32, #tpu.memory_space<hbm>> -> memref<128x1x32xf32, #tpu.memory_space<hbm>>
    %dma_start3A_1455 = tpu.memref_squeeze %dma_start3A_1454 : memref<128x1x32xf32, #tpu.memory_space<hbm>> -> memref<128x32xf32, #tpu.memory_space<hbm>>
    %dma_start3A_1456 = arith.constant 0 : i32
    %dma_start3A_1457 = tpu.memref_slice %arg4[%add3A_1448, %dma_start3A_1449, %dma_start3A_1456] : memref<16384x4x128xf32, #tpu.memory_space<hbm>> -> memref<128x1x32xf32, #tpu.memory_space<hbm>>
    %dma_start3A_1458 = tpu.memref_squeeze %dma_start3A_1457 : memref<128x1x32xf32, #tpu.memory_space<hbm>> -> memref<128x32xf32, #tpu.memory_space<hbm>>
    %dma_start3A_1459 = arith.constant 640 : i32
    %dma_start3A_1460 = arith.constant 0 : i32
    %dma_start3A_1461 = tpu.memref_slice %arg6[%dma_start3A_1459, %dma_start3A_1460] : memref<2048x32xf32, #tpu.memory_space<vmem>> -> memref<128x32xf32, #tpu.memory_space<vmem>>
    tpu.enqueue_dma source(%dma_start3A_1461 : memref<128x32xf32, #tpu.memory_space<vmem>>) target(%dma_start3A_1458 : memref<128x32xf32, #tpu.memory_space<hbm>>) target_semaphore(%arg8 : memref<!tpu.dma_semaphore, #tpu.memory_space<semaphore_mem>>)
    %dma_wait3A_1462 = arith.constant 768 : i32
    %dma_wait3A_1463 = arith.constant 0 : i32
    %dma_wait3A_1464 = tpu.memref_slice %arg6[%dma_wait3A_1462, %dma_wait3A_1463] : memref<2048x32xf32, #tpu.memory_space<vmem>> -> memref<128x32xf32, #tpu.memory_space<vmem>>
    %dma_wait3A_1465 = arith.constant 768 : i32
    %dma_wait3A_1466 = tpu.memref_slice %arg5[%dma_wait3A_1465] : memref<2048xi32, #tpu.memory_space<vmem>> -> memref<128xi32, #tpu.memory_space<vmem>>
    %dma_wait3A_1467 = arith.constant 0 : i32
    %dma_wait3A_1468 = arith.constant 0 : i32
    %dma_wait3A_1469 = tpu.memref_slice %arg3[%dma_wait3A_1467, %dma_wait3A_1468] : memref<4096x32xf32, #tpu.memory_space<hbm>> -> memref<4096x32xf32, #tpu.memory_space<hbm>>
    tpu.wait_indirect_dma semaphore(%arg7 : memref<!tpu.dma_semaphore, #tpu.memory_space<semaphore_mem>>) src(%dma_wait3A_1469 : memref<4096x32xf32, #tpu.memory_space<hbm>>) dst(%dma_wait3A_1464 : memref<128x32xf32, #tpu.memory_space<vmem>>)
    %add3A_1470 = arith.constant 128 : i32
    %add3A_1471 = arith.addi %mul3A_4, %add3A_1470 : i32
    %dma_start3A_1472 = arith.constant 2 : i32
    %dma_start3A_1473 = arith.constant 768 : i32
    %dma_start3A_1474 = arith.constant 0 : i32
    %dma_start3A_1475 = tpu.memref_slice %arg6[%dma_start3A_1473, %dma_start3A_1474] : memref<2048x32xf32, #tpu.memory_space<vmem>> -> memref<128x32xf32, #tpu.memory_space<vmem>>
    %dma_start3A_1476 = arith.constant 0 : i32
    %dma_start3A_1477 = tpu.memref_slice %arg4[%add3A_1471, %dma_start3A_1472, %dma_start3A_1476] : memref<16384x4x128xf32, #tpu.memory_space<hbm>> -> memref<128x1x32xf32, #tpu.memory_space<hbm>>
    %dma_start3A_1478 = tpu.memref_squeeze %dma_start3A_1477 : memref<128x1x32xf32, #tpu.memory_space<hbm>> -> memref<128x32xf32, #tpu.memory_space<hbm>>
    %dma_start3A_1479 = arith.constant 0 : i32
    %dma_start3A_1480 = tpu.memref_slice %arg4[%add3A_1471, %dma_start3A_1472, %dma_start3A_1479] : memref<16384x4x128xf32, #tpu.memory_space<hbm>> -> memref<128x1x32xf32, #tpu.memory_space<hbm>>
    %dma_start3A_1481 = tpu.memref_squeeze %dma_start3A_1480 : memref<128x1x32xf32, #tpu.memory_space<hbm>> -> memref<128x32xf32, #tpu.memory_space<hbm>>
    %dma_start3A_1482 = arith.constant 768 : i32
    %dma_start3A_1483 = arith.constant 0 : i32
    %dma_start3A_1484 = tpu.memref_slice %arg6[%dma_start3A_1482, %dma_start3A_1483] : memref<2048x32xf32, #tpu.memory_space<vmem>> -> memref<128x32xf32, #tpu.memory_space<vmem>>
    tpu.enqueue_dma source(%dma_start3A_1484 : memref<128x32xf32, #tpu.memory_space<vmem>>) target(%dma_start3A_1481 : memref<128x32xf32, #tpu.memory_space<hbm>>) target_semaphore(%arg8 : memref<!tpu.dma_semaphore, #tpu.memory_space<semaphore_mem>>)
    %dma_wait3A_1485 = arith.constant 896 : i32
    %dma_wait3A_1486 = arith.constant 0 : i32
    %dma_wait3A_1487 = tpu.memref_slice %arg6[%dma_wait3A_1485, %dma_wait3A_1486] : memref<2048x32xf32, #tpu.memory_space<vmem>> -> memref<128x32xf32, #tpu.memory_space<vmem>>
    %dma_wait3A_1488 = arith.constant 896 : i32
    %dma_wait3A_1489 = tpu.memref_slice %arg5[%dma_wait3A_1488] : memref<2048xi32, #tpu.memory_space<vmem>> -> memref<128xi32, #tpu.memory_space<vmem>>
    %dma_wait3A_1490 = arith.constant 0 : i32
    %dma_wait3A_1491 = arith.constant 0 : i32
    %dma_wait3A_1492 = tpu.memref_slice %arg3[%dma_wait3A_1490, %dma_wait3A_1491] : memref<4096x32xf32, #tpu.memory_space<hbm>> -> memref<4096x32xf32, #tpu.memory_space<hbm>>
    tpu.wait_indirect_dma semaphore(%arg7 : memref<!tpu.dma_semaphore, #tpu.memory_space<semaphore_mem>>) src(%dma_wait3A_1492 : memref<4096x32xf32, #tpu.memory_space<hbm>>) dst(%dma_wait3A_1487 : memref<128x32xf32, #tpu.memory_space<vmem>>)
    %add3A_1493 = arith.constant 128 : i32
    %add3A_1494 = arith.addi %mul3A_4, %add3A_1493 : i32
    %dma_start3A_1495 = arith.constant 3 : i32
    %dma_start3A_1496 = arith.constant 896 : i32
    %dma_start3A_1497 = arith.constant 0 : i32
    %dma_start3A_1498 = tpu.memref_slice %arg6[%dma_start3A_1496, %dma_start3A_1497] : memref<2048x32xf32, #tpu.memory_space<vmem>> -> memref<128x32xf32, #tpu.memory_space<vmem>>
    %dma_start3A_1499 = arith.constant 0 : i32
    %dma_start3A_1500 = tpu.memref_slice %arg4[%add3A_1494, %dma_start3A_1495, %dma_start3A_1499] : memref<16384x4x128xf32, #tpu.memory_space<hbm>> -> memref<128x1x32xf32, #tpu.memory_space<hbm>>
    %dma_start3A_1501 = tpu.memref_squeeze %dma_start3A_1500 : memref<128x1x32xf32, #tpu.memory_space<hbm>> -> memref<128x32xf32, #tpu.memory_space<hbm>>
    %dma_start3A_1502 = arith.constant 0 : i32
    %dma_start3A_1503 = tpu.memref_slice %arg4[%add3A_1494, %dma_start3A_1495, %dma_start3A_1502] : memref<16384x4x128xf32, #tpu.memory_space<hbm>> -> memref<128x1x32xf32, #tpu.memory_space<hbm>>
    %dma_start3A_1504 = tpu.memref_squeeze %dma_start3A_1503 : memref<128x1x32xf32, #tpu.memory_space<hbm>> -> memref<128x32xf32, #tpu.memory_space<hbm>>
    %dma_start3A_1505 = arith.constant 896 : i32
    %dma_start3A_1506 = arith.constant 0 : i32
    %dma_start3A_1507 = tpu.memref_slice %arg6[%dma_start3A_1505, %dma_start3A_1506] : memref<2048x32xf32, #tpu.memory_space<vmem>> -> memref<128x32xf32, #tpu.memory_space<vmem>>
    tpu.enqueue_dma source(%dma_start3A_1507 : memref<128x32xf32, #tpu.memory_space<vmem>>) target(%dma_start3A_1504 : memref<128x32xf32, #tpu.memory_space<hbm>>) target_semaphore(%arg8 : memref<!tpu.dma_semaphore, #tpu.memory_space<semaphore_mem>>)
    %dma_wait3A_1508 = arith.constant 1024 : i32
    %dma_wait3A_1509 = arith.constant 0 : i32
    %dma_wait3A_1510 = tpu.memref_slice %arg6[%dma_wait3A_1508, %dma_wait3A_1509] : memref<2048x32xf32, #tpu.memory_space<vmem>> -> memref<128x32xf32, #tpu.memory_space<vmem>>
    %dma_wait3A_1511 = arith.constant 1024 : i32
    %dma_wait3A_1512 = tpu.memref_slice %arg5[%dma_wait3A_1511] : memref<2048xi32, #tpu.memory_space<vmem>> -> memref<128xi32, #tpu.memory_space<vmem>>
    %dma_wait3A_1513 = arith.constant 0 : i32
    %dma_wait3A_1514 = arith.constant 0 : i32
    %dma_wait3A_1515 = tpu.memref_slice %arg3[%dma_wait3A_1513, %dma_wait3A_1514] : memref<4096x32xf32, #tpu.memory_space<hbm>> -> memref<4096x32xf32, #tpu.memory_space<hbm>>
    tpu.wait_indirect_dma semaphore(%arg7 : memref<!tpu.dma_semaphore, #tpu.memory_space<semaphore_mem>>) src(%dma_wait3A_1515 : memref<4096x32xf32, #tpu.memory_space<hbm>>) dst(%dma_wait3A_1510 : memref<128x32xf32, #tpu.memory_space<vmem>>)
    %add3A_1516 = arith.constant 256 : i32
    %add3A_1517 = arith.addi %mul3A_4, %add3A_1516 : i32
    %dma_start3A_1518 = arith.constant 0 : i32
    %dma_start3A_1519 = arith.constant 1024 : i32
    %dma_start3A_1520 = arith.constant 0 : i32
    %dma_start3A_1521 = tpu.memref_slice %arg6[%dma_start3A_1519, %dma_start3A_1520] : memref<2048x32xf32, #tpu.memory_space<vmem>> -> memref<128x32xf32, #tpu.memory_space<vmem>>
    %dma_start3A_1522 = arith.constant 0 : i32
    %dma_start3A_1523 = tpu.memref_slice %arg4[%add3A_1517, %dma_start3A_1518, %dma_start3A_1522] : memref<16384x4x128xf32, #tpu.memory_space<hbm>> -> memref<128x1x32xf32, #tpu.memory_space<hbm>>
    %dma_start3A_1524 = tpu.memref_squeeze %dma_start3A_1523 : memref<128x1x32xf32, #tpu.memory_space<hbm>> -> memref<128x32xf32, #tpu.memory_space<hbm>>
    %dma_start3A_1525 = arith.constant 0 : i32
    %dma_start3A_1526 = tpu.memref_slice %arg4[%add3A_1517, %dma_start3A_1518, %dma_start3A_1525] : memref<16384x4x128xf32, #tpu.memory_space<hbm>> -> memref<128x1x32xf32, #tpu.memory_space<hbm>>
    %dma_start3A_1527 = tpu.memref_squeeze %dma_start3A_1526 : memref<128x1x32xf32, #tpu.memory_space<hbm>> -> memref<128x32xf32, #tpu.memory_space<hbm>>
    %dma_start3A_1528 = arith.constant 1024 : i32
    %dma_start3A_1529 = arith.constant 0 : i32
    %dma_start3A_1530 = tpu.memref_slice %arg6[%dma_start3A_1528, %dma_start3A_1529] : memref<2048x32xf32, #tpu.memory_space<vmem>> -> memref<128x32xf32, #tpu.memory_space<vmem>>
    tpu.enqueue_dma source(%dma_start3A_1530 : memref<128x32xf32, #tpu.memory_space<vmem>>) target(%dma_start3A_1527 : memref<128x32xf32, #tpu.memory_space<hbm>>) target_semaphore(%arg8 : memref<!tpu.dma_semaphore, #tpu.memory_space<semaphore_mem>>)
    %dma_wait3A_1531 = arith.constant 1152 : i32
    %dma_wait3A_1532 = arith.constant 0 : i32
    %dma_wait3A_1533 = tpu.memref_slice %arg6[%dma_wait3A_1531, %dma_wait3A_1532] : memref<2048x32xf32, #tpu.memory_space<vmem>> -> memref<128x32xf32, #tpu.memory_space<vmem>>
    %dma_wait3A_1534 = arith.constant 1152 : i32
    %dma_wait3A_1535 = tpu.memref_slice %arg5[%dma_wait3A_1534] : memref<2048xi32, #tpu.memory_space<vmem>> -> memref<128xi32, #tpu.memory_space<vmem>>
    %dma_wait3A_1536 = arith.constant 0 : i32
    %dma_wait3A_1537 = arith.constant 0 : i32
    %dma_wait3A_1538 = tpu.memref_slice %arg3[%dma_wait3A_1536, %dma_wait3A_1537] : memref<4096x32xf32, #tpu.memory_space<hbm>> -> memref<4096x32xf32, #tpu.memory_space<hbm>>
    tpu.wait_indirect_dma semaphore(%arg7 : memref<!tpu.dma_semaphore, #tpu.memory_space<semaphore_mem>>) src(%dma_wait3A_1538 : memref<4096x32xf32, #tpu.memory_space<hbm>>) dst(%dma_wait3A_1533 : memref<128x32xf32, #tpu.memory_space<vmem>>)
    %add3A_1539 = arith.constant 256 : i32
    %add3A_1540 = arith.addi %mul3A_4, %add3A_1539 : i32
    %dma_start3A_1541 = arith.constant 1 : i32
    %dma_start3A_1542 = arith.constant 1152 : i32
    %dma_start3A_1543 = arith.constant 0 : i32
    %dma_start3A_1544 = tpu.memref_slice %arg6[%dma_start3A_1542, %dma_start3A_1543] : memref<2048x32xf32, #tpu.memory_space<vmem>> -> memref<128x32xf32, #tpu.memory_space<vmem>>
    %dma_start3A_1545 = arith.constant 0 : i32
    %dma_start3A_1546 = tpu.memref_slice %arg4[%add3A_1540, %dma_start3A_1541, %dma_start3A_1545] : memref<16384x4x128xf32, #tpu.memory_space<hbm>> -> memref<128x1x32xf32, #tpu.memory_space<hbm>>
    %dma_start3A_1547 = tpu.memref_squeeze %dma_start3A_1546 : memref<128x1x32xf32, #tpu.memory_space<hbm>> -> memref<128x32xf32, #tpu.memory_space<hbm>>
    %dma_start3A_1548 = arith.constant 0 : i32
    %dma_start3A_1549 = tpu.memref_slice %arg4[%add3A_1540, %dma_start3A_1541, %dma_start3A_1548] : memref<16384x4x128xf32, #tpu.memory_space<hbm>> -> memref<128x1x32xf32, #tpu.memory_space<hbm>>
    %dma_start3A_1550 = tpu.memref_squeeze %dma_start3A_1549 : memref<128x1x32xf32, #tpu.memory_space<hbm>> -> memref<128x32xf32, #tpu.memory_space<hbm>>
    %dma_start3A_1551 = arith.constant 1152 : i32
    %dma_start3A_1552 = arith.constant 0 : i32
    %dma_start3A_1553 = tpu.memref_slice %arg6[%dma_start3A_1551, %dma_start3A_1552] : memref<2048x32xf32, #tpu.memory_space<vmem>> -> memref<128x32xf32, #tpu.memory_space<vmem>>
    tpu.enqueue_dma source(%dma_start3A_1553 : memref<128x32xf32, #tpu.memory_space<vmem>>) target(%dma_start3A_1550 : memref<128x32xf32, #tpu.memory_space<hbm>>) target_semaphore(%arg8 : memref<!tpu.dma_semaphore, #tpu.memory_space<semaphore_mem>>)
    %dma_wait3A_1554 = arith.constant 1280 : i32
    %dma_wait3A_1555 = arith.constant 0 : i32
    %dma_wait3A_1556 = tpu.memref_slice %arg6[%dma_wait3A_1554, %dma_wait3A_1555] : memref<2048x32xf32, #tpu.memory_space<vmem>> -> memref<128x32xf32, #tpu.memory_space<vmem>>
    %dma_wait3A_1557 = arith.constant 1280 : i32
    %dma_wait3A_1558 = tpu.memref_slice %arg5[%dma_wait3A_1557] : memref<2048xi32, #tpu.memory_space<vmem>> -> memref<128xi32, #tpu.memory_space<vmem>>
    %dma_wait3A_1559 = arith.constant 0 : i32
    %dma_wait3A_1560 = arith.constant 0 : i32
    %dma_wait3A_1561 = tpu.memref_slice %arg3[%dma_wait3A_1559, %dma_wait3A_1560] : memref<4096x32xf32, #tpu.memory_space<hbm>> -> memref<4096x32xf32, #tpu.memory_space<hbm>>
    tpu.wait_indirect_dma semaphore(%arg7 : memref<!tpu.dma_semaphore, #tpu.memory_space<semaphore_mem>>) src(%dma_wait3A_1561 : memref<4096x32xf32, #tpu.memory_space<hbm>>) dst(%dma_wait3A_1556 : memref<128x32xf32, #tpu.memory_space<vmem>>)
    %add3A_1562 = arith.constant 256 : i32
    %add3A_1563 = arith.addi %mul3A_4, %add3A_1562 : i32
    %dma_start3A_1564 = arith.constant 2 : i32
    %dma_start3A_1565 = arith.constant 1280 : i32
    %dma_start3A_1566 = arith.constant 0 : i32
    %dma_start3A_1567 = tpu.memref_slice %arg6[%dma_start3A_1565, %dma_start3A_1566] : memref<2048x32xf32, #tpu.memory_space<vmem>> -> memref<128x32xf32, #tpu.memory_space<vmem>>
    %dma_start3A_1568 = arith.constant 0 : i32
    %dma_start3A_1569 = tpu.memref_slice %arg4[%add3A_1563, %dma_start3A_1564, %dma_start3A_1568] : memref<16384x4x128xf32, #tpu.memory_space<hbm>> -> memref<128x1x32xf32, #tpu.memory_space<hbm>>
    %dma_start3A_1570 = tpu.memref_squeeze %dma_start3A_1569 : memref<128x1x32xf32, #tpu.memory_space<hbm>> -> memref<128x32xf32, #tpu.memory_space<hbm>>
    %dma_start3A_1571 = arith.constant 0 : i32
    %dma_start3A_1572 = tpu.memref_slice %arg4[%add3A_1563, %dma_start3A_1564, %dma_start3A_1571] : memref<16384x4x128xf32, #tpu.memory_space<hbm>> -> memref<128x1x32xf32, #tpu.memory_space<hbm>>
    %dma_start3A_1573 = tpu.memref_squeeze %dma_start3A_1572 : memref<128x1x32xf32, #tpu.memory_space<hbm>> -> memref<128x32xf32, #tpu.memory_space<hbm>>
    %dma_start3A_1574 = arith.constant 1280 : i32
    %dma_start3A_1575 = arith.constant 0 : i32
    %dma_start3A_1576 = tpu.memref_slice %arg6[%dma_start3A_1574, %dma_start3A_1575] : memref<2048x32xf32, #tpu.memory_space<vmem>> -> memref<128x32xf32, #tpu.memory_space<vmem>>
    tpu.enqueue_dma source(%dma_start3A_1576 : memref<128x32xf32, #tpu.memory_space<vmem>>) target(%dma_start3A_1573 : memref<128x32xf32, #tpu.memory_space<hbm>>) target_semaphore(%arg8 : memref<!tpu.dma_semaphore, #tpu.memory_space<semaphore_mem>>)
    %dma_wait3A_1577 = arith.constant 1408 : i32
    %dma_wait3A_1578 = arith.constant 0 : i32
    %dma_wait3A_1579 = tpu.memref_slice %arg6[%dma_wait3A_1577, %dma_wait3A_1578] : memref<2048x32xf32, #tpu.memory_space<vmem>> -> memref<128x32xf32, #tpu.memory_space<vmem>>
    %dma_wait3A_1580 = arith.constant 1408 : i32
    %dma_wait3A_1581 = tpu.memref_slice %arg5[%dma_wait3A_1580] : memref<2048xi32, #tpu.memory_space<vmem>> -> memref<128xi32, #tpu.memory_space<vmem>>
    %dma_wait3A_1582 = arith.constant 0 : i32
    %dma_wait3A_1583 = arith.constant 0 : i32
    %dma_wait3A_1584 = tpu.memref_slice %arg3[%dma_wait3A_1582, %dma_wait3A_1583] : memref<4096x32xf32, #tpu.memory_space<hbm>> -> memref<4096x32xf32, #tpu.memory_space<hbm>>
    tpu.wait_indirect_dma semaphore(%arg7 : memref<!tpu.dma_semaphore, #tpu.memory_space<semaphore_mem>>) src(%dma_wait3A_1584 : memref<4096x32xf32, #tpu.memory_space<hbm>>) dst(%dma_wait3A_1579 : memref<128x32xf32, #tpu.memory_space<vmem>>)
    %add3A_1585 = arith.constant 256 : i32
    %add3A_1586 = arith.addi %mul3A_4, %add3A_1585 : i32
    %dma_start3A_1587 = arith.constant 3 : i32
    %dma_start3A_1588 = arith.constant 1408 : i32
    %dma_start3A_1589 = arith.constant 0 : i32
    %dma_start3A_1590 = tpu.memref_slice %arg6[%dma_start3A_1588, %dma_start3A_1589] : memref<2048x32xf32, #tpu.memory_space<vmem>> -> memref<128x32xf32, #tpu.memory_space<vmem>>
    %dma_start3A_1591 = arith.constant 0 : i32
    %dma_start3A_1592 = tpu.memref_slice %arg4[%add3A_1586, %dma_start3A_1587, %dma_start3A_1591] : memref<16384x4x128xf32, #tpu.memory_space<hbm>> -> memref<128x1x32xf32, #tpu.memory_space<hbm>>
    %dma_start3A_1593 = tpu.memref_squeeze %dma_start3A_1592 : memref<128x1x32xf32, #tpu.memory_space<hbm>> -> memref<128x32xf32, #tpu.memory_space<hbm>>
    %dma_start3A_1594 = arith.constant 0 : i32
    %dma_start3A_1595 = tpu.memref_slice %arg4[%add3A_1586, %dma_start3A_1587, %dma_start3A_1594] : memref<16384x4x128xf32, #tpu.memory_space<hbm>> -> memref<128x1x32xf32, #tpu.memory_space<hbm>>
    %dma_start3A_1596 = tpu.memref_squeeze %dma_start3A_1595 : memref<128x1x32xf32, #tpu.memory_space<hbm>> -> memref<128x32xf32, #tpu.memory_space<hbm>>
    %dma_start3A_1597 = arith.constant 1408 : i32
    %dma_start3A_1598 = arith.constant 0 : i32
    %dma_start3A_1599 = tpu.memref_slice %arg6[%dma_start3A_1597, %dma_start3A_1598] : memref<2048x32xf32, #tpu.memory_space<vmem>> -> memref<128x32xf32, #tpu.memory_space<vmem>>
    tpu.enqueue_dma source(%dma_start3A_1599 : memref<128x32xf32, #tpu.memory_space<vmem>>) target(%dma_start3A_1596 : memref<128x32xf32, #tpu.memory_space<hbm>>) target_semaphore(%arg8 : memref<!tpu.dma_semaphore, #tpu.memory_space<semaphore_mem>>)
    %dma_wait3A_1600 = arith.constant 1536 : i32
    %dma_wait3A_1601 = arith.constant 0 : i32
    %dma_wait3A_1602 = tpu.memref_slice %arg6[%dma_wait3A_1600, %dma_wait3A_1601] : memref<2048x32xf32, #tpu.memory_space<vmem>> -> memref<128x32xf32, #tpu.memory_space<vmem>>
    %dma_wait3A_1603 = arith.constant 1536 : i32
    %dma_wait3A_1604 = tpu.memref_slice %arg5[%dma_wait3A_1603] : memref<2048xi32, #tpu.memory_space<vmem>> -> memref<128xi32, #tpu.memory_space<vmem>>
    %dma_wait3A_1605 = arith.constant 0 : i32
    %dma_wait3A_1606 = arith.constant 0 : i32
    %dma_wait3A_1607 = tpu.memref_slice %arg3[%dma_wait3A_1605, %dma_wait3A_1606] : memref<4096x32xf32, #tpu.memory_space<hbm>> -> memref<4096x32xf32, #tpu.memory_space<hbm>>
    tpu.wait_indirect_dma semaphore(%arg7 : memref<!tpu.dma_semaphore, #tpu.memory_space<semaphore_mem>>) src(%dma_wait3A_1607 : memref<4096x32xf32, #tpu.memory_space<hbm>>) dst(%dma_wait3A_1602 : memref<128x32xf32, #tpu.memory_space<vmem>>)
    %add3A_1608 = arith.constant 384 : i32
    %add3A_1609 = arith.addi %mul3A_4, %add3A_1608 : i32
    %dma_start3A_1610 = arith.constant 0 : i32
    %dma_start3A_1611 = arith.constant 1536 : i32
    %dma_start3A_1612 = arith.constant 0 : i32
    %dma_start3A_1613 = tpu.memref_slice %arg6[%dma_start3A_1611, %dma_start3A_1612] : memref<2048x32xf32, #tpu.memory_space<vmem>> -> memref<128x32xf32, #tpu.memory_space<vmem>>
    %dma_start3A_1614 = arith.constant 0 : i32
    %dma_start3A_1615 = tpu.memref_slice %arg4[%add3A_1609, %dma_start3A_1610, %dma_start3A_1614] : memref<16384x4x128xf32, #tpu.memory_space<hbm>> -> memref<128x1x32xf32, #tpu.memory_space<hbm>>
    %dma_start3A_1616 = tpu.memref_squeeze %dma_start3A_1615 : memref<128x1x32xf32, #tpu.memory_space<hbm>> -> memref<128x32xf32, #tpu.memory_space<hbm>>
    %dma_start3A_1617 = arith.constant 0 : i32
    %dma_start3A_1618 = tpu.memref_slice %arg4[%add3A_1609, %dma_start3A_1610, %dma_start3A_1617] : memref<16384x4x128xf32, #tpu.memory_space<hbm>> -> memref<128x1x32xf32, #tpu.memory_space<hbm>>
    %dma_start3A_1619 = tpu.memref_squeeze %dma_start3A_1618 : memref<128x1x32xf32, #tpu.memory_space<hbm>> -> memref<128x32xf32, #tpu.memory_space<hbm>>
    %dma_start3A_1620 = arith.constant 1536 : i32
    %dma_start3A_1621 = arith.constant 0 : i32
    %dma_start3A_1622 = tpu.memref_slice %arg6[%dma_start3A_1620, %dma_start3A_1621] : memref<2048x32xf32, #tpu.memory_space<vmem>> -> memref<128x32xf32, #tpu.memory_space<vmem>>
    tpu.enqueue_dma source(%dma_start3A_1622 : memref<128x32xf32, #tpu.memory_space<vmem>>) target(%dma_start3A_1619 : memref<128x32xf32, #tpu.memory_space<hbm>>) target_semaphore(%arg8 : memref<!tpu.dma_semaphore, #tpu.memory_space<semaphore_mem>>)
    %dma_wait3A_1623 = arith.constant 1664 : i32
    %dma_wait3A_1624 = arith.constant 0 : i32
    %dma_wait3A_1625 = tpu.memref_slice %arg6[%dma_wait3A_1623, %dma_wait3A_1624] : memref<2048x32xf32, #tpu.memory_space<vmem>> -> memref<128x32xf32, #tpu.memory_space<vmem>>
    %dma_wait3A_1626 = arith.constant 1664 : i32
    %dma_wait3A_1627 = tpu.memref_slice %arg5[%dma_wait3A_1626] : memref<2048xi32, #tpu.memory_space<vmem>> -> memref<128xi32, #tpu.memory_space<vmem>>
    %dma_wait3A_1628 = arith.constant 0 : i32
    %dma_wait3A_1629 = arith.constant 0 : i32
    %dma_wait3A_1630 = tpu.memref_slice %arg3[%dma_wait3A_1628, %dma_wait3A_1629] : memref<4096x32xf32, #tpu.memory_space<hbm>> -> memref<4096x32xf32, #tpu.memory_space<hbm>>
    tpu.wait_indirect_dma semaphore(%arg7 : memref<!tpu.dma_semaphore, #tpu.memory_space<semaphore_mem>>) src(%dma_wait3A_1630 : memref<4096x32xf32, #tpu.memory_space<hbm>>) dst(%dma_wait3A_1625 : memref<128x32xf32, #tpu.memory_space<vmem>>)
    %add3A_1631 = arith.constant 384 : i32
    %add3A_1632 = arith.addi %mul3A_4, %add3A_1631 : i32
    %dma_start3A_1633 = arith.constant 1 : i32
    %dma_start3A_1634 = arith.constant 1664 : i32
    %dma_start3A_1635 = arith.constant 0 : i32
    %dma_start3A_1636 = tpu.memref_slice %arg6[%dma_start3A_1634, %dma_start3A_1635] : memref<2048x32xf32, #tpu.memory_space<vmem>> -> memref<128x32xf32, #tpu.memory_space<vmem>>
    %dma_start3A_1637 = arith.constant 0 : i32
    %dma_start3A_1638 = tpu.memref_slice %arg4[%add3A_1632, %dma_start3A_1633, %dma_start3A_1637] : memref<16384x4x128xf32, #tpu.memory_space<hbm>> -> memref<128x1x32xf32, #tpu.memory_space<hbm>>
    %dma_start3A_1639 = tpu.memref_squeeze %dma_start3A_1638 : memref<128x1x32xf32, #tpu.memory_space<hbm>> -> memref<128x32xf32, #tpu.memory_space<hbm>>
    %dma_start3A_1640 = arith.constant 0 : i32
    %dma_start3A_1641 = tpu.memref_slice %arg4[%add3A_1632, %dma_start3A_1633, %dma_start3A_1640] : memref<16384x4x128xf32, #tpu.memory_space<hbm>> -> memref<128x1x32xf32, #tpu.memory_space<hbm>>
    %dma_start3A_1642 = tpu.memref_squeeze %dma_start3A_1641 : memref<128x1x32xf32, #tpu.memory_space<hbm>> -> memref<128x32xf32, #tpu.memory_space<hbm>>
    %dma_start3A_1643 = arith.constant 1664 : i32
    %dma_start3A_1644 = arith.constant 0 : i32
    %dma_start3A_1645 = tpu.memref_slice %arg6[%dma_start3A_1643, %dma_start3A_1644] : memref<2048x32xf32, #tpu.memory_space<vmem>> -> memref<128x32xf32, #tpu.memory_space<vmem>>
    tpu.enqueue_dma source(%dma_start3A_1645 : memref<128x32xf32, #tpu.memory_space<vmem>>) target(%dma_start3A_1642 : memref<128x32xf32, #tpu.memory_space<hbm>>) target_semaphore(%arg8 : memref<!tpu.dma_semaphore, #tpu.memory_space<semaphore_mem>>)
    %dma_wait3A_1646 = arith.constant 1792 : i32
    %dma_wait3A_1647 = arith.constant 0 : i32
    %dma_wait3A_1648 = tpu.memref_slice %arg6[%dma_wait3A_1646, %dma_wait3A_1647] : memref<2048x32xf32, #tpu.memory_space<vmem>> -> memref<128x32xf32, #tpu.memory_space<vmem>>
    %dma_wait3A_1649 = arith.constant 1792 : i32
    %dma_wait3A_1650 = tpu.memref_slice %arg5[%dma_wait3A_1649] : memref<2048xi32, #tpu.memory_space<vmem>> -> memref<128xi32, #tpu.memory_space<vmem>>
    %dma_wait3A_1651 = arith.constant 0 : i32
    %dma_wait3A_1652 = arith.constant 0 : i32
    %dma_wait3A_1653 = tpu.memref_slice %arg3[%dma_wait3A_1651, %dma_wait3A_1652] : memref<4096x32xf32, #tpu.memory_space<hbm>> -> memref<4096x32xf32, #tpu.memory_space<hbm>>
    tpu.wait_indirect_dma semaphore(%arg7 : memref<!tpu.dma_semaphore, #tpu.memory_space<semaphore_mem>>) src(%dma_wait3A_1653 : memref<4096x32xf32, #tpu.memory_space<hbm>>) dst(%dma_wait3A_1648 : memref<128x32xf32, #tpu.memory_space<vmem>>)
    %add3A_1654 = arith.constant 384 : i32
    %add3A_1655 = arith.addi %mul3A_4, %add3A_1654 : i32
    %dma_start3A_1656 = arith.constant 2 : i32
    %dma_start3A_1657 = arith.constant 1792 : i32
    %dma_start3A_1658 = arith.constant 0 : i32
    %dma_start3A_1659 = tpu.memref_slice %arg6[%dma_start3A_1657, %dma_start3A_1658] : memref<2048x32xf32, #tpu.memory_space<vmem>> -> memref<128x32xf32, #tpu.memory_space<vmem>>
    %dma_start3A_1660 = arith.constant 0 : i32
    %dma_start3A_1661 = tpu.memref_slice %arg4[%add3A_1655, %dma_start3A_1656, %dma_start3A_1660] : memref<16384x4x128xf32, #tpu.memory_space<hbm>> -> memref<128x1x32xf32, #tpu.memory_space<hbm>>
    %dma_start3A_1662 = tpu.memref_squeeze %dma_start3A_1661 : memref<128x1x32xf32, #tpu.memory_space<hbm>> -> memref<128x32xf32, #tpu.memory_space<hbm>>
    %dma_start3A_1663 = arith.constant 0 : i32
    %dma_start3A_1664 = tpu.memref_slice %arg4[%add3A_1655, %dma_start3A_1656, %dma_start3A_1663] : memref<16384x4x128xf32, #tpu.memory_space<hbm>> -> memref<128x1x32xf32, #tpu.memory_space<hbm>>
    %dma_start3A_1665 = tpu.memref_squeeze %dma_start3A_1664 : memref<128x1x32xf32, #tpu.memory_space<hbm>> -> memref<128x32xf32, #tpu.memory_space<hbm>>
    %dma_start3A_1666 = arith.constant 1792 : i32
    %dma_start3A_1667 = arith.constant 0 : i32
    %dma_start3A_1668 = tpu.memref_slice %arg6[%dma_start3A_1666, %dma_start3A_1667] : memref<2048x32xf32, #tpu.memory_space<vmem>> -> memref<128x32xf32, #tpu.memory_space<vmem>>
    tpu.enqueue_dma source(%dma_start3A_1668 : memref<128x32xf32, #tpu.memory_space<vmem>>) target(%dma_start3A_1665 : memref<128x32xf32, #tpu.memory_space<hbm>>) target_semaphore(%arg8 : memref<!tpu.dma_semaphore, #tpu.memory_space<semaphore_mem>>)
    %dma_wait3A_1669 = arith.constant 1920 : i32
    %dma_wait3A_1670 = arith.constant 0 : i32
    %dma_wait3A_1671 = tpu.memref_slice %arg6[%dma_wait3A_1669, %dma_wait3A_1670] : memref<2048x32xf32, #tpu.memory_space<vmem>> -> memref<128x32xf32, #tpu.memory_space<vmem>>
    %dma_wait3A_1672 = arith.constant 1920 : i32
    %dma_wait3A_1673 = tpu.memref_slice %arg5[%dma_wait3A_1672] : memref<2048xi32, #tpu.memory_space<vmem>> -> memref<128xi32, #tpu.memory_space<vmem>>
    %dma_wait3A_1674 = arith.constant 0 : i32
    %dma_wait3A_1675 = arith.constant 0 : i32
    %dma_wait3A_1676 = tpu.memref_slice %arg3[%dma_wait3A_1674, %dma_wait3A_1675] : memref<4096x32xf32, #tpu.memory_space<hbm>> -> memref<4096x32xf32, #tpu.memory_space<hbm>>
    tpu.wait_indirect_dma semaphore(%arg7 : memref<!tpu.dma_semaphore, #tpu.memory_space<semaphore_mem>>) src(%dma_wait3A_1676 : memref<4096x32xf32, #tpu.memory_space<hbm>>) dst(%dma_wait3A_1671 : memref<128x32xf32, #tpu.memory_space<vmem>>)
    %add3A_1677 = arith.constant 384 : i32
    %add3A_1678 = arith.addi %mul3A_4, %add3A_1677 : i32
    %dma_start3A_1679 = arith.constant 3 : i32
    %dma_start3A_1680 = arith.constant 1920 : i32
    %dma_start3A_1681 = arith.constant 0 : i32
    %dma_start3A_1682 = tpu.memref_slice %arg6[%dma_start3A_1680, %dma_start3A_1681] : memref<2048x32xf32, #tpu.memory_space<vmem>> -> memref<128x32xf32, #tpu.memory_space<vmem>>
    %dma_start3A_1683 = arith.constant 0 : i32
    %dma_start3A_1684 = tpu.memref_slice %arg4[%add3A_1678, %dma_start3A_1679, %dma_start3A_1683] : memref<16384x4x128xf32, #tpu.memory_space<hbm>> -> memref<128x1x32xf32, #tpu.memory_space<hbm>>
    %dma_start3A_1685 = tpu.memref_squeeze %dma_start3A_1684 : memref<128x1x32xf32, #tpu.memory_space<hbm>> -> memref<128x32xf32, #tpu.memory_space<hbm>>
    %dma_start3A_1686 = arith.constant 0 : i32
    %dma_start3A_1687 = tpu.memref_slice %arg4[%add3A_1678, %dma_start3A_1679, %dma_start3A_1686] : memref<16384x4x128xf32, #tpu.memory_space<hbm>> -> memref<128x1x32xf32, #tpu.memory_space<hbm>>
    %dma_start3A_1688 = tpu.memref_squeeze %dma_start3A_1687 : memref<128x1x32xf32, #tpu.memory_space<hbm>> -> memref<128x32xf32, #tpu.memory_space<hbm>>
    %dma_start3A_1689 = arith.constant 1920 : i32
    %dma_start3A_1690 = arith.constant 0 : i32
    %dma_start3A_1691 = tpu.memref_slice %arg6[%dma_start3A_1689, %dma_start3A_1690] : memref<2048x32xf32, #tpu.memory_space<vmem>> -> memref<128x32xf32, #tpu.memory_space<vmem>>
    tpu.enqueue_dma source(%dma_start3A_1691 : memref<128x32xf32, #tpu.memory_space<vmem>>) target(%dma_start3A_1688 : memref<128x32xf32, #tpu.memory_space<hbm>>) target_semaphore(%arg8 : memref<!tpu.dma_semaphore, #tpu.memory_space<semaphore_mem>>)
    %dma_wait3A_1692 = arith.constant 0 : i32
    %dma_wait3A_1693 = arith.constant 0 : i32
    %dma_wait3A_1694 = arith.constant 0 : i32
    %dma_wait3A_1695 = tpu.memref_slice %arg6[%dma_wait3A_1693, %dma_wait3A_1694] : memref<2048x32xf32, #tpu.memory_space<vmem>> -> memref<128x32xf32, #tpu.memory_space<vmem>>
    %dma_wait3A_1696 = arith.constant 0 : i32
    %dma_wait3A_1697 = tpu.memref_slice %arg4[%add3A_1333, %dma_wait3A_1692, %dma_wait3A_1696] : memref<16384x4x128xf32, #tpu.memory_space<hbm>> -> memref<128x1x32xf32, #tpu.memory_space<hbm>>
    %dma_wait3A_1698 = tpu.memref_squeeze %dma_wait3A_1697 : memref<128x1x32xf32, #tpu.memory_space<hbm>> -> memref<128x32xf32, #tpu.memory_space<hbm>>
    %dma_wait3A_1699 = arith.constant 0 : i32
    %dma_wait3A_1700 = tpu.memref_slice %arg4[%add3A_1333, %dma_wait3A_1692, %dma_wait3A_1699] : memref<16384x4x128xf32, #tpu.memory_space<hbm>> -> memref<128x1x32xf32, #tpu.memory_space<hbm>>
    %dma_wait3A_1701 = tpu.memref_squeeze %dma_wait3A_1700 : memref<128x1x32xf32, #tpu.memory_space<hbm>> -> memref<128x32xf32, #tpu.memory_space<hbm>>
    %dma_wait3A_1702 = arith.constant 0 : i32
    %dma_wait3A_1703 = arith.constant 0 : i32
    %dma_wait3A_1704 = tpu.memref_slice %arg6[%dma_wait3A_1702, %dma_wait3A_1703] : memref<2048x32xf32, #tpu.memory_space<vmem>> -> memref<128x32xf32, #tpu.memory_space<vmem>>
    tpu.wait_dma2 semaphore(%arg8 : memref<!tpu.dma_semaphore, #tpu.memory_space<semaphore_mem>>) src(%dma_wait3A_1704 : memref<128x32xf32, #tpu.memory_space<vmem>>) dst(%dma_wait3A_1701 : memref<128x32xf32, #tpu.memory_space<hbm>>)
    %dma_wait3A_1705 = arith.constant 1 : i32
    %dma_wait3A_1706 = arith.constant 128 : i32
    %dma_wait3A_1707 = arith.constant 0 : i32
    %dma_wait3A_1708 = tpu.memref_slice %arg6[%dma_wait3A_1706, %dma_wait3A_1707] : memref<2048x32xf32, #tpu.memory_space<vmem>> -> memref<128x32xf32, #tpu.memory_space<vmem>>
    %dma_wait3A_1709 = arith.constant 0 : i32
    %dma_wait3A_1710 = tpu.memref_slice %arg4[%add3A_1356, %dma_wait3A_1705, %dma_wait3A_1709] : memref<16384x4x128xf32, #tpu.memory_space<hbm>> -> memref<128x1x32xf32, #tpu.memory_space<hbm>>
    %dma_wait3A_1711 = tpu.memref_squeeze %dma_wait3A_1710 : memref<128x1x32xf32, #tpu.memory_space<hbm>> -> memref<128x32xf32, #tpu.memory_space<hbm>>
    %dma_wait3A_1712 = arith.constant 0 : i32
    %dma_wait3A_1713 = tpu.memref_slice %arg4[%add3A_1356, %dma_wait3A_1705, %dma_wait3A_1712] : memref<16384x4x128xf32, #tpu.memory_space<hbm>> -> memref<128x1x32xf32, #tpu.memory_space<hbm>>
    %dma_wait3A_1714 = tpu.memref_squeeze %dma_wait3A_1713 : memref<128x1x32xf32, #tpu.memory_space<hbm>> -> memref<128x32xf32, #tpu.memory_space<hbm>>
    %dma_wait3A_1715 = arith.constant 128 : i32
    %dma_wait3A_1716 = arith.constant 0 : i32
    %dma_wait3A_1717 = tpu.memref_slice %arg6[%dma_wait3A_1715, %dma_wait3A_1716] : memref<2048x32xf32, #tpu.memory_space<vmem>> -> memref<128x32xf32, #tpu.memory_space<vmem>>
    tpu.wait_dma2 semaphore(%arg8 : memref<!tpu.dma_semaphore, #tpu.memory_space<semaphore_mem>>) src(%dma_wait3A_1717 : memref<128x32xf32, #tpu.memory_space<vmem>>) dst(%dma_wait3A_1714 : memref<128x32xf32, #tpu.memory_space<hbm>>)
    %dma_wait3A_1718 = arith.constant 2 : i32
    %dma_wait3A_1719 = arith.constant 256 : i32
    %dma_wait3A_1720 = arith.constant 0 : i32
    %dma_wait3A_1721 = tpu.memref_slice %arg6[%dma_wait3A_1719, %dma_wait3A_1720] : memref<2048x32xf32, #tpu.memory_space<vmem>> -> memref<128x32xf32, #tpu.memory_space<vmem>>
    %dma_wait3A_1722 = arith.constant 0 : i32
    %dma_wait3A_1723 = tpu.memref_slice %arg4[%add3A_1379, %dma_wait3A_1718, %dma_wait3A_1722] : memref<16384x4x128xf32, #tpu.memory_space<hbm>> -> memref<128x1x32xf32, #tpu.memory_space<hbm>>
    %dma_wait3A_1724 = tpu.memref_squeeze %dma_wait3A_1723 : memref<128x1x32xf32, #tpu.memory_space<hbm>> -> memref<128x32xf32, #tpu.memory_space<hbm>>
    %dma_wait3A_1725 = arith.constant 0 : i32
    %dma_wait3A_1726 = tpu.memref_slice %arg4[%add3A_1379, %dma_wait3A_1718, %dma_wait3A_1725] : memref<16384x4x128xf32, #tpu.memory_space<hbm>> -> memref<128x1x32xf32, #tpu.memory_space<hbm>>
    %dma_wait3A_1727 = tpu.memref_squeeze %dma_wait3A_1726 : memref<128x1x32xf32, #tpu.memory_space<hbm>> -> memref<128x32xf32, #tpu.memory_space<hbm>>
    %dma_wait3A_1728 = arith.constant 256 : i32
    %dma_wait3A_1729 = arith.constant 0 : i32
    %dma_wait3A_1730 = tpu.memref_slice %arg6[%dma_wait3A_1728, %dma_wait3A_1729] : memref<2048x32xf32, #tpu.memory_space<vmem>> -> memref<128x32xf32, #tpu.memory_space<vmem>>
    tpu.wait_dma2 semaphore(%arg8 : memref<!tpu.dma_semaphore, #tpu.memory_space<semaphore_mem>>) src(%dma_wait3A_1730 : memref<128x32xf32, #tpu.memory_space<vmem>>) dst(%dma_wait3A_1727 : memref<128x32xf32, #tpu.memory_space<hbm>>)
    %dma_wait3A_1731 = arith.constant 3 : i32
    %dma_wait3A_1732 = arith.constant 384 : i32
    %dma_wait3A_1733 = arith.constant 0 : i32
    %dma_wait3A_1734 = tpu.memref_slice %arg6[%dma_wait3A_1732, %dma_wait3A_1733] : memref<2048x32xf32, #tpu.memory_space<vmem>> -> memref<128x32xf32, #tpu.memory_space<vmem>>
    %dma_wait3A_1735 = arith.constant 0 : i32
    %dma_wait3A_1736 = tpu.memref_slice %arg4[%add3A_1402, %dma_wait3A_1731, %dma_wait3A_1735] : memref<16384x4x128xf32, #tpu.memory_space<hbm>> -> memref<128x1x32xf32, #tpu.memory_space<hbm>>
    %dma_wait3A_1737 = tpu.memref_squeeze %dma_wait3A_1736 : memref<128x1x32xf32, #tpu.memory_space<hbm>> -> memref<128x32xf32, #tpu.memory_space<hbm>>
    %dma_wait3A_1738 = arith.constant 0 : i32
    %dma_wait3A_1739 = tpu.memref_slice %arg4[%add3A_1402, %dma_wait3A_1731, %dma_wait3A_1738] : memref<16384x4x128xf32, #tpu.memory_space<hbm>> -> memref<128x1x32xf32, #tpu.memory_space<hbm>>
    %dma_wait3A_1740 = tpu.memref_squeeze %dma_wait3A_1739 : memref<128x1x32xf32, #tpu.memory_space<hbm>> -> memref<128x32xf32, #tpu.memory_space<hbm>>
    %dma_wait3A_1741 = arith.constant 384 : i32
    %dma_wait3A_1742 = arith.constant 0 : i32
    %dma_wait3A_1743 = tpu.memref_slice %arg6[%dma_wait3A_1741, %dma_wait3A_1742] : memref<2048x32xf32, #tpu.memory_space<vmem>> -> memref<128x32xf32, #tpu.memory_space<vmem>>
    tpu.wait_dma2 semaphore(%arg8 : memref<!tpu.dma_semaphore, #tpu.memory_space<semaphore_mem>>) src(%dma_wait3A_1743 : memref<128x32xf32, #tpu.memory_space<vmem>>) dst(%dma_wait3A_1740 : memref<128x32xf32, #tpu.memory_space<hbm>>)
    %dma_wait3A_1744 = arith.constant 0 : i32
    %dma_wait3A_1745 = arith.constant 512 : i32
    %dma_wait3A_1746 = arith.constant 0 : i32
    %dma_wait3A_1747 = tpu.memref_slice %arg6[%dma_wait3A_1745, %dma_wait3A_1746] : memref<2048x32xf32, #tpu.memory_space<vmem>> -> memref<128x32xf32, #tpu.memory_space<vmem>>
    %dma_wait3A_1748 = arith.constant 0 : i32
    %dma_wait3A_1749 = tpu.memref_slice %arg4[%add3A_1425, %dma_wait3A_1744, %dma_wait3A_1748] : memref<16384x4x128xf32, #tpu.memory_space<hbm>> -> memref<128x1x32xf32, #tpu.memory_space<hbm>>
    %dma_wait3A_1750 = tpu.memref_squeeze %dma_wait3A_1749 : memref<128x1x32xf32, #tpu.memory_space<hbm>> -> memref<128x32xf32, #tpu.memory_space<hbm>>
    %dma_wait3A_1751 = arith.constant 0 : i32
    %dma_wait3A_1752 = tpu.memref_slice %arg4[%add3A_1425, %dma_wait3A_1744, %dma_wait3A_1751] : memref<16384x4x128xf32, #tpu.memory_space<hbm>> -> memref<128x1x32xf32, #tpu.memory_space<hbm>>
    %dma_wait3A_1753 = tpu.memref_squeeze %dma_wait3A_1752 : memref<128x1x32xf32, #tpu.memory_space<hbm>> -> memref<128x32xf32, #tpu.memory_space<hbm>>
    %dma_wait3A_1754 = arith.constant 512 : i32
    %dma_wait3A_1755 = arith.constant 0 : i32
    %dma_wait3A_1756 = tpu.memref_slice %arg6[%dma_wait3A_1754, %dma_wait3A_1755] : memref<2048x32xf32, #tpu.memory_space<vmem>> -> memref<128x32xf32, #tpu.memory_space<vmem>>
    tpu.wait_dma2 semaphore(%arg8 : memref<!tpu.dma_semaphore, #tpu.memory_space<semaphore_mem>>) src(%dma_wait3A_1756 : memref<128x32xf32, #tpu.memory_space<vmem>>) dst(%dma_wait3A_1753 : memref<128x32xf32, #tpu.memory_space<hbm>>)
    %dma_wait3A_1757 = arith.constant 1 : i32
    %dma_wait3A_1758 = arith.constant 640 : i32
    %dma_wait3A_1759 = arith.constant 0 : i32
    %dma_wait3A_1760 = tpu.memref_slice %arg6[%dma_wait3A_1758, %dma_wait3A_1759] : memref<2048x32xf32, #tpu.memory_space<vmem>> -> memref<128x32xf32, #tpu.memory_space<vmem>>
    %dma_wait3A_1761 = arith.constant 0 : i32
    %dma_wait3A_1762 = tpu.memref_slice %arg4[%add3A_1448, %dma_wait3A_1757, %dma_wait3A_1761] : memref<16384x4x128xf32, #tpu.memory_space<hbm>> -> memref<128x1x32xf32, #tpu.memory_space<hbm>>
    %dma_wait3A_1763 = tpu.memref_squeeze %dma_wait3A_1762 : memref<128x1x32xf32, #tpu.memory_space<hbm>> -> memref<128x32xf32, #tpu.memory_space<hbm>>
    %dma_wait3A_1764 = arith.constant 0 : i32
    %dma_wait3A_1765 = tpu.memref_slice %arg4[%add3A_1448, %dma_wait3A_1757, %dma_wait3A_1764] : memref<16384x4x128xf32, #tpu.memory_space<hbm>> -> memref<128x1x32xf32, #tpu.memory_space<hbm>>
    %dma_wait3A_1766 = tpu.memref_squeeze %dma_wait3A_1765 : memref<128x1x32xf32, #tpu.memory_space<hbm>> -> memref<128x32xf32, #tpu.memory_space<hbm>>
    %dma_wait3A_1767 = arith.constant 640 : i32
    %dma_wait3A_1768 = arith.constant 0 : i32
    %dma_wait3A_1769 = tpu.memref_slice %arg6[%dma_wait3A_1767, %dma_wait3A_1768] : memref<2048x32xf32, #tpu.memory_space<vmem>> -> memref<128x32xf32, #tpu.memory_space<vmem>>
    tpu.wait_dma2 semaphore(%arg8 : memref<!tpu.dma_semaphore, #tpu.memory_space<semaphore_mem>>) src(%dma_wait3A_1769 : memref<128x32xf32, #tpu.memory_space<vmem>>) dst(%dma_wait3A_1766 : memref<128x32xf32, #tpu.memory_space<hbm>>)
    %dma_wait3A_1770 = arith.constant 2 : i32
    %dma_wait3A_1771 = arith.constant 768 : i32
    %dma_wait3A_1772 = arith.constant 0 : i32
    %dma_wait3A_1773 = tpu.memref_slice %arg6[%dma_wait3A_1771, %dma_wait3A_1772] : memref<2048x32xf32, #tpu.memory_space<vmem>> -> memref<128x32xf32, #tpu.memory_space<vmem>>
    %dma_wait3A_1774 = arith.constant 0 : i32
    %dma_wait3A_1775 = tpu.memref_slice %arg4[%add3A_1471, %dma_wait3A_1770, %dma_wait3A_1774] : memref<16384x4x128xf32, #tpu.memory_space<hbm>> -> memref<128x1x32xf32, #tpu.memory_space<hbm>>
    %dma_wait3A_1776 = tpu.memref_squeeze %dma_wait3A_1775 : memref<128x1x32xf32, #tpu.memory_space<hbm>> -> memref<128x32xf32, #tpu.memory_space<hbm>>
    %dma_wait3A_1777 = arith.constant 0 : i32
    %dma_wait3A_1778 = tpu.memref_slice %arg4[%add3A_1471, %dma_wait3A_1770, %dma_wait3A_1777] : memref<16384x4x128xf32, #tpu.memory_space<hbm>> -> memref<128x1x32xf32, #tpu.memory_space<hbm>>
    %dma_wait3A_1779 = tpu.memref_squeeze %dma_wait3A_1778 : memref<128x1x32xf32, #tpu.memory_space<hbm>> -> memref<128x32xf32, #tpu.memory_space<hbm>>
    %dma_wait3A_1780 = arith.constant 768 : i32
    %dma_wait3A_1781 = arith.constant 0 : i32
    %dma_wait3A_1782 = tpu.memref_slice %arg6[%dma_wait3A_1780, %dma_wait3A_1781] : memref<2048x32xf32, #tpu.memory_space<vmem>> -> memref<128x32xf32, #tpu.memory_space<vmem>>
    tpu.wait_dma2 semaphore(%arg8 : memref<!tpu.dma_semaphore, #tpu.memory_space<semaphore_mem>>) src(%dma_wait3A_1782 : memref<128x32xf32, #tpu.memory_space<vmem>>) dst(%dma_wait3A_1779 : memref<128x32xf32, #tpu.memory_space<hbm>>)
    %dma_wait3A_1783 = arith.constant 3 : i32
    %dma_wait3A_1784 = arith.constant 896 : i32
    %dma_wait3A_1785 = arith.constant 0 : i32
    %dma_wait3A_1786 = tpu.memref_slice %arg6[%dma_wait3A_1784, %dma_wait3A_1785] : memref<2048x32xf32, #tpu.memory_space<vmem>> -> memref<128x32xf32, #tpu.memory_space<vmem>>
    %dma_wait3A_1787 = arith.constant 0 : i32
    %dma_wait3A_1788 = tpu.memref_slice %arg4[%add3A_1494, %dma_wait3A_1783, %dma_wait3A_1787] : memref<16384x4x128xf32, #tpu.memory_space<hbm>> -> memref<128x1x32xf32, #tpu.memory_space<hbm>>
    %dma_wait3A_1789 = tpu.memref_squeeze %dma_wait3A_1788 : memref<128x1x32xf32, #tpu.memory_space<hbm>> -> memref<128x32xf32, #tpu.memory_space<hbm>>
    %dma_wait3A_1790 = arith.constant 0 : i32
    %dma_wait3A_1791 = tpu.memref_slice %arg4[%add3A_1494, %dma_wait3A_1783, %dma_wait3A_1790] : memref<16384x4x128xf32, #tpu.memory_space<hbm>> -> memref<128x1x32xf32, #tpu.memory_space<hbm>>
    %dma_wait3A_1792 = tpu.memref_squeeze %dma_wait3A_1791 : memref<128x1x32xf32, #tpu.memory_space<hbm>> -> memref<128x32xf32, #tpu.memory_space<hbm>>
    %dma_wait3A_1793 = arith.constant 896 : i32
    %dma_wait3A_1794 = arith.constant 0 : i32
    %dma_wait3A_1795 = tpu.memref_slice %arg6[%dma_wait3A_1793, %dma_wait3A_1794] : memref<2048x32xf32, #tpu.memory_space<vmem>> -> memref<128x32xf32, #tpu.memory_space<vmem>>
    tpu.wait_dma2 semaphore(%arg8 : memref<!tpu.dma_semaphore, #tpu.memory_space<semaphore_mem>>) src(%dma_wait3A_1795 : memref<128x32xf32, #tpu.memory_space<vmem>>) dst(%dma_wait3A_1792 : memref<128x32xf32, #tpu.memory_space<hbm>>)
    %dma_wait3A_1796 = arith.constant 0 : i32
    %dma_wait3A_1797 = arith.constant 1024 : i32
    %dma_wait3A_1798 = arith.constant 0 : i32
    %dma_wait3A_1799 = tpu.memref_slice %arg6[%dma_wait3A_1797, %dma_wait3A_1798] : memref<2048x32xf32, #tpu.memory_space<vmem>> -> memref<128x32xf32, #tpu.memory_space<vmem>>
    %dma_wait3A_1800 = arith.constant 0 : i32
    %dma_wait3A_1801 = tpu.memref_slice %arg4[%add3A_1517, %dma_wait3A_1796, %dma_wait3A_1800] : memref<16384x4x128xf32, #tpu.memory_space<hbm>> -> memref<128x1x32xf32, #tpu.memory_space<hbm>>
    %dma_wait3A_1802 = tpu.memref_squeeze %dma_wait3A_1801 : memref<128x1x32xf32, #tpu.memory_space<hbm>> -> memref<128x32xf32, #tpu.memory_space<hbm>>
    %dma_wait3A_1803 = arith.constant 0 : i32
    %dma_wait3A_1804 = tpu.memref_slice %arg4[%add3A_1517, %dma_wait3A_1796, %dma_wait3A_1803] : memref<16384x4x128xf32, #tpu.memory_space<hbm>> -> memref<128x1x32xf32, #tpu.memory_space<hbm>>
    %dma_wait3A_1805 = tpu.memref_squeeze %dma_wait3A_1804 : memref<128x1x32xf32, #tpu.memory_space<hbm>> -> memref<128x32xf32, #tpu.memory_space<hbm>>
    %dma_wait3A_1806 = arith.constant 1024 : i32
    %dma_wait3A_1807 = arith.constant 0 : i32
    %dma_wait3A_1808 = tpu.memref_slice %arg6[%dma_wait3A_1806, %dma_wait3A_1807] : memref<2048x32xf32, #tpu.memory_space<vmem>> -> memref<128x32xf32, #tpu.memory_space<vmem>>
    tpu.wait_dma2 semaphore(%arg8 : memref<!tpu.dma_semaphore, #tpu.memory_space<semaphore_mem>>) src(%dma_wait3A_1808 : memref<128x32xf32, #tpu.memory_space<vmem>>) dst(%dma_wait3A_1805 : memref<128x32xf32, #tpu.memory_space<hbm>>)
    %dma_wait3A_1809 = arith.constant 1 : i32
    %dma_wait3A_1810 = arith.constant 1152 : i32
    %dma_wait3A_1811 = arith.constant 0 : i32
    %dma_wait3A_1812 = tpu.memref_slice %arg6[%dma_wait3A_1810, %dma_wait3A_1811] : memref<2048x32xf32, #tpu.memory_space<vmem>> -> memref<128x32xf32, #tpu.memory_space<vmem>>
    %dma_wait3A_1813 = arith.constant 0 : i32
    %dma_wait3A_1814 = tpu.memref_slice %arg4[%add3A_1540, %dma_wait3A_1809, %dma_wait3A_1813] : memref<16384x4x128xf32, #tpu.memory_space<hbm>> -> memref<128x1x32xf32, #tpu.memory_space<hbm>>
    %dma_wait3A_1815 = tpu.memref_squeeze %dma_wait3A_1814 : memref<128x1x32xf32, #tpu.memory_space<hbm>> -> memref<128x32xf32, #tpu.memory_space<hbm>>
    %dma_wait3A_1816 = arith.constant 0 : i32
    %dma_wait3A_1817 = tpu.memref_slice %arg4[%add3A_1540, %dma_wait3A_1809, %dma_wait3A_1816] : memref<16384x4x128xf32, #tpu.memory_space<hbm>> -> memref<128x1x32xf32, #tpu.memory_space<hbm>>
    %dma_wait3A_1818 = tpu.memref_squeeze %dma_wait3A_1817 : memref<128x1x32xf32, #tpu.memory_space<hbm>> -> memref<128x32xf32, #tpu.memory_space<hbm>>
    %dma_wait3A_1819 = arith.constant 1152 : i32
    %dma_wait3A_1820 = arith.constant 0 : i32
    %dma_wait3A_1821 = tpu.memref_slice %arg6[%dma_wait3A_1819, %dma_wait3A_1820] : memref<2048x32xf32, #tpu.memory_space<vmem>> -> memref<128x32xf32, #tpu.memory_space<vmem>>
    tpu.wait_dma2 semaphore(%arg8 : memref<!tpu.dma_semaphore, #tpu.memory_space<semaphore_mem>>) src(%dma_wait3A_1821 : memref<128x32xf32, #tpu.memory_space<vmem>>) dst(%dma_wait3A_1818 : memref<128x32xf32, #tpu.memory_space<hbm>>)
    %dma_wait3A_1822 = arith.constant 2 : i32
    %dma_wait3A_1823 = arith.constant 1280 : i32
    %dma_wait3A_1824 = arith.constant 0 : i32
    %dma_wait3A_1825 = tpu.memref_slice %arg6[%dma_wait3A_1823, %dma_wait3A_1824] : memref<2048x32xf32, #tpu.memory_space<vmem>> -> memref<128x32xf32, #tpu.memory_space<vmem>>
    %dma_wait3A_1826 = arith.constant 0 : i32
    %dma_wait3A_1827 = tpu.memref_slice %arg4[%add3A_1563, %dma_wait3A_1822, %dma_wait3A_1826] : memref<16384x4x128xf32, #tpu.memory_space<hbm>> -> memref<128x1x32xf32, #tpu.memory_space<hbm>>
    %dma_wait3A_1828 = tpu.memref_squeeze %dma_wait3A_1827 : memref<128x1x32xf32, #tpu.memory_space<hbm>> -> memref<128x32xf32, #tpu.memory_space<hbm>>
    %dma_wait3A_1829 = arith.constant 0 : i32
    %dma_wait3A_1830 = tpu.memref_slice %arg4[%add3A_1563, %dma_wait3A_1822, %dma_wait3A_1829] : memref<16384x4x128xf32, #tpu.memory_space<hbm>> -> memref<128x1x32xf32, #tpu.memory_space<hbm>>
    %dma_wait3A_1831 = tpu.memref_squeeze %dma_wait3A_1830 : memref<128x1x32xf32, #tpu.memory_space<hbm>> -> memref<128x32xf32, #tpu.memory_space<hbm>>
    %dma_wait3A_1832 = arith.constant 1280 : i32
    %dma_wait3A_1833 = arith.constant 0 : i32
    %dma_wait3A_1834 = tpu.memref_slice %arg6[%dma_wait3A_1832, %dma_wait3A_1833] : memref<2048x32xf32, #tpu.memory_space<vmem>> -> memref<128x32xf32, #tpu.memory_space<vmem>>
    tpu.wait_dma2 semaphore(%arg8 : memref<!tpu.dma_semaphore, #tpu.memory_space<semaphore_mem>>) src(%dma_wait3A_1834 : memref<128x32xf32, #tpu.memory_space<vmem>>) dst(%dma_wait3A_1831 : memref<128x32xf32, #tpu.memory_space<hbm>>)
    %dma_wait3A_1835 = arith.constant 3 : i32
    %dma_wait3A_1836 = arith.constant 1408 : i32
    %dma_wait3A_1837 = arith.constant 0 : i32
    %dma_wait3A_1838 = tpu.memref_slice %arg6[%dma_wait3A_1836, %dma_wait3A_1837] : memref<2048x32xf32, #tpu.memory_space<vmem>> -> memref<128x32xf32, #tpu.memory_space<vmem>>
    %dma_wait3A_1839 = arith.constant 0 : i32
    %dma_wait3A_1840 = tpu.memref_slice %arg4[%add3A_1586, %dma_wait3A_1835, %dma_wait3A_1839] : memref<16384x4x128xf32, #tpu.memory_space<hbm>> -> memref<128x1x32xf32, #tpu.memory_space<hbm>>
    %dma_wait3A_1841 = tpu.memref_squeeze %dma_wait3A_1840 : memref<128x1x32xf32, #tpu.memory_space<hbm>> -> memref<128x32xf32, #tpu.memory_space<hbm>>
    %dma_wait3A_1842 = arith.constant 0 : i32
    %dma_wait3A_1843 = tpu.memref_slice %arg4[%add3A_1586, %dma_wait3A_1835, %dma_wait3A_1842] : memref<16384x4x128xf32, #tpu.memory_space<hbm>> -> memref<128x1x32xf32, #tpu.memory_space<hbm>>
    %dma_wait3A_1844 = tpu.memref_squeeze %dma_wait3A_1843 : memref<128x1x32xf32, #tpu.memory_space<hbm>> -> memref<128x32xf32, #tpu.memory_space<hbm>>
    %dma_wait3A_1845 = arith.constant 1408 : i32
    %dma_wait3A_1846 = arith.constant 0 : i32
    %dma_wait3A_1847 = tpu.memref_slice %arg6[%dma_wait3A_1845, %dma_wait3A_1846] : memref<2048x32xf32, #tpu.memory_space<vmem>> -> memref<128x32xf32, #tpu.memory_space<vmem>>
    tpu.wait_dma2 semaphore(%arg8 : memref<!tpu.dma_semaphore, #tpu.memory_space<semaphore_mem>>) src(%dma_wait3A_1847 : memref<128x32xf32, #tpu.memory_space<vmem>>) dst(%dma_wait3A_1844 : memref<128x32xf32, #tpu.memory_space<hbm>>)
    %dma_wait3A_1848 = arith.constant 0 : i32
    %dma_wait3A_1849 = arith.constant 1536 : i32
    %dma_wait3A_1850 = arith.constant 0 : i32
    %dma_wait3A_1851 = tpu.memref_slice %arg6[%dma_wait3A_1849, %dma_wait3A_1850] : memref<2048x32xf32, #tpu.memory_space<vmem>> -> memref<128x32xf32, #tpu.memory_space<vmem>>
    %dma_wait3A_1852 = arith.constant 0 : i32
    %dma_wait3A_1853 = tpu.memref_slice %arg4[%add3A_1609, %dma_wait3A_1848, %dma_wait3A_1852] : memref<16384x4x128xf32, #tpu.memory_space<hbm>> -> memref<128x1x32xf32, #tpu.memory_space<hbm>>
    %dma_wait3A_1854 = tpu.memref_squeeze %dma_wait3A_1853 : memref<128x1x32xf32, #tpu.memory_space<hbm>> -> memref<128x32xf32, #tpu.memory_space<hbm>>
    %dma_wait3A_1855 = arith.constant 0 : i32
    %dma_wait3A_1856 = tpu.memref_slice %arg4[%add3A_1609, %dma_wait3A_1848, %dma_wait3A_1855] : memref<16384x4x128xf32, #tpu.memory_space<hbm>> -> memref<128x1x32xf32, #tpu.memory_space<hbm>>
    %dma_wait3A_1857 = tpu.memref_squeeze %dma_wait3A_1856 : memref<128x1x32xf32, #tpu.memory_space<hbm>> -> memref<128x32xf32, #tpu.memory_space<hbm>>
    %dma_wait3A_1858 = arith.constant 1536 : i32
    %dma_wait3A_1859 = arith.constant 0 : i32
    %dma_wait3A_1860 = tpu.memref_slice %arg6[%dma_wait3A_1858, %dma_wait3A_1859] : memref<2048x32xf32, #tpu.memory_space<vmem>> -> memref<128x32xf32, #tpu.memory_space<vmem>>
    tpu.wait_dma2 semaphore(%arg8 : memref<!tpu.dma_semaphore, #tpu.memory_space<semaphore_mem>>) src(%dma_wait3A_1860 : memref<128x32xf32, #tpu.memory_space<vmem>>) dst(%dma_wait3A_1857 : memref<128x32xf32, #tpu.memory_space<hbm>>)
    %dma_wait3A_1861 = arith.constant 1 : i32
    %dma_wait3A_1862 = arith.constant 1664 : i32
    %dma_wait3A_1863 = arith.constant 0 : i32
    %dma_wait3A_1864 = tpu.memref_slice %arg6[%dma_wait3A_1862, %dma_wait3A_1863] : memref<2048x32xf32, #tpu.memory_space<vmem>> -> memref<128x32xf32, #tpu.memory_space<vmem>>
    %dma_wait3A_1865 = arith.constant 0 : i32
    %dma_wait3A_1866 = tpu.memref_slice %arg4[%add3A_1632, %dma_wait3A_1861, %dma_wait3A_1865] : memref<16384x4x128xf32, #tpu.memory_space<hbm>> -> memref<128x1x32xf32, #tpu.memory_space<hbm>>
    %dma_wait3A_1867 = tpu.memref_squeeze %dma_wait3A_1866 : memref<128x1x32xf32, #tpu.memory_space<hbm>> -> memref<128x32xf32, #tpu.memory_space<hbm>>
    %dma_wait3A_1868 = arith.constant 0 : i32
    %dma_wait3A_1869 = tpu.memref_slice %arg4[%add3A_1632, %dma_wait3A_1861, %dma_wait3A_1868] : memref<16384x4x128xf32, #tpu.memory_space<hbm>> -> memref<128x1x32xf32, #tpu.memory_space<hbm>>
    %dma_wait3A_1870 = tpu.memref_squeeze %dma_wait3A_1869 : memref<128x1x32xf32, #tpu.memory_space<hbm>> -> memref<128x32xf32, #tpu.memory_space<hbm>>
    %dma_wait3A_1871 = arith.constant 1664 : i32
    %dma_wait3A_1872 = arith.constant 0 : i32
    %dma_wait3A_1873 = tpu.memref_slice %arg6[%dma_wait3A_1871, %dma_wait3A_1872] : memref<2048x32xf32, #tpu.memory_space<vmem>> -> memref<128x32xf32, #tpu.memory_space<vmem>>
    tpu.wait_dma2 semaphore(%arg8 : memref<!tpu.dma_semaphore, #tpu.memory_space<semaphore_mem>>) src(%dma_wait3A_1873 : memref<128x32xf32, #tpu.memory_space<vmem>>) dst(%dma_wait3A_1870 : memref<128x32xf32, #tpu.memory_space<hbm>>)
    %dma_wait3A_1874 = arith.constant 2 : i32
    %dma_wait3A_1875 = arith.constant 1792 : i32
    %dma_wait3A_1876 = arith.constant 0 : i32
    %dma_wait3A_1877 = tpu.memref_slice %arg6[%dma_wait3A_1875, %dma_wait3A_1876] : memref<2048x32xf32, #tpu.memory_space<vmem>> -> memref<128x32xf32, #tpu.memory_space<vmem>>
    %dma_wait3A_1878 = arith.constant 0 : i32
    %dma_wait3A_1879 = tpu.memref_slice %arg4[%add3A_1655, %dma_wait3A_1874, %dma_wait3A_1878] : memref<16384x4x128xf32, #tpu.memory_space<hbm>> -> memref<128x1x32xf32, #tpu.memory_space<hbm>>
    %dma_wait3A_1880 = tpu.memref_squeeze %dma_wait3A_1879 : memref<128x1x32xf32, #tpu.memory_space<hbm>> -> memref<128x32xf32, #tpu.memory_space<hbm>>
    %dma_wait3A_1881 = arith.constant 0 : i32
    %dma_wait3A_1882 = tpu.memref_slice %arg4[%add3A_1655, %dma_wait3A_1874, %dma_wait3A_1881] : memref<16384x4x128xf32, #tpu.memory_space<hbm>> -> memref<128x1x32xf32, #tpu.memory_space<hbm>>
    %dma_wait3A_1883 = tpu.memref_squeeze %dma_wait3A_1882 : memref<128x1x32xf32, #tpu.memory_space<hbm>> -> memref<128x32xf32, #tpu.memory_space<hbm>>
    %dma_wait3A_1884 = arith.constant 1792 : i32
    %dma_wait3A_1885 = arith.constant 0 : i32
    %dma_wait3A_1886 = tpu.memref_slice %arg6[%dma_wait3A_1884, %dma_wait3A_1885] : memref<2048x32xf32, #tpu.memory_space<vmem>> -> memref<128x32xf32, #tpu.memory_space<vmem>>
    tpu.wait_dma2 semaphore(%arg8 : memref<!tpu.dma_semaphore, #tpu.memory_space<semaphore_mem>>) src(%dma_wait3A_1886 : memref<128x32xf32, #tpu.memory_space<vmem>>) dst(%dma_wait3A_1883 : memref<128x32xf32, #tpu.memory_space<hbm>>)
    %dma_wait3A_1887 = arith.constant 3 : i32
    %dma_wait3A_1888 = arith.constant 1920 : i32
    %dma_wait3A_1889 = arith.constant 0 : i32
    %dma_wait3A_1890 = tpu.memref_slice %arg6[%dma_wait3A_1888, %dma_wait3A_1889] : memref<2048x32xf32, #tpu.memory_space<vmem>> -> memref<128x32xf32, #tpu.memory_space<vmem>>
    %dma_wait3A_1891 = arith.constant 0 : i32
    %dma_wait3A_1892 = tpu.memref_slice %arg4[%add3A_1678, %dma_wait3A_1887, %dma_wait3A_1891] : memref<16384x4x128xf32, #tpu.memory_space<hbm>> -> memref<128x1x32xf32, #tpu.memory_space<hbm>>
    %dma_wait3A_1893 = tpu.memref_squeeze %dma_wait3A_1892 : memref<128x1x32xf32, #tpu.memory_space<hbm>> -> memref<128x32xf32, #tpu.memory_space<hbm>>
    %dma_wait3A_1894 = arith.constant 0 : i32
    %dma_wait3A_1895 = tpu.memref_slice %arg4[%add3A_1678, %dma_wait3A_1887, %dma_wait3A_1894] : memref<16384x4x128xf32, #tpu.memory_space<hbm>> -> memref<128x1x32xf32, #tpu.memory_space<hbm>>
    %dma_wait3A_1896 = tpu.memref_squeeze %dma_wait3A_1895 : memref<128x1x32xf32, #tpu.memory_space<hbm>> -> memref<128x32xf32, #tpu.memory_space<hbm>>
    %dma_wait3A_1897 = arith.constant 1920 : i32
    %dma_wait3A_1898 = arith.constant 0 : i32
    %dma_wait3A_1899 = tpu.memref_slice %arg6[%dma_wait3A_1897, %dma_wait3A_1898] : memref<2048x32xf32, #tpu.memory_space<vmem>> -> memref<128x32xf32, #tpu.memory_space<vmem>>
    tpu.wait_dma2 semaphore(%arg8 : memref<!tpu.dma_semaphore, #tpu.memory_space<semaphore_mem>>) src(%dma_wait3A_1899 : memref<128x32xf32, #tpu.memory_space<vmem>>) dst(%dma_wait3A_1896 : memref<128x32xf32, #tpu.memory_space<hbm>>)
    return
  }
}

</mosaic_0001>

<sc_bundles>
// kernel: kernel.3.cloned.1.call-start
scs
__scs_entry_jumppad:
0x0: {  	(pc) =	sbr.rel $0x88, $3  }
0x1: {  	(tag) =	ssettag $0x0;
	lr =	simm.s32 $0x1  }
0x2: {  	[smem:$0x3F9F] =	sst lr;
	_ =	strace $0xD0000000  }
0x3: {  	_ = 	snop  }
0x4: {  	_ = 	snop  }
0x5: {  	_ = 	snop  }
0x6: {  	_ = 	snop  }
0x7: {  	_ = 	snop  }
__scs_overlays_trampoline_lowered:
0x8: {  	[smem:$0x3FAE] =	sst s0  }
0x9: {  	[smem:$0x3FAF] =	sst s1  }
0xa: {  	[smem:$0x3FB0] =	sst s2  }
0xb: {  	[smem:$0x3FB1] =	sst s3  }
0xc: {  	[smem:$0x3FB2] =	sst s4  }
0xd: {  	[smem:$0x3FB3] =	sst s5  }
0xe: {  	[smem:$0x3FB4] =	sst s6  }
0xf: {  	[smem:$0x3FB5] =	sst s7  }
0x10: {  	[smem:$0x3FB6] =	sst s8  }
0x11: {  	[smem:$0x3FB7] =	sst s9;
	s0 =	simm.s32 @!p0 $0x0  }
0x12: {  	s1 =	sld [smem:$0x3F9D];
	s0 =	simm.s32 @p0 $0x1  }
0x13: {  	[smem:$0x3FB8] =	sst s0;
	s0 =	simm.s32 @!p1 $0x0  }
0x14: {  	s2 =	sld [smem:$0x3F9C];
	s0 =	simm.s32 @p1 $0x1  }
0x15: {  	[smem:$0x3FB9] =	sst s0;
	s0 =	simm.s32 @!p2 $0x0  }
0x16: {  	s3 =	sld [smem:$0x3FDB];
	s0 =	simm.s32 @p2 $0x1  }
0x17: {  	s4 =	simm.s32 $0x1BF5;
	[smem:$0x3FBB] =	sst s0  }
0x18: {  	s0 =	sld [smem:$0x3F9E];
	_ =	swait.ge [sflag:s4], $0x0  }
0x19: {  	s7 =	sld [smem:$0x3F9F]  }
0x1a: {  	s8 =	sadd.s32 $0xFFFFE003, lr  }
0x1b: {  	s9 =	sadd.s32 $0xFFFFFEF7, lr;
	s5 =	simm.s32 $0xFFFFFFFF;
	p2 =	slt.u32 s8, $0xFFFFF086  }
0x1c: {  	p1 =	slt.u32 s9, $0xF7A;
	s5 =	simm.s32 @!p2 $0x0  }
0x1d: {  	s5 =	simm.s32 @p1 $0x1;
	p0 =	seq.s32 s7, s2  }
0x1e: {  	s7 =	smul.u32 @!p0 $0xF7A, s2;
	p2 =	seq.s32 @!p0 s5, $0x0  }
0x1f: {  	s9 =	smul.u32 $0xF7A, s1;
	s8 =	simm.s32 @!p0 $0x1BF5;
	p2 =	por !p2, p0  }
0x20: {  	[sflag:s8] =	ssyncset.s32 @!p0 $0xFFFFF086;
	s6 =	sadd.s32 @!p0 s3, s7;
	s7 =	simm.s32 @!p0 $0x108  }
0x21: {  	s3 =	sadd.s32 s3, s9;
	s6 =	sadd.s32 @!p0 $0x88, s6;
	s7 =	simm.s32 @p2 $0x1082  }
0x22: {  	[simem:s7], [sflag:s8] =	dma.local @!p0 [hbm:s6], $0xF7A  }
0x23: {  	s9 =	sor.u32 $0xD0000000, s2;
	s6 =	simm.s32 $0x108;
	_ =	swait.ge @!p0 [sflag:s8], $0x0  }
0x24: {  	s3 =	sadd.s32 $0x88, s3;
	s6 =	simm.s32 @!p1 $0x1082;
	[sflag:s4] =	ssyncset.s32 $0xFFFFF086  }
0x25: {  	[simem:s6], [sflag:s4] =	dma.local [hbm:s3], $0xF7A  }
0x26: {  	[smem:$0x3F9F] =	sst s1;
	(tag) =	ssettag s2;
	_ =	strace s9  }
0x27: {  	s1 =	sld [smem:$0x3FAF]  }
0x28: {  	s2 =	sld [smem:$0x3FB0]  }
0x29: {  	s4 =	sld [smem:$0x3FB2]  }
0x2a: {  	p0 =	seq.s32 s5, $0x0;
	s5 =	sld [smem:$0x3FB3]  }
0x2b: {  	s6 =	sld [smem:$0x3FB4]  }
0x2c: {  	s7 =	sld [smem:$0x3FB5]  }
0x2d: {  	s3 =	simm.s32 $0x108;
	s8 =	sld [smem:$0x3FB6]  }
0x2e: {  	s3 =	simm.s32 @!p0 $0x1082;
	s9 =	sld [smem:$0x3FB7]  }
0x2f: {  	lr =	sadd.s32 s0, s3;
	s0 =	sld [smem:$0x3FAE]  }
0x30: {  	s3 =	sld [smem:$0x3FB1]  }
0x31: {  	[smem:$0x3FBA] =	sst s10  }
0x32: {  	s10 =	sld [smem:$0x3FB8];
	_ =	sdelay $0x3  }
0x33: {  	p0 =	seq.s32 s10, $0x1;
	s10 =	sld [smem:$0x3FBA];
	_ =	sdelay $0x3  }
0x34: {  	[smem:$0x3FBA] =	sst s10  }
0x35: {  	s10 =	sld [smem:$0x3FB9];
	_ =	sdelay $0x3  }
0x36: {  	p1 =	seq.s32 s10, $0x1;
	s10 =	sld [smem:$0x3FBA];
	_ =	sdelay $0x3  }
0x37: {  	[smem:$0x3FBA] =	sst s10  }
0x38: {  	s10 =	sld [smem:$0x3FBB]  }
0x39: {  	_ = 	snop;
	(pc) =	sbr.ind lr, $3  }
0x3a: {  	_ = 	snop  }
0x3b: {  	_ = 	snop  }
0x3c: {  	p2 =	seq.s32 s10, $0x1;
	s10 =	sld [smem:$0x3FBA]  }
0x3d: {  	_ =	shalt  }
0x3e: {  	_ =	shalt  }
0x3f: {  	_ =	shalt  }
0x40: {  	_ =	shalt  }
0x41: {  	_ =	shalt  }
0x42: {  	_ =	shalt  }
0x43: {  	_ =	shalt  }
0x44: {  	_ =	shalt  }
0x45: {  	_ =	shalt  }
0x46: {  	_ =	shalt  }
0x47: {  	_ =	shalt  }
0x48: {  	_ =	shalt  }
0x49: {  	_ =	shalt  }
0x4a: {  	_ =	shalt  }
0x4b: {  	_ =	shalt  }
0x4c: {  	_ =	shalt  }
0x4d: {  	_ =	shalt  }
0x4e: {  	_ =	shalt  }
0x4f: {  	_ =	shalt  }
0x50: {  	_ =	shalt  }
0x51: {  	_ =	shalt  }
0x52: {  	_ =	shalt  }
0x53: {  	_ =	shalt  }
0x54: {  	_ =	shalt  }
0x55: {  	_ =	shalt  }
0x56: {  	_ =	shalt  }
0x57: {  	_ =	shalt  }
0x58: {  	_ =	shalt  }
0x59: {  	_ =	shalt  }
0x5a: {  	_ =	shalt  }
0x5b: {  	_ =	shalt  }
0x5c: {  	_ =	shalt  }
0x5d: {  	_ =	shalt  }
0x5e: {  	_ =	shalt  }
0x5f: {  	_ =	shalt  }
0x60: {  	_ =	shalt  }
0x61: {  	_ =	shalt  }
0x62: {  	_ =	shalt  }
0x63: {  	_ =	shalt  }
0x64: {  	_ =	shalt  }
0x65: {  	_ =	shalt  }
0x66: {  	_ =	shalt  }
0x67: {  	_ =	shalt  }
0x68: {  	_ =	shalt  }
0x69: {  	_ =	shalt  }
0x6a: {  	_ =	shalt  }
0x6b: {  	_ =	shalt  }
0x6c: {  	_ =	shalt  }
0x6d: {  	_ =	shalt  }
0x6e: {  	_ =	shalt  }
0x6f: {  	_ =	shalt  }
0x70: {  	_ =	shalt  }
0x71: {  	_ =	shalt  }
0x72: {  	_ =	shalt  }
0x73: {  	_ =	shalt  }
0x74: {  	_ =	shalt  }
0x75: {  	_ =	shalt  }
0x76: {  	_ =	shalt  }
0x77: {  	_ =	shalt  }
0x78: {  	_ =	shalt  }
0x79: {  	_ =	shalt  }
0x7a: {  	_ =	shalt  }
0x7b: {  	_ =	shalt  }
0x7c: {  	_ =	shalt  }
0x7d: {  	_ =	shalt  }
0x7e: {  	_ =	shalt  }
0x7f: {  	_ =	shalt  }
0x80: {  	_ =	shalt  }
0x81: {  	_ =	shalt  }
0x82: {  	_ =	shalt  }
0x83: {  	_ =	shalt  }
0x84: {  	_ =	shalt  }
0x85: {  	_ =	shalt  }
0x86: {  	_ =	shalt  }
0x87: {  	_ =	shalt  }
.Lfunc_end0:
.L_simem_size_0:
called_computation_lowered:
.L_overlay_start_0:
0x88: {  	s2 =	sld [smem:$0x3FD9]  }
0x89: {  	s3 =	sld [smem:$0x3FFE];
	_ =	sdelay $0x1  }
0x8a: {  	s1 =	srdreg.scid  }
0x8b: {  	s0 =	sand.u32 $0x1, s1  }
0x8c: {  	s17 =	sshll.u32 s0, $0xA;
	s2 =	sadd.s32 s3, s2  }
0x8d: {  	s2 =	sadd.s32 s2, s17  }
0x8e: {  	[smem:$0x3FC6] =	sst s2  }
0x8f: {  	_ = 	snop  }
0x90: {  	s2 =	sld [smem:$0x3FC9]  }
0x91: {  	s18 =	sld [smem:$0x3FD0];
	(tm) =	ssettm $0x1  }
0x92: {  	s4 =	sld [smem:$0x3FFB];
	_ =	sdelay $0x3  }
0x93: {  	_ =	strace s4  }
0x94: {  	s4 =	sld [smem:$0x3FFC];
	_ =	sdelay $0x3  }
0x95: {  	_ =	strace s4  }
0x96: {  	s4 =	sld [smem:$0x3FFD];
	_ =	sdelay $0x3  }
0x97: {  	_ =	strace s4  }
0x98: {  	_ =	strace $0x8FFFFFFF  }
0x99: {  	s19 =	sld [smem:$0x3FDB];
	_ =	sdelay $0x1  }
0x9a: {  	s5 =	simm.s32 $_scs_section_size  }
0x9b: {  	s6 =	simm.s32 $_size__tile_overlayer_lowered;
	s7 =	simm.s32 $_tile_overlayer_lowered  }
0x9c: {  	s22 =	simm.s32 $0x1BFF;
	s21 =	sshll.u32 s7, $0x1;
	s4 =	sadd.s32 s5, s19  }
0x9d: {  	s8 =	simm.s32 $0x0;
	s20 =	sshll.u32 s6, $0x1;
	s6 =	sadd.s32 s21, s4  }
0x9e: {  	[timem:s8], [sflag:s22] =	dma.local [hbm:s6], s20  }
0x9f: {  	_ =	swait.ge [sflag:s22], s20  }
0xa0: {  	s5 =	ssub.s32 $0x0, s20;
	[sflag:s22] =	ssyncset.done $0x0  }
0xa1: {  	[sflag:s22] =	ssyncadd.s32 s5;
	_ =	sdelay $0x1  }
0xa2: {  	s23 =	simm.s32 $0x1B8B  }
0xa3: {  	_ =	swait.ge [sflag:s23], $0x1  }
0xa4: {  	[sflag:s23] =	ssyncset.done $0x0  }
0xa5: {  	s25 =	simm.s32 $0x1B8E;
	s24 =	sld [smem:$0x3FFE];
	[sflag:s23] =	ssyncadd.s32 $0xFFFFFFFF  }
0xa6: {  	s26 =	simm.s32 $execute0_lowered;
	[smem:$0x3FD2] =	sst s25  }
0xa7: {  	s6 =	sshll.u32 s26, $0x1;
	_ =	strace $0x80000046;
	[dreg:$0x1] =	wrdreg $0xFFFFFFFF  }
0xa8: {  	s28 =	simm.s32 $_size_execute0_lowered;
	s4 =	sadd.s32 s4, s6;
	[dreg:$0x0] =	wrdreg $0x0  }
0xa9: {  	s6 =	sshll.u32 s28, $0x1;
	[dreg:$0x2] =	wrdreg s4  }
0xaa: {  	[dreg:$0x3] =	wrdreg s6  }
0xab: {  	[dreg:$0x4] =	wrdreg $0xC0  }
0xac: {  	_ =	task [dreg:s8], $0x5FFFF  }
0xad: {  	[dreg:$0x1] =	wrdreg $0xFFFFFFFF  }
0xae: {  	[dreg:$0x0] =	wrdreg $0x60  }
0xaf: {  	[dreg:$0x2] =	wrdreg s2  }
0xb0: {  	[dreg:$0x3] =	wrdreg s18  }
0xb1: {  	[dreg:$0x4] =	wrdreg s24  }
0xb2: {  	[dreg:$0x5] =	wrdreg $0x9  }
0xb3: {  	_ =	task.clear_ibuf [dreg:s8], $0x6FFFF;
	_ =	strace $0x90000046  }
0xb4: {  	s29 =	simm.s32 $0x9;
	_ =	strace $0x80000048  }
0xb5: {  	_ =	swait.ge [sflag:s29], $0x1  }
0xb6: {  	[sflag:s29] =	ssyncadd.s32 $0xFFFFFFFF  }
0xb7: {  	_ =	strace $0x90000048  }
0xb8: {  	_ =	sfence  }
0xb9: {  	s30 =	sld [smem:$0x0];
	_ =	sdelay $0x2  }
0xba: {  	s31 =	sshll.u32 s1, $0xD;
	s1 =	sshrl.u32 s1, $0x2  }
0xbb: {  	s3 =	sand.u32 $0x4000, s31;
	s1 =	sadd.s32 s1, s30  }
0xbc: {  	s0 =	sor.u32 s3, s0;
	s1 =	sshll.u32 s1, $0x11  }
0xbd: {  	s0 =	sor.u32 s1, s0  }
0xbe: {  	s0 =	sadd.s32 $0x8F2B, s0  }
0xbf: {  	[sflag:s0] =	ssyncadd.remote.s32 $0x1  }
0xc0: {  	_ =	sfence.sel $0xFFFF  }
0xc1: {  	[dreg:$0x0] =	wrdreg $0xFFFFFFFF;
	(pc) =	sbr.abs _section_cstart, $3  }
0xc2: {  	[dreg:$0x1] =	wrdreg $0xFFFFFFFF  }
0xc3: {  	_ =	task.clear_ibuf [dreg:s8], $0x2FFFF;
	_ =	strace $0x9FFFFFFF  }
0xc4: {  	(tm) =	ssettm $0x7FFFFFFF  }
0xc5: {  	_ =	shalt  }
tec
execute0_lowered:
.L_overlay_start_1:
0x0: {  	(tag) =	ssettag $0x1  }
0x1: {  	s1 =	rddreg [dreg:$0x0]  }
0x2: {  	s2 =	rddreg [dreg:$0x1];
	s3 =	srdreg.scid  }
0x3: {  	s0 =	stileid.u32;
	s4 =	rddreg [dreg:$0x2]  }
0x4: {  	s18 =	simm.s32 $0x100;
	s5 =	sand.u32 $0x1, s3;
	s3 =	simm.s32 $0x0  }
0x5: {  	s19 =	simm.s32 $0x180;
	s20 =	simm.s32 $0x280;
	[smem:$0x7FF] =	sst s3  }
0x6: {  	s6 =	sshll.u32 s0, $0x1;
	_ =	strace $0x80000047;
	[dreg:$0x15] =	wrdreg s18  }
0x7: {  	s21 =	simm.s32 $0x300;
	s6 =	sor.u32 s5, s6;
	[dreg:$0x16] =	wrdreg s19  }
0x8: {  	s7 =	sshll.u32 s6, $0xF;
	s8 =	sshll.u32 s6, $0x8;
	[dreg:$0x17] =	wrdreg s20  }
0x9: {  	[dreg:$0x18] =	wrdreg s21;
	s4 =	sadd.s32 s7, s4;
	s1 =	sadd.s32 s1, s8  }
0xa: {  	[dreg:$0x4] =	wrdreg s1;
	s22 =	sadd.s32 $0xC00, s4  }
0xb: {  	s23 =	sadd.s32 $0xC10, s4;
	[dreg:$0x5] =	wrdreg s22  }
0xc: {  	s28 =	simm.s32 $0x780;
	s24 =	sadd.s32 $0xC20, s4;
	[dreg:$0x6] =	wrdreg s23  }
0xd: {  	s29 =	simm.s32 $0xF800;
	s25 =	sadd.s32 $0xC30, s4;
	[dreg:$0x7] =	wrdreg s24  }
0xe: {  	s5 =	ssub.s32 $0x2, s5;
	s26 =	sadd.s32 $0x2C00, s4;
	[dreg:$0x8] =	wrdreg s25  }
0xf: {  	s11 =	sshrl.u32 s5, $0x1;
	s0 =	sadd.s32 $0x2C10, s4;
	[dreg:$0x9] =	wrdreg s26  }
0x10: {  	s18 =	simm.s32 $0xA800;
	s7 =	sadd.s32 $0x2C20, s4;
	[dreg:$0xa] =	wrdreg s0  }
0x11: {  	s19 =	simm.s32 $0x580;
	s8 =	sadd.s32 $0x2C30, s4;
	[dreg:$0xb] =	wrdreg s7  }
0x12: {  	s20 =	simm.s32 $0xB800;
	s9 =	sadd.s32 $0x4C00, s4;
	[dreg:$0xc] =	wrdreg s8  }
0x13: {  	s21 =	simm.s32 $0x600;
	s10 =	sadd.s32 $0x4C10, s4;
	[dreg:$0xd] =	wrdreg s9  }
0x14: {  	s5 =	ssub.s32 s5, s11;
	s12 =	sadd.s32 $0x4C20, s4;
	[dreg:$0xe] =	wrdreg s10  }
0x15: {  	s11 =	simm.s32 $0x200;
	s13 =	sadd.s32 $0x4C30, s4;
	[dreg:$0xf] =	wrdreg s12  }
0x16: {  	s14 =	sadd.s32 $0x6C00, s4;
	s15 =	sadd.s32 $0x6C10, s4;
	[dreg:$0x10] =	wrdreg s13  }
0x17: {  	s16 =	sadd.s32 $0x6C20, s4;
	s17 =	sadd.s32 $0x6C30, s4;
	[dreg:$0x11] =	wrdreg s14  }
0x18: {  	s4 =	smax.u32 s5, $0x1;
	s5 =	simm.s32 $0x3;
	[dreg:$0x12] =	wrdreg s15  }
0x19: {  	s1 =	simm.s32 $0x2;
	s26 =	sshll.u32 s6, $0x7;
	[dreg:$0x13] =	wrdreg s16  }
0x1a: {  	[dreg:$0x14] =	wrdreg s17;
	s6 =	simm.s32 $0x80;
	s7 =	simm.s32 $0x800  }
0x1b: {  	s8 =	simm.s32 $0x1800;
	s9 =	simm.s32 $0x2800;
	s10 =	simm.s32 $0x3800  }
0x1c: {  	s12 =	simm.s32 $0x4800;
	s13 =	simm.s32 $0x5800;
	s14 =	simm.s32 $0x6800  }
0x1d: {  	s22 =	simm.s32 $0x380;
	s15 =	simm.s32 $0x7800;
	s23 =	simm.s32 $0x400  }
0x1e: {  	s16 =	simm.s32 $0x8800;
	s24 =	simm.s32 $0x480;
	[dreg:$0x19] =	wrdreg s22  }
0x1f: {  	s17 =	simm.s32 $0x9800;
	s25 =	simm.s32 $0x500;
	[dreg:$0x1a] =	wrdreg s23  }
0x20: {  	s30 =	sor.u32 $0x20, s26;
	s31 =	sor.u32 $0x40, s26;
	[dreg:$0x1b] =	wrdreg s24  }
0x21: {  	s0 =	sor.u32 $0x60, s26;
	[dreg:$0x1c] =	wrdreg s25;
	s22 =	simm.s32 $0xC800  }
0x22: {  	s23 =	simm.s32 $0x680;
	s24 =	simm.s32 $0xD800;
	s25 =	simm.s32 $0x700;
	v0 =	vmov s26  }
0x23: {  	s26 =	simm.s32 $0xE800;
	v1 =	vmov s30;
	v2 =	vmov s31;
	v3 =	vmov s0;
	s30 =	simm.s32 $0x1;
	s31 =	simm.s32 $0x20  }
.LBB2_1:
0x24: {  	s0 =	rddreg [dreg:$0x4]  }
0x25: {  	[tilespmem:s3], [sflag:$0x3] =	stream.linear.gather [hbm4b:s0+s3], $0x800, $0x38;
	[tilespmem:$0x10800] =	vst v63  }
0x26: {  	_ =	swait.ge [sflag:s5], $0x800  }
0x27: {  	[sflag:s5] =	ssyncset.done $0x0  }
0x28: {  	[sflag:s5] =	ssyncadd.s32 $0xFFFFF800  }
0x29: {  	v4 =	vld [tilespmem:$0x0]  }
0x2a: {  	v5 =	vld [tilespmem:$0x10]  }
0x2b: {  	v6 =	vld [tilespmem:$0x20]  }
0x2c: {  	v7 =	vld [tilespmem:$0x30]  }
0x2d: {  	v8 =	vld [tilespmem:$0x40]  }
0x2e: {  	v9 =	vld [tilespmem:$0x50];
	v4 =	vadd.s32 v0, v4  }
0x2f: {  	[tilespmem:$0x0] =	vst v4;
	v4 =	vadd.s32 v0, v5;
	v5 =	vld [tilespmem:$0x60]  }
0x30: {  	v40 =	vld [tilespmem:$0x70];
	[tilespmem:$0x10] =	vst v4;
	v4 =	vadd.s32 v0, v6  }
0x31: {  	[tilespmem:$0x20] =	vst v4;
	v4 =	vadd.s32 v0, v7  }
0x32: {  	[tilespmem:$0x30] =	vst v4;
	v4 =	vadd.s32 v0, v8  }
0x33: {  	[tilespmem:$0x40] =	vst v4;
	v4 =	vadd.s32 v0, v9  }
0x34: {  	[tilespmem:$0x50] =	vst v4;
	v4 =	vadd.s32 v0, v5  }
0x35: {  	[tilespmem:$0x60] =	vst v4;
	v4 =	vadd.s32 v0, v40  }
0x36: {  	[tilespmem:$0x70] =	vst v4  }
0x37: {  	[tilespmem:s7], [sflag:$0x1] =	stream.indirect.gather [hbm4b:s2+s6], $0x20, s3, s6, $0xb8;
	[tilespmem:$0x10800] =	vst v63  }
0x38: {  	v4 =	vld [tilespmem:$0x80]  }
0x39: {  	v5 =	vld [tilespmem:$0x90]  }
0x3a: {  	v41 =	vld [tilespmem:$0xA0]  }
0x3b: {  	v42 =	vld [tilespmem:$0xB0]  }
0x3c: {  	v43 =	vld [tilespmem:$0xC0]  }
0x3d: {  	v44 =	vld [tilespmem:$0xD0];
	v4 =	vadd.s32 v1, v4  }
0x3e: {  	[tilespmem:$0x80] =	vst v4;
	v4 =	vadd.s32 v1, v5;
	v5 =	vld [tilespmem:$0xE0]  }
0x3f: {  	v45 =	vld [tilespmem:$0xF0];
	[tilespmem:$0x90] =	vst v4;
	v4 =	vadd.s32 v1, v41  }
0x40: {  	[tilespmem:$0xA0] =	vst v4;
	v4 =	vadd.s32 v1, v42  }
0x41: {  	[tilespmem:$0xB0] =	vst v4;
	v4 =	vadd.s32 v1, v43  }
0x42: {  	[tilespmem:$0xC0] =	vst v4;
	v4 =	vadd.s32 v1, v44  }
0x43: {  	[tilespmem:$0xD0] =	vst v4;
	v4 =	vadd.s32 v1, v5  }
0x44: {  	[tilespmem:$0xE0] =	vst v4;
	v4 =	vadd.s32 v1, v45  }
0x45: {  	[tilespmem:$0xF0] =	vst v4  }
0x46: {  	[tilespmem:s8], [sflag:$0x1] =	stream.indirect.gather [hbm4b:s2+s6], $0x20, s6, s6, $0xb8;
	[tilespmem:$0x10800] =	vst v63  }
0x47: {  	v4 =	vld [tilespmem:$0x100]  }
0x48: {  	v5 =	vld [tilespmem:$0x110]  }
0x49: {  	v46 =	vld [tilespmem:$0x120]  }
0x4a: {  	v47 =	vld [tilespmem:$0x130]  }
0x4b: {  	v48 =	vld [tilespmem:$0x140]  }
0x4c: {  	v49 =	vld [tilespmem:$0x150];
	v4 =	vadd.s32 v2, v4  }
0x4d: {  	[tilespmem:$0x100] =	vst v4;
	v4 =	vadd.s32 v2, v5;
	v5 =	vld [tilespmem:$0x160]  }
0x4e: {  	v50 =	vld [tilespmem:$0x170];
	[tilespmem:$0x110] =	vst v4;
	v4 =	vadd.s32 v2, v46  }
0x4f: {  	[tilespmem:$0x120] =	vst v4;
	v4 =	vadd.s32 v2, v47  }
0x50: {  	[tilespmem:$0x130] =	vst v4;
	v4 =	vadd.s32 v2, v48  }
0x51: {  	[tilespmem:$0x140] =	vst v4;
	v4 =	vadd.s32 v2, v49  }
0x52: {  	[tilespmem:$0x150] =	vst v4;
	v4 =	vadd.s32 v2, v5  }
0x53: {  	[tilespmem:$0x160] =	vst v4;
	v4 =	vadd.s32 v2, v50  }
0x54: {  	s0 =	rddreg [dreg:$0x15];
	[tilespmem:$0x170] =	vst v4  }
0x55: {  	[tilespmem:s9], [sflag:$0x1] =	stream.indirect.gather [hbm4b:s2+s6], $0x20, s0, s6, $0xb8;
	[tilespmem:$0x10800] =	vst v63  }
0x56: {  	v4 =	vld [tilespmem:$0x180]  }
0x57: {  	v5 =	vld [tilespmem:$0x190]  }
0x58: {  	v51 =	vld [tilespmem:$0x1A0]  }
0x59: {  	v52 =	vld [tilespmem:$0x1B0]  }
0x5a: {  	v53 =	vld [tilespmem:$0x1C0]  }
0x5b: {  	v54 =	vld [tilespmem:$0x1D0];
	v4 =	vadd.s32 v3, v4  }
0x5c: {  	[tilespmem:$0x180] =	vst v4;
	v4 =	vadd.s32 v3, v5;
	v5 =	vld [tilespmem:$0x1E0]  }
0x5d: {  	v55 =	vld [tilespmem:$0x1F0];
	[tilespmem:$0x190] =	vst v4;
	v4 =	vadd.s32 v3, v51  }
0x5e: {  	[tilespmem:$0x1A0] =	vst v4;
	v4 =	vadd.s32 v3, v52  }
0x5f: {  	[tilespmem:$0x1B0] =	vst v4;
	v4 =	vadd.s32 v3, v53  }
0x60: {  	[tilespmem:$0x1C0] =	vst v4;
	v4 =	vadd.s32 v3, v54  }
0x61: {  	[tilespmem:$0x1D0] =	vst v4;
	v4 =	vadd.s32 v3, v5  }
0x62: {  	[tilespmem:$0x1E0] =	vst v4;
	v4 =	vadd.s32 v3, v55  }
0x63: {  	s0 =	rddreg [dreg:$0x16];
	[tilespmem:$0x1F0] =	vst v4  }
0x64: {  	[tilespmem:s10], [sflag:$0x1] =	stream.indirect.gather [hbm4b:s2+s6], $0x20, s0, s6, $0xb8;
	[tilespmem:$0x10800] =	vst v63  }
0x65: {  	v4 =	vld [tilespmem:$0x200]  }
0x66: {  	v5 =	vld [tilespmem:$0x210]  }
0x67: {  	v56 =	vld [tilespmem:$0x220]  }
0x68: {  	v57 =	vld [tilespmem:$0x230]  }
0x69: {  	v58 =	vld [tilespmem:$0x240]  }
0x6a: {  	v59 =	vld [tilespmem:$0x250];
	v4 =	vadd.s32 v0, v4  }
0x6b: {  	[tilespmem:$0x200] =	vst v4;
	v4 =	vadd.s32 v0, v5;
	v5 =	vld [tilespmem:$0x260]  }
0x6c: {  	v60 =	vld [tilespmem:$0x270];
	[tilespmem:$0x210] =	vst v4;
	v4 =	vadd.s32 v0, v56  }
0x6d: {  	[tilespmem:$0x220] =	vst v4;
	v4 =	vadd.s32 v0, v57  }
0x6e: {  	[tilespmem:$0x230] =	vst v4;
	v4 =	vadd.s32 v0, v58  }
0x6f: {  	[tilespmem:$0x240] =	vst v4;
	v4 =	vadd.s32 v0, v59  }
0x70: {  	[tilespmem:$0x250] =	vst v4;
	v4 =	vadd.s32 v0, v5  }
0x71: {  	[tilespmem:$0x260] =	vst v4;
	v4 =	vadd.s32 v0, v60  }
0x72: {  	[tilespmem:$0x270] =	vst v4  }
0x73: {  	[tilespmem:s12], [sflag:$0x1] =	stream.indirect.gather [hbm4b:s2+s6], $0x20, s11, s6, $0xb8;
	[tilespmem:$0x10800] =	vst v63  }
0x74: {  	v4 =	vld [tilespmem:$0x280]  }
0x75: {  	v5 =	vld [tilespmem:$0x290]  }
0x76: {  	v61 =	vld [tilespmem:$0x2A0]  }
0x77: {  	v62 =	vld [tilespmem:$0x2B0]  }
0x78: {  	v63 =	vld [tilespmem:$0x2C0]  }
0x79: {  	v12 =	vld [tilespmem:$0x2D0];
	v4 =	vadd.s32 v1, v4  }
0x7a: {  	[tilespmem:$0x280] =	vst v4;
	v4 =	vadd.s32 v1, v5;
	v5 =	vld [tilespmem:$0x2E0]  }
0x7b: {  	v13 =	vld [tilespmem:$0x2F0];
	[tilespmem:$0x290] =	vst v4;
	v4 =	vadd.s32 v1, v61  }
0x7c: {  	[tilespmem:$0x2A0] =	vst v4;
	v4 =	vadd.s32 v1, v62  }
0x7d: {  	[tilespmem:$0x2B0] =	vst v4;
	v4 =	vadd.s32 v1, v63  }
0x7e: {  	[tilespmem:$0x2C0] =	vst v4;
	v4 =	vadd.s32 v1, v12  }
0x7f: {  	[tilespmem:$0x2D0] =	vst v4;
	v4 =	vadd.s32 v1, v5  }
0x80: {  	[tilespmem:$0x2E0] =	vst v4;
	v4 =	vadd.s32 v1, v13  }
0x81: {  	s0 =	rddreg [dreg:$0x17];
	[tilespmem:$0x2F0] =	vst v4  }
0x82: {  	[tilespmem:s13], [sflag:$0x1] =	stream.indirect.gather [hbm4b:s2+s6], $0x20, s0, s6, $0xb8;
	[tilespmem:$0x10800] =	vst v63  }
0x83: {  	v4 =	vld [tilespmem:$0x300]  }
0x84: {  	v5 =	vld [tilespmem:$0x310]  }
0x85: {  	v14 =	vld [tilespmem:$0x320]  }
0x86: {  	v15 =	vld [tilespmem:$0x330]  }
0x87: {  	v16 =	vld [tilespmem:$0x340]  }
0x88: {  	v17 =	vld [tilespmem:$0x350];
	v4 =	vadd.s32 v2, v4  }
0x89: {  	[tilespmem:$0x300] =	vst v4;
	v4 =	vadd.s32 v2, v5;
	v5 =	vld [tilespmem:$0x360]  }
0x8a: {  	v18 =	vld [tilespmem:$0x370];
	[tilespmem:$0x310] =	vst v4;
	v4 =	vadd.s32 v2, v14  }
0x8b: {  	[tilespmem:$0x320] =	vst v4;
	v4 =	vadd.s32 v2, v15  }
0x8c: {  	[tilespmem:$0x330] =	vst v4;
	v4 =	vadd.s32 v2, v16  }
0x8d: {  	[tilespmem:$0x340] =	vst v4;
	v4 =	vadd.s32 v2, v17  }
0x8e: {  	[tilespmem:$0x350] =	vst v4;
	v4 =	vadd.s32 v2, v5  }
0x8f: {  	[tilespmem:$0x360] =	vst v4;
	v4 =	vadd.s32 v2, v18  }
0x90: {  	s0 =	rddreg [dreg:$0x18];
	[tilespmem:$0x370] =	vst v4  }
0x91: {  	[tilespmem:s14], [sflag:$0x1] =	stream.indirect.gather [hbm4b:s2+s6], $0x20, s0, s6, $0xb8;
	[tilespmem:$0x10800] =	vst v63  }
0x92: {  	v4 =	vld [tilespmem:$0x380]  }
0x93: {  	v5 =	vld [tilespmem:$0x390]  }
0x94: {  	v19 =	vld [tilespmem:$0x3A0]  }
0x95: {  	v20 =	vld [tilespmem:$0x3B0]  }
0x96: {  	v21 =	vld [tilespmem:$0x3C0]  }
0x97: {  	v22 =	vld [tilespmem:$0x3D0];
	v4 =	vadd.s32 v3, v4  }
0x98: {  	[tilespmem:$0x380] =	vst v4;
	v4 =	vadd.s32 v3, v5;
	v5 =	vld [tilespmem:$0x3E0]  }
0x99: {  	v23 =	vld [tilespmem:$0x3F0];
	[tilespmem:$0x390] =	vst v4;
	v4 =	vadd.s32 v3, v19  }
0x9a: {  	[tilespmem:$0x3A0] =	vst v4;
	v4 =	vadd.s32 v3, v20  }
0x9b: {  	[tilespmem:$0x3B0] =	vst v4;
	v4 =	vadd.s32 v3, v21  }
0x9c: {  	[tilespmem:$0x3C0] =	vst v4;
	v4 =	vadd.s32 v3, v22  }
0x9d: {  	[tilespmem:$0x3D0] =	vst v4;
	v4 =	vadd.s32 v3, v5  }
0x9e: {  	[tilespmem:$0x3E0] =	vst v4;
	v4 =	vadd.s32 v3, v23  }
0x9f: {  	s0 =	rddreg [dreg:$0x19];
	[tilespmem:$0x3F0] =	vst v4  }
0xa0: {  	[tilespmem:s15], [sflag:$0x1] =	stream.indirect.gather [hbm4b:s2+s6], $0x20, s0, s6, $0xb8;
	[tilespmem:$0x10800] =	vst v63  }
0xa1: {  	v4 =	vld [tilespmem:$0x400]  }
0xa2: {  	v5 =	vld [tilespmem:$0x410]  }
0xa3: {  	v24 =	vld [tilespmem:$0x420]  }
0xa4: {  	v25 =	vld [tilespmem:$0x430]  }
0xa5: {  	v26 =	vld [tilespmem:$0x440]  }
0xa6: {  	v27 =	vld [tilespmem:$0x450];
	v4 =	vadd.s32 v0, v4  }
0xa7: {  	[tilespmem:$0x400] =	vst v4;
	v4 =	vadd.s32 v0, v5;
	v5 =	vld [tilespmem:$0x460]  }
0xa8: {  	v28 =	vld [tilespmem:$0x470];
	[tilespmem:$0x410] =	vst v4;
	v4 =	vadd.s32 v0, v24  }
0xa9: {  	[tilespmem:$0x420] =	vst v4;
	v4 =	vadd.s32 v0, v25  }
0xaa: {  	[tilespmem:$0x430] =	vst v4;
	v4 =	vadd.s32 v0, v26  }
0xab: {  	[tilespmem:$0x440] =	vst v4;
	v4 =	vadd.s32 v0, v27  }
0xac: {  	[tilespmem:$0x450] =	vst v4;
	v4 =	vadd.s32 v0, v5  }
0xad: {  	[tilespmem:$0x460] =	vst v4;
	v4 =	vadd.s32 v0, v28  }
0xae: {  	s0 =	rddreg [dreg:$0x1a];
	[tilespmem:$0x470] =	vst v4  }
0xaf: {  	[tilespmem:s16], [sflag:$0x1] =	stream.indirect.gather [hbm4b:s2+s6], $0x20, s0, s6, $0xb8;
	[tilespmem:$0x10800] =	vst v63  }
0xb0: {  	v4 =	vld [tilespmem:$0x480]  }
0xb1: {  	v5 =	vld [tilespmem:$0x490]  }
0xb2: {  	v29 =	vld [tilespmem:$0x4A0]  }
0xb3: {  	v30 =	vld [tilespmem:$0x4B0]  }
0xb4: {  	v31 =	vld [tilespmem:$0x4C0]  }
0xb5: {  	v32 =	vld [tilespmem:$0x4D0];
	v4 =	vadd.s32 v1, v4  }
0xb6: {  	[tilespmem:$0x480] =	vst v4;
	v4 =	vadd.s32 v1, v5;
	v5 =	vld [tilespmem:$0x4E0]  }
0xb7: {  	v33 =	vld [tilespmem:$0x4F0];
	[tilespmem:$0x490] =	vst v4;
	v4 =	vadd.s32 v1, v29  }
0xb8: {  	[tilespmem:$0x4A0] =	vst v4;
	v4 =	vadd.s32 v1, v30  }
0xb9: {  	[tilespmem:$0x4B0] =	vst v4;
	v4 =	vadd.s32 v1, v31  }
0xba: {  	[tilespmem:$0x4C0] =	vst v4;
	v4 =	vadd.s32 v1, v32  }
0xbb: {  	[tilespmem:$0x4D0] =	vst v4;
	v4 =	vadd.s32 v1, v5  }
0xbc: {  	[tilespmem:$0x4E0] =	vst v4;
	v4 =	vadd.s32 v1, v33  }
0xbd: {  	s0 =	rddreg [dreg:$0x1b];
	[tilespmem:$0x4F0] =	vst v4  }
0xbe: {  	[tilespmem:s17], [sflag:$0x1] =	stream.indirect.gather [hbm4b:s2+s6], $0x20, s0, s6, $0xb8;
	[tilespmem:$0x10800] =	vst v63  }
0xbf: {  	v4 =	vld [tilespmem:$0x500]  }
0xc0: {  	v5 =	vld [tilespmem:$0x510]  }
0xc1: {  	v34 =	vld [tilespmem:$0x520]  }
0xc2: {  	v35 =	vld [tilespmem:$0x530]  }
0xc3: {  	v36 =	vld [tilespmem:$0x540]  }
0xc4: {  	v37 =	vld [tilespmem:$0x550];
	v4 =	vadd.s32 v2, v4  }
0xc5: {  	[tilespmem:$0x500] =	vst v4;
	v4 =	vadd.s32 v2, v5;
	v5 =	vld [tilespmem:$0x560]  }
0xc6: {  	v38 =	vld [tilespmem:$0x570];
	[tilespmem:$0x510] =	vst v4;
	v4 =	vadd.s32 v2, v34  }
0xc7: {  	[tilespmem:$0x520] =	vst v4;
	v4 =	vadd.s32 v2, v35  }
0xc8: {  	[tilespmem:$0x530] =	vst v4;
	v4 =	vadd.s32 v2, v36  }
0xc9: {  	[tilespmem:$0x540] =	vst v4;
	v4 =	vadd.s32 v2, v37  }
0xca: {  	[tilespmem:$0x550] =	vst v4;
	v4 =	vadd.s32 v2, v5  }
0xcb: {  	[tilespmem:$0x560] =	vst v4;
	v4 =	vadd.s32 v2, v38  }
0xcc: {  	s0 =	rddreg [dreg:$0x1c];
	[tilespmem:$0x570] =	vst v4  }
0xcd: {  	[tilespmem:s18], [sflag:$0x1] =	stream.indirect.gather [hbm4b:s2+s6], $0x20, s0, s6, $0xb8;
	[tilespmem:$0x10800] =	vst v63  }
0xce: {  	v4 =	vld [tilespmem:$0x580]  }
0xcf: {  	v5 =	vld [tilespmem:$0x590]  }
0xd0: {  	v39 =	vld [tilespmem:$0x5A0]  }
0xd1: {  	v40 =	vld [tilespmem:$0x5B0]  }
0xd2: {  	v41 =	vld [tilespmem:$0x5C0]  }
0xd3: {  	v42 =	vld [tilespmem:$0x5D0];
	v4 =	vadd.s32 v3, v4  }
0xd4: {  	[tilespmem:$0x580] =	vst v4;
	v4 =	vadd.s32 v3, v5;
	v5 =	vld [tilespmem:$0x5E0]  }
0xd5: {  	v43 =	vld [tilespmem:$0x5F0];
	[tilespmem:$0x590] =	vst v4;
	v4 =	vadd.s32 v3, v39  }
0xd6: {  	[tilespmem:$0x5A0] =	vst v4;
	v4 =	vadd.s32 v3, v40  }
0xd7: {  	[tilespmem:$0x5B0] =	vst v4;
	v4 =	vadd.s32 v3, v41  }
0xd8: {  	[tilespmem:$0x5C0] =	vst v4;
	v4 =	vadd.s32 v3, v42  }
0xd9: {  	[tilespmem:$0x5D0] =	vst v4;
	v4 =	vadd.s32 v3, v5  }
0xda: {  	[tilespmem:$0x5E0] =	vst v4;
	v4 =	vadd.s32 v3, v43  }
0xdb: {  	[tilespmem:$0x5F0] =	vst v4  }
0xdc: {  	[tilespmem:s20], [sflag:$0x1] =	stream.indirect.gather [hbm4b:s2+s6], $0x20, s19, s6, $0xb8;
	[tilespmem:$0x10800] =	vst v63  }
0xdd: {  	v4 =	vld [tilespmem:$0x600]  }
0xde: {  	v5 =	vld [tilespmem:$0x610]  }
0xdf: {  	v44 =	vld [tilespmem:$0x620]  }
0xe0: {  	v45 =	vld [tilespmem:$0x630]  }
0xe1: {  	v46 =	vld [tilespmem:$0x640]  }
0xe2: {  	v47 =	vld [tilespmem:$0x650];
	v4 =	vadd.s32 v0, v4  }
0xe3: {  	[tilespmem:$0x600] =	vst v4;
	v4 =	vadd.s32 v0, v5;
	v5 =	vld [tilespmem:$0x660]  }
0xe4: {  	v48 =	vld [tilespmem:$0x670];
	[tilespmem:$0x610] =	vst v4;
	v4 =	vadd.s32 v0, v44  }
0xe5: {  	[tilespmem:$0x620] =	vst v4;
	v4 =	vadd.s32 v0, v45  }
0xe6: {  	[tilespmem:$0x630] =	vst v4;
	v4 =	vadd.s32 v0, v46  }
0xe7: {  	[tilespmem:$0x640] =	vst v4;
	v4 =	vadd.s32 v0, v47  }
0xe8: {  	[tilespmem:$0x650] =	vst v4;
	v4 =	vadd.s32 v0, v5  }
0xe9: {  	[tilespmem:$0x660] =	vst v4;
	v4 =	vadd.s32 v0, v48  }
0xea: {  	[tilespmem:$0x670] =	vst v4  }
0xeb: {  	[tilespmem:s22], [sflag:$0x1] =	stream.indirect.gather [hbm4b:s2+s6], $0x20, s21, s6, $0xb8;
	[tilespmem:$0x10800] =	vst v63  }
0xec: {  	v4 =	vld [tilespmem:$0x680]  }
0xed: {  	v5 =	vld [tilespmem:$0x690]  }
0xee: {  	v49 =	vld [tilespmem:$0x6A0]  }
0xef: {  	v50 =	vld [tilespmem:$0x6B0]  }
0xf0: {  	v51 =	vld [tilespmem:$0x6C0]  }
0xf1: {  	v52 =	vld [tilespmem:$0x6D0];
	v4 =	vadd.s32 v1, v4  }
0xf2: {  	[tilespmem:$0x680] =	vst v4;
	v4 =	vadd.s32 v1, v5;
	v5 =	vld [tilespmem:$0x6E0]  }
0xf3: {  	v53 =	vld [tilespmem:$0x6F0];
	[tilespmem:$0x690] =	vst v4;
	v4 =	vadd.s32 v1, v49  }
0xf4: {  	[tilespmem:$0x6A0] =	vst v4;
	v4 =	vadd.s32 v1, v50  }
0xf5: {  	[tilespmem:$0x6B0] =	vst v4;
	v4 =	vadd.s32 v1, v51  }
0xf6: {  	[tilespmem:$0x6C0] =	vst v4;
	v4 =	vadd.s32 v1, v52  }
0xf7: {  	[tilespmem:$0x6D0] =	vst v4;
	v4 =	vadd.s32 v1, v5  }
0xf8: {  	[tilespmem:$0x6E0] =	vst v4;
	v4 =	vadd.s32 v1, v53  }
0xf9: {  	[tilespmem:$0x6F0] =	vst v4  }
0xfa: {  	[tilespmem:s24], [sflag:$0x1] =	stream.indirect.gather [hbm4b:s2+s6], $0x20, s23, s6, $0xb8;
	[tilespmem:$0x10800] =	vst v63  }
0xfb: {  	v4 =	vld [tilespmem:$0x700]  }
0xfc: {  	v5 =	vld [tilespmem:$0x710]  }
0xfd: {  	v54 =	vld [tilespmem:$0x720]  }
0xfe: {  	v55 =	vld [tilespmem:$0x730]  }
0xff: {  	v56 =	vld [tilespmem:$0x740]  }
0x100: {  	v57 =	vld [tilespmem:$0x750];
	v4 =	vadd.s32 v2, v4  }
0x101: {  	[tilespmem:$0x700] =	vst v4;
	v4 =	vadd.s32 v2, v5;
	v5 =	vld [tilespmem:$0x760]  }
0x102: {  	v58 =	vld [tilespmem:$0x770];
	[tilespmem:$0x710] =	vst v4;
	v4 =	vadd.s32 v2, v54  }
0x103: {  	[tilespmem:$0x720] =	vst v4;
	v4 =	vadd.s32 v2, v55  }
0x104: {  	[tilespmem:$0x730] =	vst v4;
	v4 =	vadd.s32 v2, v56  }
0x105: {  	[tilespmem:$0x740] =	vst v4;
	v4 =	vadd.s32 v2, v57  }
0x106: {  	[tilespmem:$0x750] =	vst v4;
	v4 =	vadd.s32 v2, v5  }
0x107: {  	[tilespmem:$0x760] =	vst v4;
	v4 =	vadd.s32 v2, v58  }
0x108: {  	[tilespmem:$0x770] =	vst v4  }
0x109: {  	[tilespmem:s26], [sflag:$0x1] =	stream.indirect.gather [hbm4b:s2+s6], $0x20, s25, s6, $0xb8;
	[tilespmem:$0x10800] =	vst v63  }
0x10a: {  	v4 =	vld [tilespmem:$0x780]  }
0x10b: {  	v5 =	vld [tilespmem:$0x790]  }
0x10c: {  	v59 =	vld [tilespmem:$0x7A0]  }
0x10d: {  	v60 =	vld [tilespmem:$0x7B0]  }
0x10e: {  	v61 =	vld [tilespmem:$0x7C0]  }
0x10f: {  	v62 =	vld [tilespmem:$0x7D0];
	v4 =	vadd.s32 v3, v4  }
0x110: {  	[tilespmem:$0x780] =	vst v4;
	v4 =	vadd.s32 v3, v5;
	v5 =	vld [tilespmem:$0x7E0]  }
0x111: {  	v63 =	vld [tilespmem:$0x7F0];
	[tilespmem:$0x790] =	vst v4;
	v4 =	vadd.s32 v3, v59  }
0x112: {  	[tilespmem:$0x7A0] =	vst v4;
	v4 =	vadd.s32 v3, v60  }
0x113: {  	[tilespmem:$0x7B0] =	vst v4;
	v4 =	vadd.s32 v3, v61  }
0x114: {  	[tilespmem:$0x7C0] =	vst v4;
	v4 =	vadd.s32 v3, v62  }
0x115: {  	[tilespmem:$0x7D0] =	vst v4;
	v4 =	vadd.s32 v3, v5  }
0x116: {  	[tilespmem:$0x7E0] =	vst v4;
	v4 =	vadd.s32 v3, v63  }
0x117: {  	[tilespmem:$0x7F0] =	vst v4  }
0x118: {  	[tilespmem:s29], [sflag:$0x1] =	stream.indirect.gather [hbm4b:s2+s6], $0x20, s28, s6, $0xb8;
	[tilespmem:$0x10800] =	vst v63  }
0x119: {  	_ =	swait.ge [sflag:s30], $0x1000  }
0x11a: {  	[sflag:s30] =	ssyncset.done $0x0  }
0x11b: {  	s0 =	rddreg [dreg:$0x5];
	[sflag:s30] =	ssyncadd.s32 $0xFFFFF000  }
0x11c: {  	[hbm4b:s0+s31] =	stream.strided.scatter [tilespmem:s7], [sflag:$0x2], $0x1000, s11, s31, $0x38;
	[tilespmem:$0x10800] =	vst v63  }
0x11d: {  	_ =	swait.ge [sflag:s30], $0x1000  }
0x11e: {  	[sflag:s30] =	ssyncset.done $0x0  }
0x11f: {  	s0 =	rddreg [dreg:$0x6];
	[sflag:s30] =	ssyncadd.s32 $0xFFFFF000  }
0x120: {  	[hbm4b:s0+s31] =	stream.strided.scatter [tilespmem:s8], [sflag:$0x2], $0x1000, s11, s31, $0x38;
	[tilespmem:$0x10800] =	vst v63  }
0x121: {  	_ =	swait.ge [sflag:s30], $0x1000  }
0x122: {  	[sflag:s30] =	ssyncset.done $0x0  }
0x123: {  	s0 =	rddreg [dreg:$0x7];
	[sflag:s30] =	ssyncadd.s32 $0xFFFFF000  }
0x124: {  	[hbm4b:s0+s31] =	stream.strided.scatter [tilespmem:s9], [sflag:$0x2], $0x1000, s11, s31, $0x38;
	[tilespmem:$0x10800] =	vst v63  }
0x125: {  	_ =	swait.ge [sflag:s30], $0x1000  }
0x126: {  	[sflag:s30] =	ssyncset.done $0x0  }
0x127: {  	s0 =	rddreg [dreg:$0x8];
	[sflag:s30] =	ssyncadd.s32 $0xFFFFF000  }
0x128: {  	[hbm4b:s0+s31] =	stream.strided.scatter [tilespmem:s10], [sflag:$0x2], $0x1000, s11, s31, $0x38;
	[tilespmem:$0x10800] =	vst v63  }
0x129: {  	_ =	swait.ge [sflag:s30], $0x1000  }
0x12a: {  	[sflag:s30] =	ssyncset.done $0x0  }
0x12b: {  	s0 =	rddreg [dreg:$0x9];
	[sflag:s30] =	ssyncadd.s32 $0xFFFFF000  }
0x12c: {  	[hbm4b:s0+s31] =	stream.strided.scatter [tilespmem:s12], [sflag:$0x2], $0x1000, s11, s31, $0x38;
	[tilespmem:$0x10800] =	vst v63  }
0x12d: {  	_ =	swait.ge [sflag:s30], $0x1000  }
0x12e: {  	[sflag:s30] =	ssyncset.done $0x0  }
0x12f: {  	s0 =	rddreg [dreg:$0xa];
	[sflag:s30] =	ssyncadd.s32 $0xFFFFF000  }
0x130: {  	[hbm4b:s0+s31] =	stream.strided.scatter [tilespmem:s13], [sflag:$0x2], $0x1000, s11, s31, $0x38;
	[tilespmem:$0x10800] =	vst v63  }
0x131: {  	_ =	swait.ge [sflag:s30], $0x1000  }
0x132: {  	[sflag:s30] =	ssyncset.done $0x0  }
0x133: {  	s0 =	rddreg [dreg:$0xb];
	[sflag:s30] =	ssyncadd.s32 $0xFFFFF000  }
0x134: {  	[hbm4b:s0+s31] =	stream.strided.scatter [tilespmem:s14], [sflag:$0x2], $0x1000, s11, s31, $0x38;
	[tilespmem:$0x10800] =	vst v63  }
0x135: {  	_ =	swait.ge [sflag:s30], $0x1000  }
0x136: {  	[sflag:s30] =	ssyncset.done $0x0  }
0x137: {  	s0 =	rddreg [dreg:$0xc];
	[sflag:s30] =	ssyncadd.s32 $0xFFFFF000  }
0x138: {  	[hbm4b:s0+s31] =	stream.strided.scatter [tilespmem:s15], [sflag:$0x2], $0x1000, s11, s31, $0x38;
	[tilespmem:$0x10800] =	vst v63  }
0x139: {  	_ =	swait.ge [sflag:s30], $0x1000  }
0x13a: {  	[sflag:s30] =	ssyncset.done $0x0  }
0x13b: {  	s0 =	rddreg [dreg:$0xd];
	[sflag:s30] =	ssyncadd.s32 $0xFFFFF000  }
0x13c: {  	[hbm4b:s0+s31] =	stream.strided.scatter [tilespmem:s16], [sflag:$0x2], $0x1000, s11, s31, $0x38;
	[tilespmem:$0x10800] =	vst v63  }
0x13d: {  	_ =	swait.ge [sflag:s30], $0x1000  }
0x13e: {  	[sflag:s30] =	ssyncset.done $0x0  }
0x13f: {  	s0 =	rddreg [dreg:$0xe];
	[sflag:s30] =	ssyncadd.s32 $0xFFFFF000  }
0x140: {  	[hbm4b:s0+s31] =	stream.strided.scatter [tilespmem:s17], [sflag:$0x2], $0x1000, s11, s31, $0x38;
	[tilespmem:$0x10800] =	vst v63  }
0x141: {  	_ =	swait.ge [sflag:s30], $0x1000  }
0x142: {  	[sflag:s30] =	ssyncset.done $0x0  }
0x143: {  	s0 =	rddreg [dreg:$0xf];
	[sflag:s30] =	ssyncadd.s32 $0xFFFFF000  }
0x144: {  	[hbm4b:s0+s31] =	stream.strided.scatter [tilespmem:s18], [sflag:$0x2], $0x1000, s11, s31, $0x38;
	[tilespmem:$0x10800] =	vst v63  }
0x145: {  	_ =	swait.ge [sflag:s30], $0x1000  }
0x146: {  	[sflag:s30] =	ssyncset.done $0x0  }
0x147: {  	s0 =	rddreg [dreg:$0x10];
	[sflag:s30] =	ssyncadd.s32 $0xFFFFF000  }
0x148: {  	[hbm4b:s0+s31] =	stream.strided.scatter [tilespmem:s20], [sflag:$0x2], $0x1000, s11, s31, $0x38;
	[tilespmem:$0x10800] =	vst v63  }
0x149: {  	_ =	swait.ge [sflag:s30], $0x1000  }
0x14a: {  	[sflag:s30] =	ssyncset.done $0x0  }
0x14b: {  	s0 =	rddreg [dreg:$0x11];
	[sflag:s30] =	ssyncadd.s32 $0xFFFFF000  }
0x14c: {  	[hbm4b:s0+s31] =	stream.strided.scatter [tilespmem:s22], [sflag:$0x2], $0x1000, s11, s31, $0x38;
	[tilespmem:$0x10800] =	vst v63  }
0x14d: {  	_ =	swait.ge [sflag:s30], $0x1000  }
0x14e: {  	[sflag:s30] =	ssyncset.done $0x0  }
0x14f: {  	s0 =	rddreg [dreg:$0x12];
	[sflag:s30] =	ssyncadd.s32 $0xFFFFF000  }
0x150: {  	[hbm4b:s0+s31] =	stream.strided.scatter [tilespmem:s24], [sflag:$0x2], $0x1000, s11, s31, $0x38;
	[tilespmem:$0x10800] =	vst v63  }
0x151: {  	_ =	swait.ge [sflag:s30], $0x1000  }
0x152: {  	[sflag:s30] =	ssyncset.done $0x0  }
0x153: {  	s0 =	rddreg [dreg:$0x13];
	[sflag:s30] =	ssyncadd.s32 $0xFFFFF000  }
0x154: {  	[hbm4b:s0+s31] =	stream.strided.scatter [tilespmem:s26], [sflag:$0x2], $0x1000, s11, s31, $0x38;
	[tilespmem:$0x10800] =	vst v63  }
0x155: {  	_ =	swait.ge [sflag:s30], $0x1000  }
0x156: {  	[sflag:s30] =	ssyncset.done $0x0  }
0x157: {  	s0 =	rddreg [dreg:$0x14];
	[sflag:s30] =	ssyncadd.s32 $0xFFFFF000  }
0x158: {  	[hbm4b:s0+s31] =	stream.strided.scatter [tilespmem:s29], [sflag:$0x2], $0x1000, s11, s31, $0x38;
	[tilespmem:$0x10800] =	vst v63  }
0x159: {  	_ =	swait.ge [sflag:s1], $0x1000  }
0x15a: {  	[sflag:s1] =	ssyncset.done $0x0  }
0x15b: {  	[sflag:s1] =	ssyncadd.s32 $0xFFFFF000  }
0x15c: {  	_ =	swait.ge [sflag:s1], $0x1000  }
0x15d: {  	[sflag:s1] =	ssyncset.done $0x0  }
0x15e: {  	[sflag:s1] =	ssyncadd.s32 $0xFFFFF000  }
0x15f: {  	_ =	swait.ge [sflag:s1], $0x1000  }
0x160: {  	[sflag:s1] =	ssyncset.done $0x0  }
0x161: {  	[sflag:s1] =	ssyncadd.s32 $0xFFFFF000  }
0x162: {  	_ =	swait.ge [sflag:s1], $0x1000  }
0x163: {  	[sflag:s1] =	ssyncset.done $0x0  }
0x164: {  	[sflag:s1] =	ssyncadd.s32 $0xFFFFF000  }
0x165: {  	_ =	swait.ge [sflag:s1], $0x1000  }
0x166: {  	[sflag:s1] =	ssyncset.done $0x0  }
0x167: {  	[sflag:s1] =	ssyncadd.s32 $0xFFFFF000  }
0x168: {  	_ =	swait.ge [sflag:s1], $0x1000  }
0x169: {  	[sflag:s1] =	ssyncset.done $0x0  }
0x16a: {  	[sflag:s1] =	ssyncadd.s32 $0xFFFFF000  }
0x16b: {  	_ =	swait.ge [sflag:s1], $0x1000  }
0x16c: {  	[sflag:s1] =	ssyncset.done $0x0  }
0x16d: {  	[sflag:s1] =	ssyncadd.s32 $0xFFFFF000  }
0x16e: {  	_ =	swait.ge [sflag:s1], $0x1000  }
0x16f: {  	[sflag:s1] =	ssyncset.done $0x0  }
0x170: {  	[sflag:s1] =	ssyncadd.s32 $0xFFFFF000  }
0x171: {  	_ =	swait.ge [sflag:s1], $0x1000  }
0x172: {  	[sflag:s1] =	ssyncset.done $0x0  }
0x173: {  	[sflag:s1] =	ssyncadd.s32 $0xFFFFF000  }
0x174: {  	_ =	swait.ge [sflag:s1], $0x1000  }
0x175: {  	[sflag:s1] =	ssyncset.done $0x0  }
0x176: {  	[sflag:s1] =	ssyncadd.s32 $0xFFFFF000  }
0x177: {  	_ =	swait.ge [sflag:s1], $0x1000  }
0x178: {  	[sflag:s1] =	ssyncset.done $0x0  }
0x179: {  	[sflag:s1] =	ssyncadd.s32 $0xFFFFF000  }
0x17a: {  	_ =	swait.ge [sflag:s1], $0x1000  }
0x17b: {  	[sflag:s1] =	ssyncset.done $0x0  }
0x17c: {  	[sflag:s1] =	ssyncadd.s32 $0xFFFFF000  }
0x17d: {  	_ =	swait.ge [sflag:s1], $0x1000  }
0x17e: {  	[sflag:s1] =	ssyncset.done $0x0  }
0x17f: {  	[sflag:s1] =	ssyncadd.s32 $0xFFFFF000  }
0x180: {  	_ =	swait.ge [sflag:s1], $0x1000  }
0x181: {  	[sflag:s1] =	ssyncset.done $0x0  }
0x182: {  	[sflag:s1] =	ssyncadd.s32 $0xFFFFF000  }
0x183: {  	p0 =	sne.s32 s4, $0x1;
	_ =	swait.ge [sflag:s1], $0x1000  }
.Ltmp0:
0x184: {  	[sflag:s1] =	ssyncset.done $0x0;
	(pc) =	sbr.rel @p0 .LBB2_1-.Ltmp0, $4  }
0x185: {  	[sflag:s1] =	ssyncadd.s32 $0xFFFFF000  }
0x186: {  	_ =	swait.ge [sflag:s1], $0x1000  }
0x187: {  	[sflag:s1] =	ssyncset.done $0x0  }
0x188: {  	s4 =	sadd.s32 $0xFFFFFFFF, s4;
	[sflag:s1] =	ssyncadd.s32 $0xFFFFF000  }
0x189: {  	_ =	sfence.sel $0x180000  }
0x18a: {  	[bflag:$0x0] =	sbarrier.arrive $0xFFFF  }
0x18b: {  	_ =	strace $0x90000047  }
0x18c: {  	s0 =	stileid.u32;
	[bflag:$0x2] =	sbarrier.arrive $0xFFFF  }
0x18d: {  	p0 =	sne.s32 s0, $0x0;
	s0 =	rddreg [dreg:$0x3]  }
0x18e: {  	s0 =	sadd.s32 @!p0 $0x100000, s0  }
0x18f: {  	[sflag:s0] =	ssyncadd.tile.s32 @!p0 $0x1;
	_ =	shalt  }
.Lfunc_end2:
_tile_overlayer_lowered:
.L_overlay_start_2:
0x190: {  	(tag) =	ssettag $0x2  }
0x191: {  	s0 =	rddreg [dreg:$0x0];
	s2 =	stileid.u32  }
0x192: {  	s1 =	rddreg [dreg:$0x1];
	p0 =	sne.s32 s2, $0x0  }
0x193: {  	s3 =	rddreg [dreg:$0x2];
	[bflag:$0x3] =	sbarrier.arrive $0xFFFF;
	s2 =	simm.s32 @!p0 $0x1C03  }
0x194: {  	[timem:s3], [sflag:s2] =	dma.local @!p0 [hbm:s0], s1  }
0x195: {  	s0 =	simm.s32 @!p0 $0x3  }
0x196: {  	_ =	swait.ge @!p0 [sflag:s0], s1  }
0x197: {  	s1 =	ssub.s32 @!p0 $0x0, s1;
	[sflag:s0] =	ssyncset.done @!p0 $0x0  }
0x198: {  	[sflag:s0] =	ssyncadd.s32 @!p0 s1  }
0x199: {  	[bflag:$0x3] =	sbarrier.arrive $0xFFFF  }
0x19a: {  	_ =	shalt  }

</sc_bundles>
